<compile_context>
chip_gen: v7x
topology: tpu7x:2x2x1
jax: 0.10.2.dev20260603
libtpu: 0.0.44.dev20260713+nightly
codegen_flags: <defaults>
</compile_context>

<pallas_src>
import functools

import jax
import jax.numpy as jnp
from jax import lax
from jax.experimental import pallas as pl
from jax.experimental.pallas import tpu as pltpu
from jax.experimental.pallas import tpu_sc as plsc

H = 128
N = 10000
E = 160000
EW = 80000

BN = 2000
BE = 4000

_SC_INFO = plsc.get_sparse_core_info()
NC = _SC_INFO.num_cores
NS = _SC_INFO.num_subcores
NW = NC * NS
GCH = 512
SCH = 128

NP = 10240
_RPT = NP // 16


def _sc_gather(table, idx2d, n_rows):
    nchunks = n_rows // GCH
    mesh = plsc.VectorSubcoreMesh(core_axis_name="c", subcore_axis_name="s")

    @functools.partial(
        pl.kernel, mesh=mesh,
        out_type=jax.ShapeDtypeStruct((n_rows, H), jnp.float32),
        scratch_types=[
            pltpu.VMEM((GCH,), jnp.int32),
            pltpu.VMEM((GCH, H), jnp.float32),
            pltpu.SemaphoreType.DMA,
        ],
    )
    def k(table_hbm, idx_hbm, out_hbm, idx_v, rows_v, sem):
        wid = lax.axis_index("s") * NC + lax.axis_index("c")
        nt = (nchunks - wid + NW - 1) // NW

        def body(i, _):
            j = wid + i * NW
            pltpu.sync_copy(idx_hbm.at[j], idx_v)
            pltpu.async_copy(table_hbm.at[idx_v], rows_v, sem).wait()
            pltpu.sync_copy(rows_v, out_hbm.at[pl.ds(j * GCH, GCH)])
            return 0

        lax.fori_loop(0, nt, body, 0)

    return k(table, idx2d)


def _sc_segment_sum(attr, idx2d, zeros):
    nchunks = idx2d.shape[0]
    mesh = plsc.VectorSubcoreMesh(core_axis_name="c", subcore_axis_name="s")

    @functools.partial(
        pl.kernel, mesh=mesh,
        out_type=jax.ShapeDtypeStruct((NC, NP, H), jnp.float32),
        scratch_types=[
            pltpu.VMEM_SHARED((NP, H), jnp.float32),
            pltpu.VMEM((SCH,), jnp.int32),
            pltpu.VMEM((SCH, H), jnp.float32),
        ],
    )
    def k(attr_hbm, idx_hbm, zeros_hbm, out_hbm, acc, idx_v, rows_v):
        c = lax.axis_index("c")
        s = lax.axis_index("s")
        wid = s * NC + c
        pltpu.sync_copy(zeros_hbm.at[pl.ds(s * _RPT, _RPT)],
                        acc.at[pl.ds(s * _RPT, _RPT)])
        plsc.subcore_barrier()
        nt = (nchunks - wid + NW - 1) // NW

        def body(i, _):
            j = wid + i * NW
            pltpu.sync_copy(idx_hbm.at[j], idx_v)
            pltpu.sync_copy(attr_hbm.at[pl.ds(j * SCH, SCH)], rows_v)
            pltpu.sync_copy(rows_v, acc.at[idx_v], add=True)
            return 0

        lax.fori_loop(0, nt, body, 0)
        plsc.subcore_barrier()
        for kk in range(_RPT // SCH):
            off = s * _RPT + kk * SCH
            pltpu.sync_copy(acc.at[pl.ds(off, SCH)], rows_v)
            pltpu.sync_copy(rows_v, out_hbm.at[c, pl.ds(off, SCH)])

    return k(attr, idx2d, zeros)


def _proj_body(x_ref, w_ref, out_ref):
    xb = x_ref[...]
    for k in range(5):
        out_ref[k] = jnp.dot(xb, w_ref[:, k * H:(k + 1) * H],
                             preferred_element_type=jnp.float32)


def _proj(x, wcat):
    return pl.pallas_call(
        _proj_body,
        grid=(N // BN,),
        in_specs=[
            pl.BlockSpec((BN, H), lambda i: (i, 0)),
            pl.BlockSpec((H, 5 * H), lambda i: (0, 0)),
        ],
        out_specs=pl.BlockSpec((5, BN, H), lambda i: (0, i, 0)),
        out_shape=jax.ShapeDtypeStruct((5, N, H), jnp.float32),
    )(x, wcat)


def _edge_mlp_body(gs_ref, gd_ref, ea_ref, w1c_ref, b1_ref, w2_ref, b2_ref,
                   g_ref, bln_ref, enew_ref, eout_ref):
    ea = ea_ref[...]
    pre = (gs_ref[...] + gd_ref[...] + b1_ref[...]
           + jnp.dot(ea, w1c_ref[...], preferred_element_type=jnp.float32))
    h = jnp.maximum(pre, 0.0)
    z = jnp.dot(h, w2_ref[...], preferred_element_type=jnp.float32) + b2_ref[...]
    mu = jnp.mean(z, axis=-1, keepdims=True)
    var = jnp.mean((z - mu) ** 2, axis=-1, keepdims=True)
    e_new = (z - mu) * jax.lax.rsqrt(var + 1e-5) * g_ref[...] + bln_ref[...]
    enew_ref[...] = e_new
    eout_ref[...] = ea + e_new


def _edge_mlp(g_all, attr, row0_src, row0_dst, w1c, b1, w2, b2, gg, bln, n_rows):
    wspec = pl.BlockSpec((H, H), lambda i: (0, 0))
    bspec = pl.BlockSpec((1, H), lambda i: (0, 0))
    return pl.pallas_call(
        _edge_mlp_body,
        grid=(n_rows // BE,),
        in_specs=[
            pl.BlockSpec((BE, H), lambda i, r=row0_src // BE: (r + i, 0)),
            pl.BlockSpec((BE, H), lambda i, r=row0_dst // BE: (r + i, 0)),
            pl.BlockSpec((BE, H), lambda i: (i, 0)),
            wspec, bspec, wspec, bspec, bspec, bspec,
        ],
        out_specs=[
            pl.BlockSpec((BE, H), lambda i: (i, 0)),
            pl.BlockSpec((BE, H), lambda i: (i, 0)),
        ],
        out_shape=[
            jax.ShapeDtypeStruct((n_rows, H), jnp.float32),
            jax.ShapeDtypeStruct((n_rows, H), jnp.float32),
        ],
    )(g_all, g_all, attr, w1c, b1.reshape(1, H), w2, b2.reshape(1, H),
      gg.reshape(1, H), bln.reshape(1, H))


def _node_mlp_body(x_ref, t_ref, ae0_ref, ae1_ref, aw0_ref, aw1_ref,
                   w1b_ref, w1c_ref, b1_ref, w2_ref, b2_ref, g_ref, bln_ref,
                   out_ref):
    ae = ae0_ref[0] + ae1_ref[0]
    aw = aw0_ref[0] + aw1_ref[0]
    pre = (t_ref[0] + b1_ref[...]
           + jnp.dot(ae, w1b_ref[...], preferred_element_type=jnp.float32)
           + jnp.dot(aw, w1c_ref[...], preferred_element_type=jnp.float32))
    h = jnp.maximum(pre, 0.0)
    z = jnp.dot(h, w2_ref[...], preferred_element_type=jnp.float32) + b2_ref[...]
    mu = jnp.mean(z, axis=-1, keepdims=True)
    var = jnp.mean((z - mu) ** 2, axis=-1, keepdims=True)
    x_new = (z - mu) * jax.lax.rsqrt(var + 1e-5) * g_ref[...] + bln_ref[...]
    out_ref[...] = x_ref[...] + x_new


def _node_mlp(x, t, agg_e, agg_w, w1b, w1c, b1, w2, b2, gg, bln):
    wspec = pl.BlockSpec((H, H), lambda i: (0, 0))
    bspec = pl.BlockSpec((1, H), lambda i: (0, 0))
    agg0 = pl.BlockSpec((1, BN, H), lambda i: (0, i, 0))
    agg1 = pl.BlockSpec((1, BN, H), lambda i: (1, i, 0))
    return pl.pallas_call(
        _node_mlp_body,
        grid=(N // BN,),
        in_specs=[
            pl.BlockSpec((BN, H), lambda i: (i, 0)),
            pl.BlockSpec((1, BN, H), lambda i: (4, i, 0)),
            agg0, agg1, agg0, agg1,
            wspec, wspec, bspec, wspec, bspec, bspec, bspec,
        ],
        out_specs=pl.BlockSpec((BN, H), lambda i: (i, 0)),
        out_shape=jax.ShapeDtypeStruct((N, H), jnp.float32),
    )(x, t, agg_e, agg_e, agg_w, agg_w, w1b, w1c, b1.reshape(1, H), w2,
      b2.reshape(1, H), gg.reshape(1, H), bln.reshape(1, H))


def kernel(x, edge_index, edge_attr, edge_world_index, edge_world_attr,
           emb_W1, emb_b1, emb_W2, emb_b2, emb_g, emb_bln,
           ewb_W1, ewb_b1, ewb_W2, ewb_b2, ewb_g, ewb_bln,
           nb_W1, nb_b1, nb_W2, nb_b2, nb_g, nb_bln):
    src, dst = edge_index[0], edge_index[1]
    wsrc, wdst = edge_world_index[0], edge_world_index[1]

    wcat = jnp.concatenate([
        emb_W1[:H], emb_W1[H:2 * H],
        ewb_W1[:H], ewb_W1[H:2 * H],
        nb_W1[:H],
    ], axis=1)

    t = _proj(x, wcat)
    tf = t.reshape(5 * N, H)

    nm = ((2 * E + GCH - 1) // GCH) * GCH
    nw = ((2 * EW + GCH - 1) // GCH) * GCH
    idx_m = jnp.concatenate([src, dst + N,
                             jnp.zeros((nm - 2 * E,), jnp.int32)])
    idx_w = jnp.concatenate([wsrc + 2 * N, wdst + 3 * N,
                             jnp.zeros((nw - 2 * EW,), jnp.int32)])

    g_m = _sc_gather(tf, idx_m.reshape(nm // GCH, GCH), nm)
    g_w = _sc_gather(tf, idx_w.reshape(nw // GCH, GCH), nw)

    e_new, e_out = _edge_mlp(g_m, edge_attr, 0, E,
                             emb_W1[2 * H:], emb_b1, emb_W2, emb_b2,
                             emb_g, emb_bln, E)
    ew_new, ew_out = _edge_mlp(g_w, edge_world_attr, 0, EW,
                               ewb_W1[2 * H:], ewb_b1, ewb_W2, ewb_b2,
                               ewb_g, ewb_bln, EW)

    zeros = jnp.zeros((NP, H), jnp.float32)
    agg_e = _sc_segment_sum(e_new, dst.reshape(E // SCH, SCH), zeros)
    agg_w = _sc_segment_sum(ew_new, wdst.reshape(EW // SCH, SCH), zeros)

    x_out = _node_mlp(x, t, agg_e, agg_w,
                      nb_W1[H:2 * H], nb_W1[2 * H:], nb_b1, nb_W2, nb_b2,
                      nb_g, nb_bln)
    return (x_out, e_out, ew_out)

# --- scband reference (transcript-rebuilt; emitter-appended) ---
"""Pipeline reference for scband-gn-block-23493471109967 (READ-ONLY COPY).

The authoritative reference and input builder live on the scoring server;
editing this copy changes nothing except your own understanding.
"""

import jax, jax.numpy as jnp
import numpy as np

H = 128
N = 10000
E = 160000
EW = 80000


def _mlp(h, W1, b1, W2, b2, g, b):
    z = jnp.maximum(h @ W1 + b1, 0.0) @ W2 + b2
    mu = jnp.mean(z, axis=-1, keepdims=True)
    var = jnp.var(z, axis=-1, keepdims=True)
    return (z - mu) / jnp.sqrt(var + 1e-5) * g + b


def setup_inputs(seed: int = 0):
    key = jax.random.key(seed)
    ks = jax.random.split(key, 16)
    inp = {}
    inp["x"] = jax.random.normal(ks[0], (N, H), dtype=jnp.float32)
    inp["edge_index"] = jax.random.randint(ks[1], (2, E), 0, N)
    inp["edge_attr"] = jax.random.normal(ks[2], (E, H), dtype=jnp.float32)
    inp["edge_world_index"] = jax.random.randint(ks[3], (2, EW), 0, N)
    inp["edge_world_attr"] = jax.random.normal(ks[4], (EW, H), dtype=jnp.float32)
    i = 5
    for name in ("emb", "ewb", "nb"):
        inp[name + "_W1"] = jax.random.normal(ks[i], (3 * H, H), dtype=jnp.float32) / np.sqrt(3 * H)
        inp[name + "_b1"] = jnp.zeros((H,), jnp.float32)
        inp[name + "_W2"] = jax.random.normal(ks[i + 1], (H, H), dtype=jnp.float32) / np.sqrt(H)
        inp[name + "_b2"] = jnp.zeros((H,), jnp.float32)
        inp[name + "_g"] = jnp.ones((H,), jnp.float32)
        inp[name + "_bln"] = jnp.zeros((H,), jnp.float32)
        i += 2
    return inp


def reference(x, edge_index, edge_attr, edge_world_index, edge_world_attr,
              emb_W1, emb_b1, emb_W2, emb_b2, emb_g, emb_bln,
              ewb_W1, ewb_b1, ewb_W2, ewb_b2, ewb_g, ewb_bln,
              nb_W1, nb_b1, nb_W2, nb_b2, nb_g, nb_bln):
    src, dst = edge_index[0], edge_index[1]
    wsrc, wdst = edge_world_index[0], edge_world_index[1]
    # EdgeMeshBlock: update mesh edge features from endpoint node features
    e_new = _mlp(jnp.concatenate([x[src], x[dst], edge_attr], axis=-1),
                 emb_W1, emb_b1, emb_W2, emb_b2, emb_g, emb_bln)
    # EdgeWorldBlock: update world edge features
    ew_new = _mlp(jnp.concatenate([x[wsrc], x[wdst], edge_world_attr], axis=-1),
                  ewb_W1, ewb_b1, ewb_W2, ewb_b2, ewb_g, ewb_bln)
    # NodeBlock: aggregate incoming mesh + world edges, update nodes
    agg_e = jax.ops.segment_sum(e_new, dst, num_segments=N)
    agg_w = jax.ops.segment_sum(ew_new, wdst, num_segments=N)
    x_new = _mlp(jnp.concatenate([x, agg_e, agg_w], axis=-1),
                 nb_W1, nb_b1, nb_W2, nb_b2, nb_g, nb_bln)
    # residual connections (graph_last + graph)
    return (x + x_new, edge_attr + e_new, edge_world_attr + ew_new)

if __name__ == "__main__":
    import jax
    _d = setup_inputs()
    print(jax.jit(kernel)(*tuple(_d.values())))

</pallas_src>

<mosaic_0001>
#map = affine_map<(d0, d1) -> (0, 0)>
#map1 = affine_map<(d0, d1) -> (0, 0, 0)>
module attributes {stable_mosaic.version = 14 : i64} {
  func.func @k(%arg0: i32, %arg1: i32, %arg2: memref<160000x128xf32, #tpu.memory_space<hbm>>, %arg3: memref<1250x128xi32, #tpu.memory_space<hbm>>, %arg4: memref<10240x128xf32, #tpu.memory_space<hbm>>, %arg5: memref<2x10240x128xf32, #tpu.memory_space<hbm>>, %arg6: memref<10240x128xf32, #tpu.memory_space<vmem_shared>>, %arg7: memref<128xi32, #tpu.memory_space<vmem>>, %arg8: memref<128x128xf32, #tpu.memory_space<vmem>>) attributes {dimension_semantics = [#tpu.dimension_semantics<core_parallel>, #tpu.dimension_semantics<subcore_parallel>], iteration_bounds = array<i64: 2, 16>, scalar_prefetch = 0 : i64, scratch_operands = 3 : i64, tpu.core_type = #tpu.core_type<sc_vector_subcore>, window_params = [{transform_indices = #map}, {transform_indices = #map}, {transform_indices = #map}, {transform_indices = #map1}]} {
    %mul3A = arith.constant 2 : i32
    %mul3A_0 = arith.muli %arg1, %mul3A : i32
    %add3A = arith.addi %mul3A_0, %arg0 : i32
    %mul3A_1 = arith.constant 640 : i32
    %mul3A_2 = arith.muli %arg1, %mul3A_1 : i32
    %mul3A_3 = arith.constant 640 : i32
    %mul3A_4 = arith.muli %arg1, %mul3A_3 : i32
    "tpu.region"() ({
      %run_scoped3A = tpu.sem_alloc : memref<!tpu.dma_semaphore, #tpu.memory_space<semaphore_mem>>
      %dma_start3A = arith.constant 0 : i32
      %dma_start3A_59 = tpu.memref_slice %arg6[%mul3A_4, %dma_start3A] : memref<10240x128xf32, #tpu.memory_space<vmem_shared>> -> memref<640x128xf32, #tpu.memory_space<vmem_shared>>
      %dma_start3A_60 = arith.constant 0 : i32
      %dma_start3A_61 = tpu.memref_slice %arg4[%mul3A_2, %dma_start3A_60] : memref<10240x128xf32, #tpu.memory_space<hbm>> -> memref<640x128xf32, #tpu.memory_space<hbm>>
      tpu.enqueue_dma source(%dma_start3A_61 : memref<640x128xf32, #tpu.memory_space<hbm>>) target(%dma_start3A_59 : memref<640x128xf32, #tpu.memory_space<vmem_shared>>) target_semaphore(%run_scoped3A : memref<!tpu.dma_semaphore, #tpu.memory_space<semaphore_mem>>)
      %dma_wait3A = arith.constant 0 : i32
      %dma_wait3A_62 = tpu.memref_slice %arg6[%mul3A_4, %dma_wait3A] : memref<10240x128xf32, #tpu.memory_space<vmem_shared>> -> memref<640x128xf32, #tpu.memory_space<vmem_shared>>
      %dma_wait3A_63 = arith.constant 0 : i32
      %dma_wait3A_64 = tpu.memref_slice %arg4[%mul3A_2, %dma_wait3A_63] : memref<10240x128xf32, #tpu.memory_space<hbm>> -> memref<640x128xf32, #tpu.memory_space<hbm>>
      tpu.wait_dma2 semaphore(%run_scoped3A : memref<!tpu.dma_semaphore, #tpu.memory_space<semaphore_mem>>) src(%dma_wait3A_64 : memref<640x128xf32, #tpu.memory_space<hbm>>) dst(%dma_wait3A_62 : memref<640x128xf32, #tpu.memory_space<vmem_shared>>)
      tpu.yield
    }) : () -> ()
    %barrier3A = arith.constant 0 : index
    tpu.barrier barrier_id(%barrier3A)
    %sub3A = arith.constant 1250 : i32
    %sub3A_5 = arith.subi %sub3A, %add3A : i32
    %add3A_6 = arith.constant 32 : i32
    %add3A_7 = arith.addi %sub3A_5, %add3A_6 : i32
    %sub3A_8 = arith.constant 1 : i32
    %sub3A_9 = arith.subi %add3A_7, %sub3A_8 : i32
    %jit3A = arith.constant 32 : i32
    %div3A = arith.divsi %sub3A_9, %jit3A : i32
    %sign3A = arith.constant 0 : i32
    %sign3A_10 = arith.cmpi sgt, %sub3A_9, %sign3A : i32
    %sign3A_11 = arith.extui %sign3A_10 : i1 to i32
    %sign3A_12 = arith.constant 0 : i32
    %sign3A_13 = arith.cmpi slt, %sub3A_9, %sign3A_12 : i32
    %sign3A_14 = arith.extui %sign3A_13 : i1 to i32
    %sign3A_15 = arith.subi %sign3A_11, %sign3A_14 : i32
    %sign3A_16 = arith.constant 0 : i32
    %sign3A_17 = arith.cmpi sgt, %jit3A, %sign3A_16 : i32
    %sign3A_18 = arith.extui %sign3A_17 : i1 to i32
    %sign3A_19 = arith.constant 0 : i32
    %sign3A_20 = arith.cmpi slt, %jit3A, %sign3A_19 : i32
    %sign3A_21 = arith.extui %sign3A_20 : i1 to i32
    %sign3A_22 = arith.subi %sign3A_18, %sign3A_21 : i32
    %ne3A = arith.cmpi ne, %sign3A_15, %sign3A_22 : i32
    %rem3A = arith.remsi %sub3A_9, %jit3A : i32
    %ne3A_23 = arith.constant 0 : i32
    %ne3A_24 = arith.cmpi ne, %rem3A, %ne3A_23 : i32
    %and3A = arith.andi %ne3A, %ne3A_24 : i1
    %sub3A_25 = arith.constant 1 : i32
    %sub3A_26 = arith.subi %div3A, %sub3A_25 : i32
    %select_n3A = arith.select %and3A, %sub3A_26, %div3A : i32
    %while3A = arith.constant 0 : i32
    %while3A_27 = arith.constant 0 : i32
    %while3A_28 = arith.subi %select_n3A, %while3A : i32
    %while3A_29 = arith.addi %while3A, %while3A_28 : i32
    %while3A_30 = arith.constant 1 : i32
    %while3A_31 = arith.divsi %while3A_28, %while3A_30 : i32
    %while3A_32 = arith.muli %while3A_31, %while3A_30 : i32
    %while3A_33 = arith.addi %while3A, %while3A_32 : i32
    %while3A_34 = arith.constant 1 : i32
    %while3A_35 = scf.for %while3A_59 = %while3A to %while3A_33 step %while3A_34 iter_args(%while3A_60 = %while3A_27) -> (i32)  : i32 {
      %mul3A_61 = arith.constant 32 : i32
      %mul3A_62 = arith.muli %while3A_59, %mul3A_61 : i32
      %add3A_63 = arith.addi %add3A, %mul3A_62 : i32
      "tpu.region"() ({
        %run_scoped3A = tpu.sem_alloc : memref<!tpu.dma_semaphore, #tpu.memory_space<semaphore_mem>>
        %dma_start3A = arith.constant 0 : i32
        %dma_start3A_67 = tpu.memref_slice %arg3[%add3A_63, %dma_start3A] : memref<1250x128xi32, #tpu.memory_space<hbm>> -> memref<1x128xi32, #tpu.memory_space<hbm>>
        %dma_start3A_68 = tpu.memref_squeeze %dma_start3A_67 : memref<1x128xi32, #tpu.memory_space<hbm>> -> memref<128xi32, #tpu.memory_space<hbm>>
        %dma_start3A_69 = arith.constant 0 : i32
        %dma_start3A_70 = tpu.memref_slice %arg3[%add3A_63, %dma_start3A_69] : memref<1250x128xi32, #tpu.memory_space<hbm>> -> memref<1x128xi32, #tpu.memory_space<hbm>>
        %dma_start3A_71 = tpu.memref_squeeze %dma_start3A_70 : memref<1x128xi32, #tpu.memory_space<hbm>> -> memref<128xi32, #tpu.memory_space<hbm>>
        tpu.enqueue_dma source(%dma_start3A_71 : memref<128xi32, #tpu.memory_space<hbm>>) target(%arg7 : memref<128xi32, #tpu.memory_space<vmem>>) target_semaphore(%run_scoped3A : memref<!tpu.dma_semaphore, #tpu.memory_space<semaphore_mem>>)
        %dma_wait3A = arith.constant 0 : i32
        %dma_wait3A_72 = tpu.memref_slice %arg3[%add3A_63, %dma_wait3A] : memref<1250x128xi32, #tpu.memory_space<hbm>> -> memref<1x128xi32, #tpu.memory_space<hbm>>
        %dma_wait3A_73 = tpu.memref_squeeze %dma_wait3A_72 : memref<1x128xi32, #tpu.memory_space<hbm>> -> memref<128xi32, #tpu.memory_space<hbm>>
        %dma_wait3A_74 = arith.constant 0 : i32
        %dma_wait3A_75 = tpu.memref_slice %arg3[%add3A_63, %dma_wait3A_74] : memref<1250x128xi32, #tpu.memory_space<hbm>> -> memref<1x128xi32, #tpu.memory_space<hbm>>
        %dma_wait3A_76 = tpu.memref_squeeze %dma_wait3A_75 : memref<1x128xi32, #tpu.memory_space<hbm>> -> memref<128xi32, #tpu.memory_space<hbm>>
        tpu.wait_dma2 semaphore(%run_scoped3A : memref<!tpu.dma_semaphore, #tpu.memory_space<semaphore_mem>>) src(%dma_wait3A_76 : memref<128xi32, #tpu.memory_space<hbm>>) dst(%arg7 : memref<128xi32, #tpu.memory_space<vmem>>)
        tpu.yield
      }) : () -> ()
      %mul3A_64 = arith.constant 128 : i32
      %mul3A_65 = arith.muli %add3A_63, %mul3A_64 : i32
      "tpu.region"() ({
        %run_scoped3A = tpu.sem_alloc : memref<!tpu.dma_semaphore, #tpu.memory_space<semaphore_mem>>
        %dma_start3A = arith.constant 0 : i32
        %dma_start3A_67 = tpu.memref_slice %arg2[%mul3A_65, %dma_start3A] : memref<160000x128xf32, #tpu.memory_space<hbm>> -> memref<128x128xf32, #tpu.memory_space<hbm>>
        %dma_start3A_68 = arith.constant 0 : i32
        %dma_start3A_69 = tpu.memref_slice %arg2[%mul3A_65, %dma_start3A_68] : memref<160000x128xf32, #tpu.memory_space<hbm>> -> memref<128x128xf32, #tpu.memory_space<hbm>>
        tpu.enqueue_dma source(%dma_start3A_69 : memref<128x128xf32, #tpu.memory_space<hbm>>) target(%arg8 : memref<128x128xf32, #tpu.memory_space<vmem>>) target_semaphore(%run_scoped3A : memref<!tpu.dma_semaphore, #tpu.memory_space<semaphore_mem>>)
        %dma_wait3A = arith.constant 0 : i32
        %dma_wait3A_70 = tpu.memref_slice %arg2[%mul3A_65, %dma_wait3A] : memref<160000x128xf32, #tpu.memory_space<hbm>> -> memref<128x128xf32, #tpu.memory_space<hbm>>
        %dma_wait3A_71 = arith.constant 0 : i32
        %dma_wait3A_72 = tpu.memref_slice %arg2[%mul3A_65, %dma_wait3A_71] : memref<160000x128xf32, #tpu.memory_space<hbm>> -> memref<128x128xf32, #tpu.memory_space<hbm>>
        tpu.wait_dma2 semaphore(%run_scoped3A : memref<!tpu.dma_semaphore, #tpu.memory_space<semaphore_mem>>) src(%dma_wait3A_72 : memref<128x128xf32, #tpu.memory_space<hbm>>) dst(%arg8 : memref<128x128xf32, #tpu.memory_space<vmem>>)
        tpu.yield
      }) : () -> ()
      "tpu.region"() ({
        %run_scoped3A = tpu.sem_alloc : memref<!tpu.dma_semaphore, #tpu.memory_space<semaphore_mem>>
        %dma_start3A = arith.constant 0 : i32
        %dma_start3A_67 = arith.constant 0 : i32
        %dma_start3A_68 = tpu.memref_slice %arg6[%dma_start3A, %dma_start3A_67] : memref<10240x128xf32, #tpu.memory_space<vmem_shared>> -> memref<10240x128xf32, #tpu.memory_space<vmem_shared>>
        tpu.enqueue_indirect_dma source(%arg8 : memref<128x128xf32, #tpu.memory_space<vmem>>) target(%dma_start3A_68 : memref<10240x128xf32, #tpu.memory_space<vmem_shared>>) offsets(%arg7 : memref<128xi32, #tpu.memory_space<vmem>>) semaphore(%run_scoped3A : memref<!tpu.dma_semaphore, #tpu.memory_space<semaphore_mem>>) {add = true}
        %dma_wait3A = arith.constant 0 : i32
        %dma_wait3A_69 = arith.constant 0 : i32
        %dma_wait3A_70 = tpu.memref_slice %arg6[%dma_wait3A, %dma_wait3A_69] : memref<10240x128xf32, #tpu.memory_space<vmem_shared>> -> memref<10240x128xf32, #tpu.memory_space<vmem_shared>>
        tpu.wait_indirect_dma semaphore(%run_scoped3A : memref<!tpu.dma_semaphore, #tpu.memory_space<semaphore_mem>>) src(%arg8 : memref<128x128xf32, #tpu.memory_space<vmem>>) dst(%dma_wait3A_70 : memref<10240x128xf32, #tpu.memory_space<vmem_shared>>)
        tpu.yield
      }) : () -> ()
      %while3A_66 = arith.constant 0 : i32
      scf.yield %while3A_66 : i32
    }
    %while3A_36 = arith.constant 1 : i32
    %while3A_37 = scf.for %while3A_59 = %while3A_33 to %while3A_29 step %while3A_36 iter_args(%while3A_60 = %while3A_35) -> (i32)  : i32 {
      %mul3A_61 = arith.constant 32 : i32
      %mul3A_62 = arith.muli %while3A_59, %mul3A_61 : i32
      %add3A_63 = arith.addi %add3A, %mul3A_62 : i32
      "tpu.region"() ({
        %run_scoped3A = tpu.sem_alloc : memref<!tpu.dma_semaphore, #tpu.memory_space<semaphore_mem>>
        %dma_start3A = arith.constant 0 : i32
        %dma_start3A_67 = tpu.memref_slice %arg3[%add3A_63, %dma_start3A] : memref<1250x128xi32, #tpu.memory_space<hbm>> -> memref<1x128xi32, #tpu.memory_space<hbm>>
        %dma_start3A_68 = tpu.memref_squeeze %dma_start3A_67 : memref<1x128xi32, #tpu.memory_space<hbm>> -> memref<128xi32, #tpu.memory_space<hbm>>
        %dma_start3A_69 = arith.constant 0 : i32
        %dma_start3A_70 = tpu.memref_slice %arg3[%add3A_63, %dma_start3A_69] : memref<1250x128xi32, #tpu.memory_space<hbm>> -> memref<1x128xi32, #tpu.memory_space<hbm>>
        %dma_start3A_71 = tpu.memref_squeeze %dma_start3A_70 : memref<1x128xi32, #tpu.memory_space<hbm>> -> memref<128xi32, #tpu.memory_space<hbm>>
        tpu.enqueue_dma source(%dma_start3A_71 : memref<128xi32, #tpu.memory_space<hbm>>) target(%arg7 : memref<128xi32, #tpu.memory_space<vmem>>) target_semaphore(%run_scoped3A : memref<!tpu.dma_semaphore, #tpu.memory_space<semaphore_mem>>)
        %dma_wait3A = arith.constant 0 : i32
        %dma_wait3A_72 = tpu.memref_slice %arg3[%add3A_63, %dma_wait3A] : memref<1250x128xi32, #tpu.memory_space<hbm>> -> memref<1x128xi32, #tpu.memory_space<hbm>>
        %dma_wait3A_73 = tpu.memref_squeeze %dma_wait3A_72 : memref<1x128xi32, #tpu.memory_space<hbm>> -> memref<128xi32, #tpu.memory_space<hbm>>
        %dma_wait3A_74 = arith.constant 0 : i32
        %dma_wait3A_75 = tpu.memref_slice %arg3[%add3A_63, %dma_wait3A_74] : memref<1250x128xi32, #tpu.memory_space<hbm>> -> memref<1x128xi32, #tpu.memory_space<hbm>>
        %dma_wait3A_76 = tpu.memref_squeeze %dma_wait3A_75 : memref<1x128xi32, #tpu.memory_space<hbm>> -> memref<128xi32, #tpu.memory_space<hbm>>
        tpu.wait_dma2 semaphore(%run_scoped3A : memref<!tpu.dma_semaphore, #tpu.memory_space<semaphore_mem>>) src(%dma_wait3A_76 : memref<128xi32, #tpu.memory_space<hbm>>) dst(%arg7 : memref<128xi32, #tpu.memory_space<vmem>>)
        tpu.yield
      }) : () -> ()
      %mul3A_64 = arith.constant 128 : i32
      %mul3A_65 = arith.muli %add3A_63, %mul3A_64 : i32
      "tpu.region"() ({
        %run_scoped3A = tpu.sem_alloc : memref<!tpu.dma_semaphore, #tpu.memory_space<semaphore_mem>>
        %dma_start3A = arith.constant 0 : i32
        %dma_start3A_67 = tpu.memref_slice %arg2[%mul3A_65, %dma_start3A] : memref<160000x128xf32, #tpu.memory_space<hbm>> -> memref<128x128xf32, #tpu.memory_space<hbm>>
        %dma_start3A_68 = arith.constant 0 : i32
        %dma_start3A_69 = tpu.memref_slice %arg2[%mul3A_65, %dma_start3A_68] : memref<160000x128xf32, #tpu.memory_space<hbm>> -> memref<128x128xf32, #tpu.memory_space<hbm>>
        tpu.enqueue_dma source(%dma_start3A_69 : memref<128x128xf32, #tpu.memory_space<hbm>>) target(%arg8 : memref<128x128xf32, #tpu.memory_space<vmem>>) target_semaphore(%run_scoped3A : memref<!tpu.dma_semaphore, #tpu.memory_space<semaphore_mem>>)
        %dma_wait3A = arith.constant 0 : i32
        %dma_wait3A_70 = tpu.memref_slice %arg2[%mul3A_65, %dma_wait3A] : memref<160000x128xf32, #tpu.memory_space<hbm>> -> memref<128x128xf32, #tpu.memory_space<hbm>>
        %dma_wait3A_71 = arith.constant 0 : i32
        %dma_wait3A_72 = tpu.memref_slice %arg2[%mul3A_65, %dma_wait3A_71] : memref<160000x128xf32, #tpu.memory_space<hbm>> -> memref<128x128xf32, #tpu.memory_space<hbm>>
        tpu.wait_dma2 semaphore(%run_scoped3A : memref<!tpu.dma_semaphore, #tpu.memory_space<semaphore_mem>>) src(%dma_wait3A_72 : memref<128x128xf32, #tpu.memory_space<hbm>>) dst(%arg8 : memref<128x128xf32, #tpu.memory_space<vmem>>)
        tpu.yield
      }) : () -> ()
      "tpu.region"() ({
        %run_scoped3A = tpu.sem_alloc : memref<!tpu.dma_semaphore, #tpu.memory_space<semaphore_mem>>
        %dma_start3A = arith.constant 0 : i32
        %dma_start3A_67 = arith.constant 0 : i32
        %dma_start3A_68 = tpu.memref_slice %arg6[%dma_start3A, %dma_start3A_67] : memref<10240x128xf32, #tpu.memory_space<vmem_shared>> -> memref<10240x128xf32, #tpu.memory_space<vmem_shared>>
        tpu.enqueue_indirect_dma source(%arg8 : memref<128x128xf32, #tpu.memory_space<vmem>>) target(%dma_start3A_68 : memref<10240x128xf32, #tpu.memory_space<vmem_shared>>) offsets(%arg7 : memref<128xi32, #tpu.memory_space<vmem>>) semaphore(%run_scoped3A : memref<!tpu.dma_semaphore, #tpu.memory_space<semaphore_mem>>) {add = true}
        %dma_wait3A = arith.constant 0 : i32
        %dma_wait3A_69 = arith.constant 0 : i32
        %dma_wait3A_70 = tpu.memref_slice %arg6[%dma_wait3A, %dma_wait3A_69] : memref<10240x128xf32, #tpu.memory_space<vmem_shared>> -> memref<10240x128xf32, #tpu.memory_space<vmem_shared>>
        tpu.wait_indirect_dma semaphore(%run_scoped3A : memref<!tpu.dma_semaphore, #tpu.memory_space<semaphore_mem>>) src(%arg8 : memref<128x128xf32, #tpu.memory_space<vmem>>) dst(%dma_wait3A_70 : memref<10240x128xf32, #tpu.memory_space<vmem_shared>>)
        tpu.yield
      }) : () -> ()
      %while3A_66 = arith.constant 0 : i32
      scf.yield %while3A_66 : i32
    }
    %barrier3A_38 = arith.constant 0 : index
    tpu.barrier barrier_id(%barrier3A_38)
    %mul3A_39 = arith.constant 640 : i32
    %mul3A_40 = arith.muli %arg1, %mul3A_39 : i32
    %add3A_41 = arith.constant 0 : i32
    %add3A_42 = arith.addi %mul3A_40, %add3A_41 : i32
    "tpu.region"() ({
      %run_scoped3A = tpu.sem_alloc : memref<!tpu.dma_semaphore, #tpu.memory_space<semaphore_mem>>
      %dma_start3A = arith.constant 0 : i32
      %dma_start3A_59 = tpu.memref_slice %arg6[%add3A_42, %dma_start3A] : memref<10240x128xf32, #tpu.memory_space<vmem_shared>> -> memref<128x128xf32, #tpu.memory_space<vmem_shared>>
      %dma_start3A_60 = arith.constant 0 : i32
      %dma_start3A_61 = tpu.memref_slice %arg6[%add3A_42, %dma_start3A_60] : memref<10240x128xf32, #tpu.memory_space<vmem_shared>> -> memref<128x128xf32, #tpu.memory_space<vmem_shared>>
      tpu.enqueue_dma source(%dma_start3A_61 : memref<128x128xf32, #tpu.memory_space<vmem_shared>>) target(%arg8 : memref<128x128xf32, #tpu.memory_space<vmem>>) target_semaphore(%run_scoped3A : memref<!tpu.dma_semaphore, #tpu.memory_space<semaphore_mem>>)
      %dma_wait3A = arith.constant 0 : i32
      %dma_wait3A_62 = tpu.memref_slice %arg6[%add3A_42, %dma_wait3A] : memref<10240x128xf32, #tpu.memory_space<vmem_shared>> -> memref<128x128xf32, #tpu.memory_space<vmem_shared>>
      %dma_wait3A_63 = arith.constant 0 : i32
      %dma_wait3A_64 = tpu.memref_slice %arg6[%add3A_42, %dma_wait3A_63] : memref<10240x128xf32, #tpu.memory_space<vmem_shared>> -> memref<128x128xf32, #tpu.memory_space<vmem_shared>>
      tpu.wait_dma2 semaphore(%run_scoped3A : memref<!tpu.dma_semaphore, #tpu.memory_space<semaphore_mem>>) src(%dma_wait3A_64 : memref<128x128xf32, #tpu.memory_space<vmem_shared>>) dst(%arg8 : memref<128x128xf32, #tpu.memory_space<vmem>>)
      tpu.yield
    }) : () -> ()
    "tpu.region"() ({
      %run_scoped3A = tpu.sem_alloc : memref<!tpu.dma_semaphore, #tpu.memory_space<semaphore_mem>>
      %dma_start3A = arith.constant 0 : i32
      %dma_start3A_59 = tpu.memref_slice %arg5[%arg0, %add3A_42, %dma_start3A] : memref<2x10240x128xf32, #tpu.memory_space<hbm>> -> memref<1x128x128xf32, #tpu.memory_space<hbm>>
      %dma_start3A_60 = tpu.memref_squeeze %dma_start3A_59 : memref<1x128x128xf32, #tpu.memory_space<hbm>> -> memref<128x128xf32, #tpu.memory_space<hbm>>
      %dma_start3A_61 = arith.constant 0 : i32
      %dma_start3A_62 = tpu.memref_slice %arg5[%arg0, %add3A_42, %dma_start3A_61] : memref<2x10240x128xf32, #tpu.memory_space<hbm>> -> memref<1x128x128xf32, #tpu.memory_space<hbm>>
      %dma_start3A_63 = tpu.memref_squeeze %dma_start3A_62 : memref<1x128x128xf32, #tpu.memory_space<hbm>> -> memref<128x128xf32, #tpu.memory_space<hbm>>
      tpu.enqueue_dma source(%arg8 : memref<128x128xf32, #tpu.memory_space<vmem>>) target(%dma_start3A_63 : memref<128x128xf32, #tpu.memory_space<hbm>>) target_semaphore(%run_scoped3A : memref<!tpu.dma_semaphore, #tpu.memory_space<semaphore_mem>>)
      %dma_wait3A = arith.constant 0 : i32
      %dma_wait3A_64 = tpu.memref_slice %arg5[%arg0, %add3A_42, %dma_wait3A] : memref<2x10240x128xf32, #tpu.memory_space<hbm>> -> memref<1x128x128xf32, #tpu.memory_space<hbm>>
      %dma_wait3A_65 = tpu.memref_squeeze %dma_wait3A_64 : memref<1x128x128xf32, #tpu.memory_space<hbm>> -> memref<128x128xf32, #tpu.memory_space<hbm>>
      %dma_wait3A_66 = arith.constant 0 : i32
      %dma_wait3A_67 = tpu.memref_slice %arg5[%arg0, %add3A_42, %dma_wait3A_66] : memref<2x10240x128xf32, #tpu.memory_space<hbm>> -> memref<1x128x128xf32, #tpu.memory_space<hbm>>
      %dma_wait3A_68 = tpu.memref_squeeze %dma_wait3A_67 : memref<1x128x128xf32, #tpu.memory_space<hbm>> -> memref<128x128xf32, #tpu.memory_space<hbm>>
      tpu.wait_dma2 semaphore(%run_scoped3A : memref<!tpu.dma_semaphore, #tpu.memory_space<semaphore_mem>>) src(%arg8 : memref<128x128xf32, #tpu.memory_space<vmem>>) dst(%dma_wait3A_68 : memref<128x128xf32, #tpu.memory_space<hbm>>)
      tpu.yield
    }) : () -> ()
    %mul3A_43 = arith.constant 640 : i32
    %mul3A_44 = arith.muli %arg1, %mul3A_43 : i32
    %add3A_45 = arith.constant 128 : i32
    %add3A_46 = arith.addi %mul3A_44, %add3A_45 : i32
    "tpu.region"() ({
      %run_scoped3A = tpu.sem_alloc : memref<!tpu.dma_semaphore, #tpu.memory_space<semaphore_mem>>
      %dma_start3A = arith.constant 0 : i32
      %dma_start3A_59 = tpu.memref_slice %arg6[%add3A_46, %dma_start3A] : memref<10240x128xf32, #tpu.memory_space<vmem_shared>> -> memref<128x128xf32, #tpu.memory_space<vmem_shared>>
      %dma_start3A_60 = arith.constant 0 : i32
      %dma_start3A_61 = tpu.memref_slice %arg6[%add3A_46, %dma_start3A_60] : memref<10240x128xf32, #tpu.memory_space<vmem_shared>> -> memref<128x128xf32, #tpu.memory_space<vmem_shared>>
      tpu.enqueue_dma source(%dma_start3A_61 : memref<128x128xf32, #tpu.memory_space<vmem_shared>>) target(%arg8 : memref<128x128xf32, #tpu.memory_space<vmem>>) target_semaphore(%run_scoped3A : memref<!tpu.dma_semaphore, #tpu.memory_space<semaphore_mem>>)
      %dma_wait3A = arith.constant 0 : i32
      %dma_wait3A_62 = tpu.memref_slice %arg6[%add3A_46, %dma_wait3A] : memref<10240x128xf32, #tpu.memory_space<vmem_shared>> -> memref<128x128xf32, #tpu.memory_space<vmem_shared>>
      %dma_wait3A_63 = arith.constant 0 : i32
      %dma_wait3A_64 = tpu.memref_slice %arg6[%add3A_46, %dma_wait3A_63] : memref<10240x128xf32, #tpu.memory_space<vmem_shared>> -> memref<128x128xf32, #tpu.memory_space<vmem_shared>>
      tpu.wait_dma2 semaphore(%run_scoped3A : memref<!tpu.dma_semaphore, #tpu.memory_space<semaphore_mem>>) src(%dma_wait3A_64 : memref<128x128xf32, #tpu.memory_space<vmem_shared>>) dst(%arg8 : memref<128x128xf32, #tpu.memory_space<vmem>>)
      tpu.yield
    }) : () -> ()
    "tpu.region"() ({
      %run_scoped3A = tpu.sem_alloc : memref<!tpu.dma_semaphore, #tpu.memory_space<semaphore_mem>>
      %dma_start3A = arith.constant 0 : i32
      %dma_start3A_59 = tpu.memref_slice %arg5[%arg0, %add3A_46, %dma_start3A] : memref<2x10240x128xf32, #tpu.memory_space<hbm>> -> memref<1x128x128xf32, #tpu.memory_space<hbm>>
      %dma_start3A_60 = tpu.memref_squeeze %dma_start3A_59 : memref<1x128x128xf32, #tpu.memory_space<hbm>> -> memref<128x128xf32, #tpu.memory_space<hbm>>
      %dma_start3A_61 = arith.constant 0 : i32
      %dma_start3A_62 = tpu.memref_slice %arg5[%arg0, %add3A_46, %dma_start3A_61] : memref<2x10240x128xf32, #tpu.memory_space<hbm>> -> memref<1x128x128xf32, #tpu.memory_space<hbm>>
      %dma_start3A_63 = tpu.memref_squeeze %dma_start3A_62 : memref<1x128x128xf32, #tpu.memory_space<hbm>> -> memref<128x128xf32, #tpu.memory_space<hbm>>
      tpu.enqueue_dma source(%arg8 : memref<128x128xf32, #tpu.memory_space<vmem>>) target(%dma_start3A_63 : memref<128x128xf32, #tpu.memory_space<hbm>>) target_semaphore(%run_scoped3A : memref<!tpu.dma_semaphore, #tpu.memory_space<semaphore_mem>>)
      %dma_wait3A = arith.constant 0 : i32
      %dma_wait3A_64 = tpu.memref_slice %arg5[%arg0, %add3A_46, %dma_wait3A] : memref<2x10240x128xf32, #tpu.memory_space<hbm>> -> memref<1x128x128xf32, #tpu.memory_space<hbm>>
      %dma_wait3A_65 = tpu.memref_squeeze %dma_wait3A_64 : memref<1x128x128xf32, #tpu.memory_space<hbm>> -> memref<128x128xf32, #tpu.memory_space<hbm>>
      %dma_wait3A_66 = arith.constant 0 : i32
      %dma_wait3A_67 = tpu.memref_slice %arg5[%arg0, %add3A_46, %dma_wait3A_66] : memref<2x10240x128xf32, #tpu.memory_space<hbm>> -> memref<1x128x128xf32, #tpu.memory_space<hbm>>
      %dma_wait3A_68 = tpu.memref_squeeze %dma_wait3A_67 : memref<1x128x128xf32, #tpu.memory_space<hbm>> -> memref<128x128xf32, #tpu.memory_space<hbm>>
      tpu.wait_dma2 semaphore(%run_scoped3A : memref<!tpu.dma_semaphore, #tpu.memory_space<semaphore_mem>>) src(%arg8 : memref<128x128xf32, #tpu.memory_space<vmem>>) dst(%dma_wait3A_68 : memref<128x128xf32, #tpu.memory_space<hbm>>)
      tpu.yield
    }) : () -> ()
    %mul3A_47 = arith.constant 640 : i32
    %mul3A_48 = arith.muli %arg1, %mul3A_47 : i32
    %add3A_49 = arith.constant 256 : i32
    %add3A_50 = arith.addi %mul3A_48, %add3A_49 : i32
    "tpu.region"() ({
      %run_scoped3A = tpu.sem_alloc : memref<!tpu.dma_semaphore, #tpu.memory_space<semaphore_mem>>
      %dma_start3A = arith.constant 0 : i32
      %dma_start3A_59 = tpu.memref_slice %arg6[%add3A_50, %dma_start3A] : memref<10240x128xf32, #tpu.memory_space<vmem_shared>> -> memref<128x128xf32, #tpu.memory_space<vmem_shared>>
      %dma_start3A_60 = arith.constant 0 : i32
      %dma_start3A_61 = tpu.memref_slice %arg6[%add3A_50, %dma_start3A_60] : memref<10240x128xf32, #tpu.memory_space<vmem_shared>> -> memref<128x128xf32, #tpu.memory_space<vmem_shared>>
      tpu.enqueue_dma source(%dma_start3A_61 : memref<128x128xf32, #tpu.memory_space<vmem_shared>>) target(%arg8 : memref<128x128xf32, #tpu.memory_space<vmem>>) target_semaphore(%run_scoped3A : memref<!tpu.dma_semaphore, #tpu.memory_space<semaphore_mem>>)
      %dma_wait3A = arith.constant 0 : i32
      %dma_wait3A_62 = tpu.memref_slice %arg6[%add3A_50, %dma_wait3A] : memref<10240x128xf32, #tpu.memory_space<vmem_shared>> -> memref<128x128xf32, #tpu.memory_space<vmem_shared>>
      %dma_wait3A_63 = arith.constant 0 : i32
      %dma_wait3A_64 = tpu.memref_slice %arg6[%add3A_50, %dma_wait3A_63] : memref<10240x128xf32, #tpu.memory_space<vmem_shared>> -> memref<128x128xf32, #tpu.memory_space<vmem_shared>>
      tpu.wait_dma2 semaphore(%run_scoped3A : memref<!tpu.dma_semaphore, #tpu.memory_space<semaphore_mem>>) src(%dma_wait3A_64 : memref<128x128xf32, #tpu.memory_space<vmem_shared>>) dst(%arg8 : memref<128x128xf32, #tpu.memory_space<vmem>>)
      tpu.yield
    }) : () -> ()
    "tpu.region"() ({
      %run_scoped3A = tpu.sem_alloc : memref<!tpu.dma_semaphore, #tpu.memory_space<semaphore_mem>>
      %dma_start3A = arith.constant 0 : i32
      %dma_start3A_59 = tpu.memref_slice %arg5[%arg0, %add3A_50, %dma_start3A] : memref<2x10240x128xf32, #tpu.memory_space<hbm>> -> memref<1x128x128xf32, #tpu.memory_space<hbm>>
      %dma_start3A_60 = tpu.memref_squeeze %dma_start3A_59 : memref<1x128x128xf32, #tpu.memory_space<hbm>> -> memref<128x128xf32, #tpu.memory_space<hbm>>
      %dma_start3A_61 = arith.constant 0 : i32
      %dma_start3A_62 = tpu.memref_slice %arg5[%arg0, %add3A_50, %dma_start3A_61] : memref<2x10240x128xf32, #tpu.memory_space<hbm>> -> memref<1x128x128xf32, #tpu.memory_space<hbm>>
      %dma_start3A_63 = tpu.memref_squeeze %dma_start3A_62 : memref<1x128x128xf32, #tpu.memory_space<hbm>> -> memref<128x128xf32, #tpu.memory_space<hbm>>
      tpu.enqueue_dma source(%arg8 : memref<128x128xf32, #tpu.memory_space<vmem>>) target(%dma_start3A_63 : memref<128x128xf32, #tpu.memory_space<hbm>>) target_semaphore(%run_scoped3A : memref<!tpu.dma_semaphore, #tpu.memory_space<semaphore_mem>>)
      %dma_wait3A = arith.constant 0 : i32
      %dma_wait3A_64 = tpu.memref_slice %arg5[%arg0, %add3A_50, %dma_wait3A] : memref<2x10240x128xf32, #tpu.memory_space<hbm>> -> memref<1x128x128xf32, #tpu.memory_space<hbm>>
      %dma_wait3A_65 = tpu.memref_squeeze %dma_wait3A_64 : memref<1x128x128xf32, #tpu.memory_space<hbm>> -> memref<128x128xf32, #tpu.memory_space<hbm>>
      %dma_wait3A_66 = arith.constant 0 : i32
      %dma_wait3A_67 = tpu.memref_slice %arg5[%arg0, %add3A_50, %dma_wait3A_66] : memref<2x10240x128xf32, #tpu.memory_space<hbm>> -> memref<1x128x128xf32, #tpu.memory_space<hbm>>
      %dma_wait3A_68 = tpu.memref_squeeze %dma_wait3A_67 : memref<1x128x128xf32, #tpu.memory_space<hbm>> -> memref<128x128xf32, #tpu.memory_space<hbm>>
      tpu.wait_dma2 semaphore(%run_scoped3A : memref<!tpu.dma_semaphore, #tpu.memory_space<semaphore_mem>>) src(%arg8 : memref<128x128xf32, #tpu.memory_space<vmem>>) dst(%dma_wait3A_68 : memref<128x128xf32, #tpu.memory_space<hbm>>)
      tpu.yield
    }) : () -> ()
    %mul3A_51 = arith.constant 640 : i32
    %mul3A_52 = arith.muli %arg1, %mul3A_51 : i32
    %add3A_53 = arith.constant 384 : i32
    %add3A_54 = arith.addi %mul3A_52, %add3A_53 : i32
    "tpu.region"() ({
      %run_scoped3A = tpu.sem_alloc : memref<!tpu.dma_semaphore, #tpu.memory_space<semaphore_mem>>
      %dma_start3A = arith.constant 0 : i32
      %dma_start3A_59 = tpu.memref_slice %arg6[%add3A_54, %dma_start3A] : memref<10240x128xf32, #tpu.memory_space<vmem_shared>> -> memref<128x128xf32, #tpu.memory_space<vmem_shared>>
      %dma_start3A_60 = arith.constant 0 : i32
      %dma_start3A_61 = tpu.memref_slice %arg6[%add3A_54, %dma_start3A_60] : memref<10240x128xf32, #tpu.memory_space<vmem_shared>> -> memref<128x128xf32, #tpu.memory_space<vmem_shared>>
      tpu.enqueue_dma source(%dma_start3A_61 : memref<128x128xf32, #tpu.memory_space<vmem_shared>>) target(%arg8 : memref<128x128xf32, #tpu.memory_space<vmem>>) target_semaphore(%run_scoped3A : memref<!tpu.dma_semaphore, #tpu.memory_space<semaphore_mem>>)
      %dma_wait3A = arith.constant 0 : i32
      %dma_wait3A_62 = tpu.memref_slice %arg6[%add3A_54, %dma_wait3A] : memref<10240x128xf32, #tpu.memory_space<vmem_shared>> -> memref<128x128xf32, #tpu.memory_space<vmem_shared>>
      %dma_wait3A_63 = arith.constant 0 : i32
      %dma_wait3A_64 = tpu.memref_slice %arg6[%add3A_54, %dma_wait3A_63] : memref<10240x128xf32, #tpu.memory_space<vmem_shared>> -> memref<128x128xf32, #tpu.memory_space<vmem_shared>>
      tpu.wait_dma2 semaphore(%run_scoped3A : memref<!tpu.dma_semaphore, #tpu.memory_space<semaphore_mem>>) src(%dma_wait3A_64 : memref<128x128xf32, #tpu.memory_space<vmem_shared>>) dst(%arg8 : memref<128x128xf32, #tpu.memory_space<vmem>>)
      tpu.yield
    }) : () -> ()
    "tpu.region"() ({
      %run_scoped3A = tpu.sem_alloc : memref<!tpu.dma_semaphore, #tpu.memory_space<semaphore_mem>>
      %dma_start3A = arith.constant 0 : i32
      %dma_start3A_59 = tpu.memref_slice %arg5[%arg0, %add3A_54, %dma_start3A] : memref<2x10240x128xf32, #tpu.memory_space<hbm>> -> memref<1x128x128xf32, #tpu.memory_space<hbm>>
      %dma_start3A_60 = tpu.memref_squeeze %dma_start3A_59 : memref<1x128x128xf32, #tpu.memory_space<hbm>> -> memref<128x128xf32, #tpu.memory_space<hbm>>
      %dma_start3A_61 = arith.constant 0 : i32
      %dma_start3A_62 = tpu.memref_slice %arg5[%arg0, %add3A_54, %dma_start3A_61] : memref<2x10240x128xf32, #tpu.memory_space<hbm>> -> memref<1x128x128xf32, #tpu.memory_space<hbm>>
      %dma_start3A_63 = tpu.memref_squeeze %dma_start3A_62 : memref<1x128x128xf32, #tpu.memory_space<hbm>> -> memref<128x128xf32, #tpu.memory_space<hbm>>
      tpu.enqueue_dma source(%arg8 : memref<128x128xf32, #tpu.memory_space<vmem>>) target(%dma_start3A_63 : memref<128x128xf32, #tpu.memory_space<hbm>>) target_semaphore(%run_scoped3A : memref<!tpu.dma_semaphore, #tpu.memory_space<semaphore_mem>>)
      %dma_wait3A = arith.constant 0 : i32
      %dma_wait3A_64 = tpu.memref_slice %arg5[%arg0, %add3A_54, %dma_wait3A] : memref<2x10240x128xf32, #tpu.memory_space<hbm>> -> memref<1x128x128xf32, #tpu.memory_space<hbm>>
      %dma_wait3A_65 = tpu.memref_squeeze %dma_wait3A_64 : memref<1x128x128xf32, #tpu.memory_space<hbm>> -> memref<128x128xf32, #tpu.memory_space<hbm>>
      %dma_wait3A_66 = arith.constant 0 : i32
      %dma_wait3A_67 = tpu.memref_slice %arg5[%arg0, %add3A_54, %dma_wait3A_66] : memref<2x10240x128xf32, #tpu.memory_space<hbm>> -> memref<1x128x128xf32, #tpu.memory_space<hbm>>
      %dma_wait3A_68 = tpu.memref_squeeze %dma_wait3A_67 : memref<1x128x128xf32, #tpu.memory_space<hbm>> -> memref<128x128xf32, #tpu.memory_space<hbm>>
      tpu.wait_dma2 semaphore(%run_scoped3A : memref<!tpu.dma_semaphore, #tpu.memory_space<semaphore_mem>>) src(%arg8 : memref<128x128xf32, #tpu.memory_space<vmem>>) dst(%dma_wait3A_68 : memref<128x128xf32, #tpu.memory_space<hbm>>)
      tpu.yield
    }) : () -> ()
    %mul3A_55 = arith.constant 640 : i32
    %mul3A_56 = arith.muli %arg1, %mul3A_55 : i32
    %add3A_57 = arith.constant 512 : i32
    %add3A_58 = arith.addi %mul3A_56, %add3A_57 : i32
    "tpu.region"() ({
      %run_scoped3A = tpu.sem_alloc : memref<!tpu.dma_semaphore, #tpu.memory_space<semaphore_mem>>
      %dma_start3A = arith.constant 0 : i32
      %dma_start3A_59 = tpu.memref_slice %arg6[%add3A_58, %dma_start3A] : memref<10240x128xf32, #tpu.memory_space<vmem_shared>> -> memref<128x128xf32, #tpu.memory_space<vmem_shared>>
      %dma_start3A_60 = arith.constant 0 : i32
      %dma_start3A_61 = tpu.memref_slice %arg6[%add3A_58, %dma_start3A_60] : memref<10240x128xf32, #tpu.memory_space<vmem_shared>> -> memref<128x128xf32, #tpu.memory_space<vmem_shared>>
      tpu.enqueue_dma source(%dma_start3A_61 : memref<128x128xf32, #tpu.memory_space<vmem_shared>>) target(%arg8 : memref<128x128xf32, #tpu.memory_space<vmem>>) target_semaphore(%run_scoped3A : memref<!tpu.dma_semaphore, #tpu.memory_space<semaphore_mem>>)
      %dma_wait3A = arith.constant 0 : i32
      %dma_wait3A_62 = tpu.memref_slice %arg6[%add3A_58, %dma_wait3A] : memref<10240x128xf32, #tpu.memory_space<vmem_shared>> -> memref<128x128xf32, #tpu.memory_space<vmem_shared>>
      %dma_wait3A_63 = arith.constant 0 : i32
      %dma_wait3A_64 = tpu.memref_slice %arg6[%add3A_58, %dma_wait3A_63] : memref<10240x128xf32, #tpu.memory_space<vmem_shared>> -> memref<128x128xf32, #tpu.memory_space<vmem_shared>>
      tpu.wait_dma2 semaphore(%run_scoped3A : memref<!tpu.dma_semaphore, #tpu.memory_space<semaphore_mem>>) src(%dma_wait3A_64 : memref<128x128xf32, #tpu.memory_space<vmem_shared>>) dst(%arg8 : memref<128x128xf32, #tpu.memory_space<vmem>>)
      tpu.yield
    }) : () -> ()
    "tpu.region"() ({
      %run_scoped3A = tpu.sem_alloc : memref<!tpu.dma_semaphore, #tpu.memory_space<semaphore_mem>>
      %dma_start3A = arith.constant 0 : i32
      %dma_start3A_59 = tpu.memref_slice %arg5[%arg0, %add3A_58, %dma_start3A] : memref<2x10240x128xf32, #tpu.memory_space<hbm>> -> memref<1x128x128xf32, #tpu.memory_space<hbm>>
      %dma_start3A_60 = tpu.memref_squeeze %dma_start3A_59 : memref<1x128x128xf32, #tpu.memory_space<hbm>> -> memref<128x128xf32, #tpu.memory_space<hbm>>
      %dma_start3A_61 = arith.constant 0 : i32
      %dma_start3A_62 = tpu.memref_slice %arg5[%arg0, %add3A_58, %dma_start3A_61] : memref<2x10240x128xf32, #tpu.memory_space<hbm>> -> memref<1x128x128xf32, #tpu.memory_space<hbm>>
      %dma_start3A_63 = tpu.memref_squeeze %dma_start3A_62 : memref<1x128x128xf32, #tpu.memory_space<hbm>> -> memref<128x128xf32, #tpu.memory_space<hbm>>
      tpu.enqueue_dma source(%arg8 : memref<128x128xf32, #tpu.memory_space<vmem>>) target(%dma_start3A_63 : memref<128x128xf32, #tpu.memory_space<hbm>>) target_semaphore(%run_scoped3A : memref<!tpu.dma_semaphore, #tpu.memory_space<semaphore_mem>>)
      %dma_wait3A = arith.constant 0 : i32
      %dma_wait3A_64 = tpu.memref_slice %arg5[%arg0, %add3A_58, %dma_wait3A] : memref<2x10240x128xf32, #tpu.memory_space<hbm>> -> memref<1x128x128xf32, #tpu.memory_space<hbm>>
      %dma_wait3A_65 = tpu.memref_squeeze %dma_wait3A_64 : memref<1x128x128xf32, #tpu.memory_space<hbm>> -> memref<128x128xf32, #tpu.memory_space<hbm>>
      %dma_wait3A_66 = arith.constant 0 : i32
      %dma_wait3A_67 = tpu.memref_slice %arg5[%arg0, %add3A_58, %dma_wait3A_66] : memref<2x10240x128xf32, #tpu.memory_space<hbm>> -> memref<1x128x128xf32, #tpu.memory_space<hbm>>
      %dma_wait3A_68 = tpu.memref_squeeze %dma_wait3A_67 : memref<1x128x128xf32, #tpu.memory_space<hbm>> -> memref<128x128xf32, #tpu.memory_space<hbm>>
      tpu.wait_dma2 semaphore(%run_scoped3A : memref<!tpu.dma_semaphore, #tpu.memory_space<semaphore_mem>>) src(%arg8 : memref<128x128xf32, #tpu.memory_space<vmem>>) dst(%dma_wait3A_68 : memref<128x128xf32, #tpu.memory_space<hbm>>)
      tpu.yield
    }) : () -> ()
    return
  }
}

#map = affine_map<(d0, d1) -> (0, 0)>
#map1 = affine_map<(d0, d1) -> (0, 0, 0)>
module attributes {stable_mosaic.version = 14 : i64} {
  func.func @k(%arg0: i32, %arg1: i32, %arg2: memref<80000x128xf32, #tpu.memory_space<hbm>>, %arg3: memref<625x128xi32, #tpu.memory_space<hbm>>, %arg4: memref<10240x128xf32, #tpu.memory_space<hbm>>, %arg5: memref<2x10240x128xf32, #tpu.memory_space<hbm>>, %arg6: memref<10240x128xf32, #tpu.memory_space<vmem_shared>>, %arg7: memref<128xi32, #tpu.memory_space<vmem>>, %arg8: memref<128x128xf32, #tpu.memory_space<vmem>>) attributes {dimension_semantics = [#tpu.dimension_semantics<core_parallel>, #tpu.dimension_semantics<subcore_parallel>], iteration_bounds = array<i64: 2, 16>, scalar_prefetch = 0 : i64, scratch_operands = 3 : i64, tpu.core_type = #tpu.core_type<sc_vector_subcore>, window_params = [{transform_indices = #map}, {transform_indices = #map}, {transform_indices = #map}, {transform_indices = #map1}]} {
    %mul3A = arith.constant 2 : i32
    %mul3A_0 = arith.muli %arg1, %mul3A : i32
    %add3A = arith.addi %mul3A_0, %arg0 : i32
    %mul3A_1 = arith.constant 640 : i32
    %mul3A_2 = arith.muli %arg1, %mul3A_1 : i32
    %mul3A_3 = arith.constant 640 : i32
    %mul3A_4 = arith.muli %arg1, %mul3A_3 : i32
    "tpu.region"() ({
      %run_scoped3A = tpu.sem_alloc : memref<!tpu.dma_semaphore, #tpu.memory_space<semaphore_mem>>
      %dma_start3A = arith.constant 0 : i32
      %dma_start3A_59 = tpu.memref_slice %arg6[%mul3A_4, %dma_start3A] : memref<10240x128xf32, #tpu.memory_space<vmem_shared>> -> memref<640x128xf32, #tpu.memory_space<vmem_shared>>
      %dma_start3A_60 = arith.constant 0 : i32
      %dma_start3A_61 = tpu.memref_slice %arg4[%mul3A_2, %dma_start3A_60] : memref<10240x128xf32, #tpu.memory_space<hbm>> -> memref<640x128xf32, #tpu.memory_space<hbm>>
      tpu.enqueue_dma source(%dma_start3A_61 : memref<640x128xf32, #tpu.memory_space<hbm>>) target(%dma_start3A_59 : memref<640x128xf32, #tpu.memory_space<vmem_shared>>) target_semaphore(%run_scoped3A : memref<!tpu.dma_semaphore, #tpu.memory_space<semaphore_mem>>)
      %dma_wait3A = arith.constant 0 : i32
      %dma_wait3A_62 = tpu.memref_slice %arg6[%mul3A_4, %dma_wait3A] : memref<10240x128xf32, #tpu.memory_space<vmem_shared>> -> memref<640x128xf32, #tpu.memory_space<vmem_shared>>
      %dma_wait3A_63 = arith.constant 0 : i32
      %dma_wait3A_64 = tpu.memref_slice %arg4[%mul3A_2, %dma_wait3A_63] : memref<10240x128xf32, #tpu.memory_space<hbm>> -> memref<640x128xf32, #tpu.memory_space<hbm>>
      tpu.wait_dma2 semaphore(%run_scoped3A : memref<!tpu.dma_semaphore, #tpu.memory_space<semaphore_mem>>) src(%dma_wait3A_64 : memref<640x128xf32, #tpu.memory_space<hbm>>) dst(%dma_wait3A_62 : memref<640x128xf32, #tpu.memory_space<vmem_shared>>)
      tpu.yield
    }) : () -> ()
    %barrier3A = arith.constant 0 : index
    tpu.barrier barrier_id(%barrier3A)
    %sub3A = arith.constant 625 : i32
    %sub3A_5 = arith.subi %sub3A, %add3A : i32
    %add3A_6 = arith.constant 32 : i32
    %add3A_7 = arith.addi %sub3A_5, %add3A_6 : i32
    %sub3A_8 = arith.constant 1 : i32
    %sub3A_9 = arith.subi %add3A_7, %sub3A_8 : i32
    %jit3A = arith.constant 32 : i32
    %div3A = arith.divsi %sub3A_9, %jit3A : i32
    %sign3A = arith.constant 0 : i32
    %sign3A_10 = arith.cmpi sgt, %sub3A_9, %sign3A : i32
    %sign3A_11 = arith.extui %sign3A_10 : i1 to i32
    %sign3A_12 = arith.constant 0 : i32
    %sign3A_13 = arith.cmpi slt, %sub3A_9, %sign3A_12 : i32
    %sign3A_14 = arith.extui %sign3A_13 : i1 to i32
    %sign3A_15 = arith.subi %sign3A_11, %sign3A_14 : i32
    %sign3A_16 = arith.constant 0 : i32
    %sign3A_17 = arith.cmpi sgt, %jit3A, %sign3A_16 : i32
    %sign3A_18 = arith.extui %sign3A_17 : i1 to i32
    %sign3A_19 = arith.constant 0 : i32
    %sign3A_20 = arith.cmpi slt, %jit3A, %sign3A_19 : i32
    %sign3A_21 = arith.extui %sign3A_20 : i1 to i32
    %sign3A_22 = arith.subi %sign3A_18, %sign3A_21 : i32
    %ne3A = arith.cmpi ne, %sign3A_15, %sign3A_22 : i32
    %rem3A = arith.remsi %sub3A_9, %jit3A : i32
    %ne3A_23 = arith.constant 0 : i32
    %ne3A_24 = arith.cmpi ne, %rem3A, %ne3A_23 : i32
    %and3A = arith.andi %ne3A, %ne3A_24 : i1
    %sub3A_25 = arith.constant 1 : i32
    %sub3A_26 = arith.subi %div3A, %sub3A_25 : i32
    %select_n3A = arith.select %and3A, %sub3A_26, %div3A : i32
    %while3A = arith.constant 0 : i32
    %while3A_27 = arith.constant 0 : i32
    %while3A_28 = arith.subi %select_n3A, %while3A : i32
    %while3A_29 = arith.addi %while3A, %while3A_28 : i32
    %while3A_30 = arith.constant 1 : i32
    %while3A_31 = arith.divsi %while3A_28, %while3A_30 : i32
    %while3A_32 = arith.muli %while3A_31, %while3A_30 : i32
    %while3A_33 = arith.addi %while3A, %while3A_32 : i32
    %while3A_34 = arith.constant 1 : i32
    %while3A_35 = scf.for %while3A_59 = %while3A to %while3A_33 step %while3A_34 iter_args(%while3A_60 = %while3A_27) -> (i32)  : i32 {
      %mul3A_61 = arith.constant 32 : i32
      %mul3A_62 = arith.muli %while3A_59, %mul3A_61 : i32
      %add3A_63 = arith.addi %add3A, %mul3A_62 : i32
      "tpu.region"() ({
        %run_scoped3A = tpu.sem_alloc : memref<!tpu.dma_semaphore, #tpu.memory_space<semaphore_mem>>
        %dma_start3A = arith.constant 0 : i32
        %dma_start3A_67 = tpu.memref_slice %arg3[%add3A_63, %dma_start3A] : memref<625x128xi32, #tpu.memory_space<hbm>> -> memref<1x128xi32, #tpu.memory_space<hbm>>
        %dma_start3A_68 = tpu.memref_squeeze %dma_start3A_67 : memref<1x128xi32, #tpu.memory_space<hbm>> -> memref<128xi32, #tpu.memory_space<hbm>>
        %dma_start3A_69 = arith.constant 0 : i32
        %dma_start3A_70 = tpu.memref_slice %arg3[%add3A_63, %dma_start3A_69] : memref<625x128xi32, #tpu.memory_space<hbm>> -> memref<1x128xi32, #tpu.memory_space<hbm>>
        %dma_start3A_71 = tpu.memref_squeeze %dma_start3A_70 : memref<1x128xi32, #tpu.memory_space<hbm>> -> memref<128xi32, #tpu.memory_space<hbm>>
        tpu.enqueue_dma source(%dma_start3A_71 : memref<128xi32, #tpu.memory_space<hbm>>) target(%arg7 : memref<128xi32, #tpu.memory_space<vmem>>) target_semaphore(%run_scoped3A : memref<!tpu.dma_semaphore, #tpu.memory_space<semaphore_mem>>)
        %dma_wait3A = arith.constant 0 : i32
        %dma_wait3A_72 = tpu.memref_slice %arg3[%add3A_63, %dma_wait3A] : memref<625x128xi32, #tpu.memory_space<hbm>> -> memref<1x128xi32, #tpu.memory_space<hbm>>
        %dma_wait3A_73 = tpu.memref_squeeze %dma_wait3A_72 : memref<1x128xi32, #tpu.memory_space<hbm>> -> memref<128xi32, #tpu.memory_space<hbm>>
        %dma_wait3A_74 = arith.constant 0 : i32
        %dma_wait3A_75 = tpu.memref_slice %arg3[%add3A_63, %dma_wait3A_74] : memref<625x128xi32, #tpu.memory_space<hbm>> -> memref<1x128xi32, #tpu.memory_space<hbm>>
        %dma_wait3A_76 = tpu.memref_squeeze %dma_wait3A_75 : memref<1x128xi32, #tpu.memory_space<hbm>> -> memref<128xi32, #tpu.memory_space<hbm>>
        tpu.wait_dma2 semaphore(%run_scoped3A : memref<!tpu.dma_semaphore, #tpu.memory_space<semaphore_mem>>) src(%dma_wait3A_76 : memref<128xi32, #tpu.memory_space<hbm>>) dst(%arg7 : memref<128xi32, #tpu.memory_space<vmem>>)
        tpu.yield
      }) : () -> ()
      %mul3A_64 = arith.constant 128 : i32
      %mul3A_65 = arith.muli %add3A_63, %mul3A_64 : i32
      "tpu.region"() ({
        %run_scoped3A = tpu.sem_alloc : memref<!tpu.dma_semaphore, #tpu.memory_space<semaphore_mem>>
        %dma_start3A = arith.constant 0 : i32
        %dma_start3A_67 = tpu.memref_slice %arg2[%mul3A_65, %dma_start3A] : memref<80000x128xf32, #tpu.memory_space<hbm>> -> memref<128x128xf32, #tpu.memory_space<hbm>>
        %dma_start3A_68 = arith.constant 0 : i32
        %dma_start3A_69 = tpu.memref_slice %arg2[%mul3A_65, %dma_start3A_68] : memref<80000x128xf32, #tpu.memory_space<hbm>> -> memref<128x128xf32, #tpu.memory_space<hbm>>
        tpu.enqueue_dma source(%dma_start3A_69 : memref<128x128xf32, #tpu.memory_space<hbm>>) target(%arg8 : memref<128x128xf32, #tpu.memory_space<vmem>>) target_semaphore(%run_scoped3A : memref<!tpu.dma_semaphore, #tpu.memory_space<semaphore_mem>>)
        %dma_wait3A = arith.constant 0 : i32
        %dma_wait3A_70 = tpu.memref_slice %arg2[%mul3A_65, %dma_wait3A] : memref<80000x128xf32, #tpu.memory_space<hbm>> -> memref<128x128xf32, #tpu.memory_space<hbm>>
        %dma_wait3A_71 = arith.constant 0 : i32
        %dma_wait3A_72 = tpu.memref_slice %arg2[%mul3A_65, %dma_wait3A_71] : memref<80000x128xf32, #tpu.memory_space<hbm>> -> memref<128x128xf32, #tpu.memory_space<hbm>>
        tpu.wait_dma2 semaphore(%run_scoped3A : memref<!tpu.dma_semaphore, #tpu.memory_space<semaphore_mem>>) src(%dma_wait3A_72 : memref<128x128xf32, #tpu.memory_space<hbm>>) dst(%arg8 : memref<128x128xf32, #tpu.memory_space<vmem>>)
        tpu.yield
      }) : () -> ()
      "tpu.region"() ({
        %run_scoped3A = tpu.sem_alloc : memref<!tpu.dma_semaphore, #tpu.memory_space<semaphore_mem>>
        %dma_start3A = arith.constant 0 : i32
        %dma_start3A_67 = arith.constant 0 : i32
        %dma_start3A_68 = tpu.memref_slice %arg6[%dma_start3A, %dma_start3A_67] : memref<10240x128xf32, #tpu.memory_space<vmem_shared>> -> memref<10240x128xf32, #tpu.memory_space<vmem_shared>>
        tpu.enqueue_indirect_dma source(%arg8 : memref<128x128xf32, #tpu.memory_space<vmem>>) target(%dma_start3A_68 : memref<10240x128xf32, #tpu.memory_space<vmem_shared>>) offsets(%arg7 : memref<128xi32, #tpu.memory_space<vmem>>) semaphore(%run_scoped3A : memref<!tpu.dma_semaphore, #tpu.memory_space<semaphore_mem>>) {add = true}
        %dma_wait3A = arith.constant 0 : i32
        %dma_wait3A_69 = arith.constant 0 : i32
        %dma_wait3A_70 = tpu.memref_slice %arg6[%dma_wait3A, %dma_wait3A_69] : memref<10240x128xf32, #tpu.memory_space<vmem_shared>> -> memref<10240x128xf32, #tpu.memory_space<vmem_shared>>
        tpu.wait_indirect_dma semaphore(%run_scoped3A : memref<!tpu.dma_semaphore, #tpu.memory_space<semaphore_mem>>) src(%arg8 : memref<128x128xf32, #tpu.memory_space<vmem>>) dst(%dma_wait3A_70 : memref<10240x128xf32, #tpu.memory_space<vmem_shared>>)
        tpu.yield
      }) : () -> ()
      %while3A_66 = arith.constant 0 : i32
      scf.yield %while3A_66 : i32
    }
    %while3A_36 = arith.constant 1 : i32
    %while3A_37 = scf.for %while3A_59 = %while3A_33 to %while3A_29 step %while3A_36 iter_args(%while3A_60 = %while3A_35) -> (i32)  : i32 {
      %mul3A_61 = arith.constant 32 : i32
      %mul3A_62 = arith.muli %while3A_59, %mul3A_61 : i32
      %add3A_63 = arith.addi %add3A, %mul3A_62 : i32
      "tpu.region"() ({
        %run_scoped3A = tpu.sem_alloc : memref<!tpu.dma_semaphore, #tpu.memory_space<semaphore_mem>>
        %dma_start3A = arith.constant 0 : i32
        %dma_start3A_67 = tpu.memref_slice %arg3[%add3A_63, %dma_start3A] : memref<625x128xi32, #tpu.memory_space<hbm>> -> memref<1x128xi32, #tpu.memory_space<hbm>>
        %dma_start3A_68 = tpu.memref_squeeze %dma_start3A_67 : memref<1x128xi32, #tpu.memory_space<hbm>> -> memref<128xi32, #tpu.memory_space<hbm>>
        %dma_start3A_69 = arith.constant 0 : i32
        %dma_start3A_70 = tpu.memref_slice %arg3[%add3A_63, %dma_start3A_69] : memref<625x128xi32, #tpu.memory_space<hbm>> -> memref<1x128xi32, #tpu.memory_space<hbm>>
        %dma_start3A_71 = tpu.memref_squeeze %dma_start3A_70 : memref<1x128xi32, #tpu.memory_space<hbm>> -> memref<128xi32, #tpu.memory_space<hbm>>
        tpu.enqueue_dma source(%dma_start3A_71 : memref<128xi32, #tpu.memory_space<hbm>>) target(%arg7 : memref<128xi32, #tpu.memory_space<vmem>>) target_semaphore(%run_scoped3A : memref<!tpu.dma_semaphore, #tpu.memory_space<semaphore_mem>>)
        %dma_wait3A = arith.constant 0 : i32
        %dma_wait3A_72 = tpu.memref_slice %arg3[%add3A_63, %dma_wait3A] : memref<625x128xi32, #tpu.memory_space<hbm>> -> memref<1x128xi32, #tpu.memory_space<hbm>>
        %dma_wait3A_73 = tpu.memref_squeeze %dma_wait3A_72 : memref<1x128xi32, #tpu.memory_space<hbm>> -> memref<128xi32, #tpu.memory_space<hbm>>
        %dma_wait3A_74 = arith.constant 0 : i32
        %dma_wait3A_75 = tpu.memref_slice %arg3[%add3A_63, %dma_wait3A_74] : memref<625x128xi32, #tpu.memory_space<hbm>> -> memref<1x128xi32, #tpu.memory_space<hbm>>
        %dma_wait3A_76 = tpu.memref_squeeze %dma_wait3A_75 : memref<1x128xi32, #tpu.memory_space<hbm>> -> memref<128xi32, #tpu.memory_space<hbm>>
        tpu.wait_dma2 semaphore(%run_scoped3A : memref<!tpu.dma_semaphore, #tpu.memory_space<semaphore_mem>>) src(%dma_wait3A_76 : memref<128xi32, #tpu.memory_space<hbm>>) dst(%arg7 : memref<128xi32, #tpu.memory_space<vmem>>)
        tpu.yield
      }) : () -> ()
      %mul3A_64 = arith.constant 128 : i32
      %mul3A_65 = arith.muli %add3A_63, %mul3A_64 : i32
      "tpu.region"() ({
        %run_scoped3A = tpu.sem_alloc : memref<!tpu.dma_semaphore, #tpu.memory_space<semaphore_mem>>
        %dma_start3A = arith.constant 0 : i32
        %dma_start3A_67 = tpu.memref_slice %arg2[%mul3A_65, %dma_start3A] : memref<80000x128xf32, #tpu.memory_space<hbm>> -> memref<128x128xf32, #tpu.memory_space<hbm>>
        %dma_start3A_68 = arith.constant 0 : i32
        %dma_start3A_69 = tpu.memref_slice %arg2[%mul3A_65, %dma_start3A_68] : memref<80000x128xf32, #tpu.memory_space<hbm>> -> memref<128x128xf32, #tpu.memory_space<hbm>>
        tpu.enqueue_dma source(%dma_start3A_69 : memref<128x128xf32, #tpu.memory_space<hbm>>) target(%arg8 : memref<128x128xf32, #tpu.memory_space<vmem>>) target_semaphore(%run_scoped3A : memref<!tpu.dma_semaphore, #tpu.memory_space<semaphore_mem>>)
        %dma_wait3A = arith.constant 0 : i32
        %dma_wait3A_70 = tpu.memref_slice %arg2[%mul3A_65, %dma_wait3A] : memref<80000x128xf32, #tpu.memory_space<hbm>> -> memref<128x128xf32, #tpu.memory_space<hbm>>
        %dma_wait3A_71 = arith.constant 0 : i32
        %dma_wait3A_72 = tpu.memref_slice %arg2[%mul3A_65, %dma_wait3A_71] : memref<80000x128xf32, #tpu.memory_space<hbm>> -> memref<128x128xf32, #tpu.memory_space<hbm>>
        tpu.wait_dma2 semaphore(%run_scoped3A : memref<!tpu.dma_semaphore, #tpu.memory_space<semaphore_mem>>) src(%dma_wait3A_72 : memref<128x128xf32, #tpu.memory_space<hbm>>) dst(%arg8 : memref<128x128xf32, #tpu.memory_space<vmem>>)
        tpu.yield
      }) : () -> ()
      "tpu.region"() ({
        %run_scoped3A = tpu.sem_alloc : memref<!tpu.dma_semaphore, #tpu.memory_space<semaphore_mem>>
        %dma_start3A = arith.constant 0 : i32
        %dma_start3A_67 = arith.constant 0 : i32
        %dma_start3A_68 = tpu.memref_slice %arg6[%dma_start3A, %dma_start3A_67] : memref<10240x128xf32, #tpu.memory_space<vmem_shared>> -> memref<10240x128xf32, #tpu.memory_space<vmem_shared>>
        tpu.enqueue_indirect_dma source(%arg8 : memref<128x128xf32, #tpu.memory_space<vmem>>) target(%dma_start3A_68 : memref<10240x128xf32, #tpu.memory_space<vmem_shared>>) offsets(%arg7 : memref<128xi32, #tpu.memory_space<vmem>>) semaphore(%run_scoped3A : memref<!tpu.dma_semaphore, #tpu.memory_space<semaphore_mem>>) {add = true}
        %dma_wait3A = arith.constant 0 : i32
        %dma_wait3A_69 = arith.constant 0 : i32
        %dma_wait3A_70 = tpu.memref_slice %arg6[%dma_wait3A, %dma_wait3A_69] : memref<10240x128xf32, #tpu.memory_space<vmem_shared>> -> memref<10240x128xf32, #tpu.memory_space<vmem_shared>>
        tpu.wait_indirect_dma semaphore(%run_scoped3A : memref<!tpu.dma_semaphore, #tpu.memory_space<semaphore_mem>>) src(%arg8 : memref<128x128xf32, #tpu.memory_space<vmem>>) dst(%dma_wait3A_70 : memref<10240x128xf32, #tpu.memory_space<vmem_shared>>)
        tpu.yield
      }) : () -> ()
      %while3A_66 = arith.constant 0 : i32
      scf.yield %while3A_66 : i32
    }
    %barrier3A_38 = arith.constant 0 : index
    tpu.barrier barrier_id(%barrier3A_38)
    %mul3A_39 = arith.constant 640 : i32
    %mul3A_40 = arith.muli %arg1, %mul3A_39 : i32
    %add3A_41 = arith.constant 0 : i32
    %add3A_42 = arith.addi %mul3A_40, %add3A_41 : i32
    "tpu.region"() ({
      %run_scoped3A = tpu.sem_alloc : memref<!tpu.dma_semaphore, #tpu.memory_space<semaphore_mem>>
      %dma_start3A = arith.constant 0 : i32
      %dma_start3A_59 = tpu.memref_slice %arg6[%add3A_42, %dma_start3A] : memref<10240x128xf32, #tpu.memory_space<vmem_shared>> -> memref<128x128xf32, #tpu.memory_space<vmem_shared>>
      %dma_start3A_60 = arith.constant 0 : i32
      %dma_start3A_61 = tpu.memref_slice %arg6[%add3A_42, %dma_start3A_60] : memref<10240x128xf32, #tpu.memory_space<vmem_shared>> -> memref<128x128xf32, #tpu.memory_space<vmem_shared>>
      tpu.enqueue_dma source(%dma_start3A_61 : memref<128x128xf32, #tpu.memory_space<vmem_shared>>) target(%arg8 : memref<128x128xf32, #tpu.memory_space<vmem>>) target_semaphore(%run_scoped3A : memref<!tpu.dma_semaphore, #tpu.memory_space<semaphore_mem>>)
      %dma_wait3A = arith.constant 0 : i32
      %dma_wait3A_62 = tpu.memref_slice %arg6[%add3A_42, %dma_wait3A] : memref<10240x128xf32, #tpu.memory_space<vmem_shared>> -> memref<128x128xf32, #tpu.memory_space<vmem_shared>>
      %dma_wait3A_63 = arith.constant 0 : i32
      %dma_wait3A_64 = tpu.memref_slice %arg6[%add3A_42, %dma_wait3A_63] : memref<10240x128xf32, #tpu.memory_space<vmem_shared>> -> memref<128x128xf32, #tpu.memory_space<vmem_shared>>
      tpu.wait_dma2 semaphore(%run_scoped3A : memref<!tpu.dma_semaphore, #tpu.memory_space<semaphore_mem>>) src(%dma_wait3A_64 : memref<128x128xf32, #tpu.memory_space<vmem_shared>>) dst(%arg8 : memref<128x128xf32, #tpu.memory_space<vmem>>)
      tpu.yield
    }) : () -> ()
    "tpu.region"() ({
      %run_scoped3A = tpu.sem_alloc : memref<!tpu.dma_semaphore, #tpu.memory_space<semaphore_mem>>
      %dma_start3A = arith.constant 0 : i32
      %dma_start3A_59 = tpu.memref_slice %arg5[%arg0, %add3A_42, %dma_start3A] : memref<2x10240x128xf32, #tpu.memory_space<hbm>> -> memref<1x128x128xf32, #tpu.memory_space<hbm>>
      %dma_start3A_60 = tpu.memref_squeeze %dma_start3A_59 : memref<1x128x128xf32, #tpu.memory_space<hbm>> -> memref<128x128xf32, #tpu.memory_space<hbm>>
      %dma_start3A_61 = arith.constant 0 : i32
      %dma_start3A_62 = tpu.memref_slice %arg5[%arg0, %add3A_42, %dma_start3A_61] : memref<2x10240x128xf32, #tpu.memory_space<hbm>> -> memref<1x128x128xf32, #tpu.memory_space<hbm>>
      %dma_start3A_63 = tpu.memref_squeeze %dma_start3A_62 : memref<1x128x128xf32, #tpu.memory_space<hbm>> -> memref<128x128xf32, #tpu.memory_space<hbm>>
      tpu.enqueue_dma source(%arg8 : memref<128x128xf32, #tpu.memory_space<vmem>>) target(%dma_start3A_63 : memref<128x128xf32, #tpu.memory_space<hbm>>) target_semaphore(%run_scoped3A : memref<!tpu.dma_semaphore, #tpu.memory_space<semaphore_mem>>)
      %dma_wait3A = arith.constant 0 : i32
      %dma_wait3A_64 = tpu.memref_slice %arg5[%arg0, %add3A_42, %dma_wait3A] : memref<2x10240x128xf32, #tpu.memory_space<hbm>> -> memref<1x128x128xf32, #tpu.memory_space<hbm>>
      %dma_wait3A_65 = tpu.memref_squeeze %dma_wait3A_64 : memref<1x128x128xf32, #tpu.memory_space<hbm>> -> memref<128x128xf32, #tpu.memory_space<hbm>>
      %dma_wait3A_66 = arith.constant 0 : i32
      %dma_wait3A_67 = tpu.memref_slice %arg5[%arg0, %add3A_42, %dma_wait3A_66] : memref<2x10240x128xf32, #tpu.memory_space<hbm>> -> memref<1x128x128xf32, #tpu.memory_space<hbm>>
      %dma_wait3A_68 = tpu.memref_squeeze %dma_wait3A_67 : memref<1x128x128xf32, #tpu.memory_space<hbm>> -> memref<128x128xf32, #tpu.memory_space<hbm>>
      tpu.wait_dma2 semaphore(%run_scoped3A : memref<!tpu.dma_semaphore, #tpu.memory_space<semaphore_mem>>) src(%arg8 : memref<128x128xf32, #tpu.memory_space<vmem>>) dst(%dma_wait3A_68 : memref<128x128xf32, #tpu.memory_space<hbm>>)
      tpu.yield
    }) : () -> ()
    %mul3A_43 = arith.constant 640 : i32
    %mul3A_44 = arith.muli %arg1, %mul3A_43 : i32
    %add3A_45 = arith.constant 128 : i32
    %add3A_46 = arith.addi %mul3A_44, %add3A_45 : i32
    "tpu.region"() ({
      %run_scoped3A = tpu.sem_alloc : memref<!tpu.dma_semaphore, #tpu.memory_space<semaphore_mem>>
      %dma_start3A = arith.constant 0 : i32
      %dma_start3A_59 = tpu.memref_slice %arg6[%add3A_46, %dma_start3A] : memref<10240x128xf32, #tpu.memory_space<vmem_shared>> -> memref<128x128xf32, #tpu.memory_space<vmem_shared>>
      %dma_start3A_60 = arith.constant 0 : i32
      %dma_start3A_61 = tpu.memref_slice %arg6[%add3A_46, %dma_start3A_60] : memref<10240x128xf32, #tpu.memory_space<vmem_shared>> -> memref<128x128xf32, #tpu.memory_space<vmem_shared>>
      tpu.enqueue_dma source(%dma_start3A_61 : memref<128x128xf32, #tpu.memory_space<vmem_shared>>) target(%arg8 : memref<128x128xf32, #tpu.memory_space<vmem>>) target_semaphore(%run_scoped3A : memref<!tpu.dma_semaphore, #tpu.memory_space<semaphore_mem>>)
      %dma_wait3A = arith.constant 0 : i32
      %dma_wait3A_62 = tpu.memref_slice %arg6[%add3A_46, %dma_wait3A] : memref<10240x128xf32, #tpu.memory_space<vmem_shared>> -> memref<128x128xf32, #tpu.memory_space<vmem_shared>>
      %dma_wait3A_63 = arith.constant 0 : i32
      %dma_wait3A_64 = tpu.memref_slice %arg6[%add3A_46, %dma_wait3A_63] : memref<10240x128xf32, #tpu.memory_space<vmem_shared>> -> memref<128x128xf32, #tpu.memory_space<vmem_shared>>
      tpu.wait_dma2 semaphore(%run_scoped3A : memref<!tpu.dma_semaphore, #tpu.memory_space<semaphore_mem>>) src(%dma_wait3A_64 : memref<128x128xf32, #tpu.memory_space<vmem_shared>>) dst(%arg8 : memref<128x128xf32, #tpu.memory_space<vmem>>)
      tpu.yield
    }) : () -> ()
    "tpu.region"() ({
      %run_scoped3A = tpu.sem_alloc : memref<!tpu.dma_semaphore, #tpu.memory_space<semaphore_mem>>
      %dma_start3A = arith.constant 0 : i32
      %dma_start3A_59 = tpu.memref_slice %arg5[%arg0, %add3A_46, %dma_start3A] : memref<2x10240x128xf32, #tpu.memory_space<hbm>> -> memref<1x128x128xf32, #tpu.memory_space<hbm>>
      %dma_start3A_60 = tpu.memref_squeeze %dma_start3A_59 : memref<1x128x128xf32, #tpu.memory_space<hbm>> -> memref<128x128xf32, #tpu.memory_space<hbm>>
      %dma_start3A_61 = arith.constant 0 : i32
      %dma_start3A_62 = tpu.memref_slice %arg5[%arg0, %add3A_46, %dma_start3A_61] : memref<2x10240x128xf32, #tpu.memory_space<hbm>> -> memref<1x128x128xf32, #tpu.memory_space<hbm>>
      %dma_start3A_63 = tpu.memref_squeeze %dma_start3A_62 : memref<1x128x128xf32, #tpu.memory_space<hbm>> -> memref<128x128xf32, #tpu.memory_space<hbm>>
      tpu.enqueue_dma source(%arg8 : memref<128x128xf32, #tpu.memory_space<vmem>>) target(%dma_start3A_63 : memref<128x128xf32, #tpu.memory_space<hbm>>) target_semaphore(%run_scoped3A : memref<!tpu.dma_semaphore, #tpu.memory_space<semaphore_mem>>)
      %dma_wait3A = arith.constant 0 : i32
      %dma_wait3A_64 = tpu.memref_slice %arg5[%arg0, %add3A_46, %dma_wait3A] : memref<2x10240x128xf32, #tpu.memory_space<hbm>> -> memref<1x128x128xf32, #tpu.memory_space<hbm>>
      %dma_wait3A_65 = tpu.memref_squeeze %dma_wait3A_64 : memref<1x128x128xf32, #tpu.memory_space<hbm>> -> memref<128x128xf32, #tpu.memory_space<hbm>>
      %dma_wait3A_66 = arith.constant 0 : i32
      %dma_wait3A_67 = tpu.memref_slice %arg5[%arg0, %add3A_46, %dma_wait3A_66] : memref<2x10240x128xf32, #tpu.memory_space<hbm>> -> memref<1x128x128xf32, #tpu.memory_space<hbm>>
      %dma_wait3A_68 = tpu.memref_squeeze %dma_wait3A_67 : memref<1x128x128xf32, #tpu.memory_space<hbm>> -> memref<128x128xf32, #tpu.memory_space<hbm>>
      tpu.wait_dma2 semaphore(%run_scoped3A : memref<!tpu.dma_semaphore, #tpu.memory_space<semaphore_mem>>) src(%arg8 : memref<128x128xf32, #tpu.memory_space<vmem>>) dst(%dma_wait3A_68 : memref<128x128xf32, #tpu.memory_space<hbm>>)
      tpu.yield
    }) : () -> ()
    %mul3A_47 = arith.constant 640 : i32
    %mul3A_48 = arith.muli %arg1, %mul3A_47 : i32
    %add3A_49 = arith.constant 256 : i32
    %add3A_50 = arith.addi %mul3A_48, %add3A_49 : i32
    "tpu.region"() ({
      %run_scoped3A = tpu.sem_alloc : memref<!tpu.dma_semaphore, #tpu.memory_space<semaphore_mem>>
      %dma_start3A = arith.constant 0 : i32
      %dma_start3A_59 = tpu.memref_slice %arg6[%add3A_50, %dma_start3A] : memref<10240x128xf32, #tpu.memory_space<vmem_shared>> -> memref<128x128xf32, #tpu.memory_space<vmem_shared>>
      %dma_start3A_60 = arith.constant 0 : i32
      %dma_start3A_61 = tpu.memref_slice %arg6[%add3A_50, %dma_start3A_60] : memref<10240x128xf32, #tpu.memory_space<vmem_shared>> -> memref<128x128xf32, #tpu.memory_space<vmem_shared>>
      tpu.enqueue_dma source(%dma_start3A_61 : memref<128x128xf32, #tpu.memory_space<vmem_shared>>) target(%arg8 : memref<128x128xf32, #tpu.memory_space<vmem>>) target_semaphore(%run_scoped3A : memref<!tpu.dma_semaphore, #tpu.memory_space<semaphore_mem>>)
      %dma_wait3A = arith.constant 0 : i32
      %dma_wait3A_62 = tpu.memref_slice %arg6[%add3A_50, %dma_wait3A] : memref<10240x128xf32, #tpu.memory_space<vmem_shared>> -> memref<128x128xf32, #tpu.memory_space<vmem_shared>>
      %dma_wait3A_63 = arith.constant 0 : i32
      %dma_wait3A_64 = tpu.memref_slice %arg6[%add3A_50, %dma_wait3A_63] : memref<10240x128xf32, #tpu.memory_space<vmem_shared>> -> memref<128x128xf32, #tpu.memory_space<vmem_shared>>
      tpu.wait_dma2 semaphore(%run_scoped3A : memref<!tpu.dma_semaphore, #tpu.memory_space<semaphore_mem>>) src(%dma_wait3A_64 : memref<128x128xf32, #tpu.memory_space<vmem_shared>>) dst(%arg8 : memref<128x128xf32, #tpu.memory_space<vmem>>)
      tpu.yield
    }) : () -> ()
    "tpu.region"() ({
      %run_scoped3A = tpu.sem_alloc : memref<!tpu.dma_semaphore, #tpu.memory_space<semaphore_mem>>
      %dma_start3A = arith.constant 0 : i32
      %dma_start3A_59 = tpu.memref_slice %arg5[%arg0, %add3A_50, %dma_start3A] : memref<2x10240x128xf32, #tpu.memory_space<hbm>> -> memref<1x128x128xf32, #tpu.memory_space<hbm>>
      %dma_start3A_60 = tpu.memref_squeeze %dma_start3A_59 : memref<1x128x128xf32, #tpu.memory_space<hbm>> -> memref<128x128xf32, #tpu.memory_space<hbm>>
      %dma_start3A_61 = arith.constant 0 : i32
      %dma_start3A_62 = tpu.memref_slice %arg5[%arg0, %add3A_50, %dma_start3A_61] : memref<2x10240x128xf32, #tpu.memory_space<hbm>> -> memref<1x128x128xf32, #tpu.memory_space<hbm>>
      %dma_start3A_63 = tpu.memref_squeeze %dma_start3A_62 : memref<1x128x128xf32, #tpu.memory_space<hbm>> -> memref<128x128xf32, #tpu.memory_space<hbm>>
      tpu.enqueue_dma source(%arg8 : memref<128x128xf32, #tpu.memory_space<vmem>>) target(%dma_start3A_63 : memref<128x128xf32, #tpu.memory_space<hbm>>) target_semaphore(%run_scoped3A : memref<!tpu.dma_semaphore, #tpu.memory_space<semaphore_mem>>)
      %dma_wait3A = arith.constant 0 : i32
      %dma_wait3A_64 = tpu.memref_slice %arg5[%arg0, %add3A_50, %dma_wait3A] : memref<2x10240x128xf32, #tpu.memory_space<hbm>> -> memref<1x128x128xf32, #tpu.memory_space<hbm>>
      %dma_wait3A_65 = tpu.memref_squeeze %dma_wait3A_64 : memref<1x128x128xf32, #tpu.memory_space<hbm>> -> memref<128x128xf32, #tpu.memory_space<hbm>>
      %dma_wait3A_66 = arith.constant 0 : i32
      %dma_wait3A_67 = tpu.memref_slice %arg5[%arg0, %add3A_50, %dma_wait3A_66] : memref<2x10240x128xf32, #tpu.memory_space<hbm>> -> memref<1x128x128xf32, #tpu.memory_space<hbm>>
      %dma_wait3A_68 = tpu.memref_squeeze %dma_wait3A_67 : memref<1x128x128xf32, #tpu.memory_space<hbm>> -> memref<128x128xf32, #tpu.memory_space<hbm>>
      tpu.wait_dma2 semaphore(%run_scoped3A : memref<!tpu.dma_semaphore, #tpu.memory_space<semaphore_mem>>) src(%arg8 : memref<128x128xf32, #tpu.memory_space<vmem>>) dst(%dma_wait3A_68 : memref<128x128xf32, #tpu.memory_space<hbm>>)
      tpu.yield
    }) : () -> ()
    %mul3A_51 = arith.constant 640 : i32
    %mul3A_52 = arith.muli %arg1, %mul3A_51 : i32
    %add3A_53 = arith.constant 384 : i32
    %add3A_54 = arith.addi %mul3A_52, %add3A_53 : i32
    "tpu.region"() ({
      %run_scoped3A = tpu.sem_alloc : memref<!tpu.dma_semaphore, #tpu.memory_space<semaphore_mem>>
      %dma_start3A = arith.constant 0 : i32
      %dma_start3A_59 = tpu.memref_slice %arg6[%add3A_54, %dma_start3A] : memref<10240x128xf32, #tpu.memory_space<vmem_shared>> -> memref<128x128xf32, #tpu.memory_space<vmem_shared>>
      %dma_start3A_60 = arith.constant 0 : i32
      %dma_start3A_61 = tpu.memref_slice %arg6[%add3A_54, %dma_start3A_60] : memref<10240x128xf32, #tpu.memory_space<vmem_shared>> -> memref<128x128xf32, #tpu.memory_space<vmem_shared>>
      tpu.enqueue_dma source(%dma_start3A_61 : memref<128x128xf32, #tpu.memory_space<vmem_shared>>) target(%arg8 : memref<128x128xf32, #tpu.memory_space<vmem>>) target_semaphore(%run_scoped3A : memref<!tpu.dma_semaphore, #tpu.memory_space<semaphore_mem>>)
      %dma_wait3A = arith.constant 0 : i32
      %dma_wait3A_62 = tpu.memref_slice %arg6[%add3A_54, %dma_wait3A] : memref<10240x128xf32, #tpu.memory_space<vmem_shared>> -> memref<128x128xf32, #tpu.memory_space<vmem_shared>>
      %dma_wait3A_63 = arith.constant 0 : i32
      %dma_wait3A_64 = tpu.memref_slice %arg6[%add3A_54, %dma_wait3A_63] : memref<10240x128xf32, #tpu.memory_space<vmem_shared>> -> memref<128x128xf32, #tpu.memory_space<vmem_shared>>
      tpu.wait_dma2 semaphore(%run_scoped3A : memref<!tpu.dma_semaphore, #tpu.memory_space<semaphore_mem>>) src(%dma_wait3A_64 : memref<128x128xf32, #tpu.memory_space<vmem_shared>>) dst(%arg8 : memref<128x128xf32, #tpu.memory_space<vmem>>)
      tpu.yield
    }) : () -> ()
    "tpu.region"() ({
      %run_scoped3A = tpu.sem_alloc : memref<!tpu.dma_semaphore, #tpu.memory_space<semaphore_mem>>
      %dma_start3A = arith.constant 0 : i32
      %dma_start3A_59 = tpu.memref_slice %arg5[%arg0, %add3A_54, %dma_start3A] : memref<2x10240x128xf32, #tpu.memory_space<hbm>> -> memref<1x128x128xf32, #tpu.memory_space<hbm>>
      %dma_start3A_60 = tpu.memref_squeeze %dma_start3A_59 : memref<1x128x128xf32, #tpu.memory_space<hbm>> -> memref<128x128xf32, #tpu.memory_space<hbm>>
      %dma_start3A_61 = arith.constant 0 : i32
      %dma_start3A_62 = tpu.memref_slice %arg5[%arg0, %add3A_54, %dma_start3A_61] : memref<2x10240x128xf32, #tpu.memory_space<hbm>> -> memref<1x128x128xf32, #tpu.memory_space<hbm>>
      %dma_start3A_63 = tpu.memref_squeeze %dma_start3A_62 : memref<1x128x128xf32, #tpu.memory_space<hbm>> -> memref<128x128xf32, #tpu.memory_space<hbm>>
      tpu.enqueue_dma source(%arg8 : memref<128x128xf32, #tpu.memory_space<vmem>>) target(%dma_start3A_63 : memref<128x128xf32, #tpu.memory_space<hbm>>) target_semaphore(%run_scoped3A : memref<!tpu.dma_semaphore, #tpu.memory_space<semaphore_mem>>)
      %dma_wait3A = arith.constant 0 : i32
      %dma_wait3A_64 = tpu.memref_slice %arg5[%arg0, %add3A_54, %dma_wait3A] : memref<2x10240x128xf32, #tpu.memory_space<hbm>> -> memref<1x128x128xf32, #tpu.memory_space<hbm>>
      %dma_wait3A_65 = tpu.memref_squeeze %dma_wait3A_64 : memref<1x128x128xf32, #tpu.memory_space<hbm>> -> memref<128x128xf32, #tpu.memory_space<hbm>>
      %dma_wait3A_66 = arith.constant 0 : i32
      %dma_wait3A_67 = tpu.memref_slice %arg5[%arg0, %add3A_54, %dma_wait3A_66] : memref<2x10240x128xf32, #tpu.memory_space<hbm>> -> memref<1x128x128xf32, #tpu.memory_space<hbm>>
      %dma_wait3A_68 = tpu.memref_squeeze %dma_wait3A_67 : memref<1x128x128xf32, #tpu.memory_space<hbm>> -> memref<128x128xf32, #tpu.memory_space<hbm>>
      tpu.wait_dma2 semaphore(%run_scoped3A : memref<!tpu.dma_semaphore, #tpu.memory_space<semaphore_mem>>) src(%arg8 : memref<128x128xf32, #tpu.memory_space<vmem>>) dst(%dma_wait3A_68 : memref<128x128xf32, #tpu.memory_space<hbm>>)
      tpu.yield
    }) : () -> ()
    %mul3A_55 = arith.constant 640 : i32
    %mul3A_56 = arith.muli %arg1, %mul3A_55 : i32
    %add3A_57 = arith.constant 512 : i32
    %add3A_58 = arith.addi %mul3A_56, %add3A_57 : i32
    "tpu.region"() ({
      %run_scoped3A = tpu.sem_alloc : memref<!tpu.dma_semaphore, #tpu.memory_space<semaphore_mem>>
      %dma_start3A = arith.constant 0 : i32
      %dma_start3A_59 = tpu.memref_slice %arg6[%add3A_58, %dma_start3A] : memref<10240x128xf32, #tpu.memory_space<vmem_shared>> -> memref<128x128xf32, #tpu.memory_space<vmem_shared>>
      %dma_start3A_60 = arith.constant 0 : i32
      %dma_start3A_61 = tpu.memref_slice %arg6[%add3A_58, %dma_start3A_60] : memref<10240x128xf32, #tpu.memory_space<vmem_shared>> -> memref<128x128xf32, #tpu.memory_space<vmem_shared>>
      tpu.enqueue_dma source(%dma_start3A_61 : memref<128x128xf32, #tpu.memory_space<vmem_shared>>) target(%arg8 : memref<128x128xf32, #tpu.memory_space<vmem>>) target_semaphore(%run_scoped3A : memref<!tpu.dma_semaphore, #tpu.memory_space<semaphore_mem>>)
      %dma_wait3A = arith.constant 0 : i32
      %dma_wait3A_62 = tpu.memref_slice %arg6[%add3A_58, %dma_wait3A] : memref<10240x128xf32, #tpu.memory_space<vmem_shared>> -> memref<128x128xf32, #tpu.memory_space<vmem_shared>>
      %dma_wait3A_63 = arith.constant 0 : i32
      %dma_wait3A_64 = tpu.memref_slice %arg6[%add3A_58, %dma_wait3A_63] : memref<10240x128xf32, #tpu.memory_space<vmem_shared>> -> memref<128x128xf32, #tpu.memory_space<vmem_shared>>
      tpu.wait_dma2 semaphore(%run_scoped3A : memref<!tpu.dma_semaphore, #tpu.memory_space<semaphore_mem>>) src(%dma_wait3A_64 : memref<128x128xf32, #tpu.memory_space<vmem_shared>>) dst(%arg8 : memref<128x128xf32, #tpu.memory_space<vmem>>)
      tpu.yield
    }) : () -> ()
    "tpu.region"() ({
      %run_scoped3A = tpu.sem_alloc : memref<!tpu.dma_semaphore, #tpu.memory_space<semaphore_mem>>
      %dma_start3A = arith.constant 0 : i32
      %dma_start3A_59 = tpu.memref_slice %arg5[%arg0, %add3A_58, %dma_start3A] : memref<2x10240x128xf32, #tpu.memory_space<hbm>> -> memref<1x128x128xf32, #tpu.memory_space<hbm>>
      %dma_start3A_60 = tpu.memref_squeeze %dma_start3A_59 : memref<1x128x128xf32, #tpu.memory_space<hbm>> -> memref<128x128xf32, #tpu.memory_space<hbm>>
      %dma_start3A_61 = arith.constant 0 : i32
      %dma_start3A_62 = tpu.memref_slice %arg5[%arg0, %add3A_58, %dma_start3A_61] : memref<2x10240x128xf32, #tpu.memory_space<hbm>> -> memref<1x128x128xf32, #tpu.memory_space<hbm>>
      %dma_start3A_63 = tpu.memref_squeeze %dma_start3A_62 : memref<1x128x128xf32, #tpu.memory_space<hbm>> -> memref<128x128xf32, #tpu.memory_space<hbm>>
      tpu.enqueue_dma source(%arg8 : memref<128x128xf32, #tpu.memory_space<vmem>>) target(%dma_start3A_63 : memref<128x128xf32, #tpu.memory_space<hbm>>) target_semaphore(%run_scoped3A : memref<!tpu.dma_semaphore, #tpu.memory_space<semaphore_mem>>)
      %dma_wait3A = arith.constant 0 : i32
      %dma_wait3A_64 = tpu.memref_slice %arg5[%arg0, %add3A_58, %dma_wait3A] : memref<2x10240x128xf32, #tpu.memory_space<hbm>> -> memref<1x128x128xf32, #tpu.memory_space<hbm>>
      %dma_wait3A_65 = tpu.memref_squeeze %dma_wait3A_64 : memref<1x128x128xf32, #tpu.memory_space<hbm>> -> memref<128x128xf32, #tpu.memory_space<hbm>>
      %dma_wait3A_66 = arith.constant 0 : i32
      %dma_wait3A_67 = tpu.memref_slice %arg5[%arg0, %add3A_58, %dma_wait3A_66] : memref<2x10240x128xf32, #tpu.memory_space<hbm>> -> memref<1x128x128xf32, #tpu.memory_space<hbm>>
      %dma_wait3A_68 = tpu.memref_squeeze %dma_wait3A_67 : memref<1x128x128xf32, #tpu.memory_space<hbm>> -> memref<128x128xf32, #tpu.memory_space<hbm>>
      tpu.wait_dma2 semaphore(%run_scoped3A : memref<!tpu.dma_semaphore, #tpu.memory_space<semaphore_mem>>) src(%arg8 : memref<128x128xf32, #tpu.memory_space<vmem>>) dst(%dma_wait3A_68 : memref<128x128xf32, #tpu.memory_space<hbm>>)
      tpu.yield
    }) : () -> ()
    return
  }
}

#map = affine_map<(d0, d1) -> (0, 0)>
module attributes {stable_mosaic.version = 14 : i64} {
  func.func @k(%arg0: i32, %arg1: i32, %arg2: memref<50000x128xf32, #tpu.memory_space<hbm>>, %arg3: memref<313x512xi32, #tpu.memory_space<hbm>>, %arg4: memref<160256x128xf32, #tpu.memory_space<hbm>>, %arg5: memref<512xi32, #tpu.memory_space<vmem>>, %arg6: memref<512x128xf32, #tpu.memory_space<vmem>>, %arg7: memref<!tpu.dma_semaphore, #tpu.memory_space<semaphore_mem>>) attributes {dimension_semantics = [#tpu.dimension_semantics<core_parallel>, #tpu.dimension_semantics<subcore_parallel>], iteration_bounds = array<i64: 2, 16>, scalar_prefetch = 0 : i64, scratch_operands = 3 : i64, tpu.core_type = #tpu.core_type<sc_vector_subcore>, window_params = [{transform_indices = #map}, {transform_indices = #map}, {transform_indices = #map}]} {
    %mul3A = arith.constant 2 : i32
    %mul3A_0 = arith.muli %arg1, %mul3A : i32
    %add3A = arith.addi %mul3A_0, %arg0 : i32
    %sub3A = arith.constant 313 : i32
    %sub3A_1 = arith.subi %sub3A, %add3A : i32
    %add3A_2 = arith.constant 32 : i32
    %add3A_3 = arith.addi %sub3A_1, %add3A_2 : i32
    %sub3A_4 = arith.constant 1 : i32
    %sub3A_5 = arith.subi %add3A_3, %sub3A_4 : i32
    %jit3A = arith.constant 32 : i32
    %div3A = arith.divsi %sub3A_5, %jit3A : i32
    %sign3A = arith.constant 0 : i32
    %sign3A_6 = arith.cmpi sgt, %sub3A_5, %sign3A : i32
    %sign3A_7 = arith.extui %sign3A_6 : i1 to i32
    %sign3A_8 = arith.constant 0 : i32
    %sign3A_9 = arith.cmpi slt, %sub3A_5, %sign3A_8 : i32
    %sign3A_10 = arith.extui %sign3A_9 : i1 to i32
    %sign3A_11 = arith.subi %sign3A_7, %sign3A_10 : i32
    %sign3A_12 = arith.constant 0 : i32
    %sign3A_13 = arith.cmpi sgt, %jit3A, %sign3A_12 : i32
    %sign3A_14 = arith.extui %sign3A_13 : i1 to i32
    %sign3A_15 = arith.constant 0 : i32
    %sign3A_16 = arith.cmpi slt, %jit3A, %sign3A_15 : i32
    %sign3A_17 = arith.extui %sign3A_16 : i1 to i32
    %sign3A_18 = arith.subi %sign3A_14, %sign3A_17 : i32
    %ne3A = arith.cmpi ne, %sign3A_11, %sign3A_18 : i32
    %rem3A = arith.remsi %sub3A_5, %jit3A : i32
    %ne3A_19 = arith.constant 0 : i32
    %ne3A_20 = arith.cmpi ne, %rem3A, %ne3A_19 : i32
    %and3A = arith.andi %ne3A, %ne3A_20 : i1
    %sub3A_21 = arith.constant 1 : i32
    %sub3A_22 = arith.subi %div3A, %sub3A_21 : i32
    %select_n3A = arith.select %and3A, %sub3A_22, %div3A : i32
    %while3A = arith.constant 0 : i32
    %while3A_23 = arith.constant 0 : i32
    %while3A_24 = arith.subi %select_n3A, %while3A : i32
    %while3A_25 = arith.addi %while3A, %while3A_24 : i32
    %while3A_26 = arith.constant 1 : i32
    %while3A_27 = arith.divsi %while3A_24, %while3A_26 : i32
    %while3A_28 = arith.muli %while3A_27, %while3A_26 : i32
    %while3A_29 = arith.addi %while3A, %while3A_28 : i32
    %while3A_30 = arith.constant 1 : i32
    %while3A_31 = scf.for %while3A_34 = %while3A to %while3A_29 step %while3A_30 iter_args(%while3A_35 = %while3A_23) -> (i32)  : i32 {
      %mul3A_36 = arith.constant 32 : i32
      %mul3A_37 = arith.muli %while3A_34, %mul3A_36 : i32
      %add3A_38 = arith.addi %add3A, %mul3A_37 : i32
      "tpu.region"() ({
        %run_scoped3A = tpu.sem_alloc : memref<!tpu.dma_semaphore, #tpu.memory_space<semaphore_mem>>
        %dma_start3A_46 = arith.constant 0 : i32
        %dma_start3A_47 = tpu.memref_slice %arg3[%add3A_38, %dma_start3A_46] : memref<313x512xi32, #tpu.memory_space<hbm>> -> memref<1x512xi32, #tpu.memory_space<hbm>>
        %dma_start3A_48 = tpu.memref_squeeze %dma_start3A_47 : memref<1x512xi32, #tpu.memory_space<hbm>> -> memref<512xi32, #tpu.memory_space<hbm>>
        %dma_start3A_49 = arith.constant 0 : i32
        %dma_start3A_50 = tpu.memref_slice %arg3[%add3A_38, %dma_start3A_49] : memref<313x512xi32, #tpu.memory_space<hbm>> -> memref<1x512xi32, #tpu.memory_space<hbm>>
        %dma_start3A_51 = tpu.memref_squeeze %dma_start3A_50 : memref<1x512xi32, #tpu.memory_space<hbm>> -> memref<512xi32, #tpu.memory_space<hbm>>
        tpu.enqueue_dma source(%dma_start3A_51 : memref<512xi32, #tpu.memory_space<hbm>>) target(%arg5 : memref<512xi32, #tpu.memory_space<vmem>>) target_semaphore(%run_scoped3A : memref<!tpu.dma_semaphore, #tpu.memory_space<semaphore_mem>>)
        %dma_wait3A_52 = arith.constant 0 : i32
        %dma_wait3A_53 = tpu.memref_slice %arg3[%add3A_38, %dma_wait3A_52] : memref<313x512xi32, #tpu.memory_space<hbm>> -> memref<1x512xi32, #tpu.memory_space<hbm>>
        %dma_wait3A_54 = tpu.memref_squeeze %dma_wait3A_53 : memref<1x512xi32, #tpu.memory_space<hbm>> -> memref<512xi32, #tpu.memory_space<hbm>>
        %dma_wait3A_55 = arith.constant 0 : i32
        %dma_wait3A_56 = tpu.memref_slice %arg3[%add3A_38, %dma_wait3A_55] : memref<313x512xi32, #tpu.memory_space<hbm>> -> memref<1x512xi32, #tpu.memory_space<hbm>>
        %dma_wait3A_57 = tpu.memref_squeeze %dma_wait3A_56 : memref<1x512xi32, #tpu.memory_space<hbm>> -> memref<512xi32, #tpu.memory_space<hbm>>
        tpu.wait_dma2 semaphore(%run_scoped3A : memref<!tpu.dma_semaphore, #tpu.memory_space<semaphore_mem>>) src(%dma_wait3A_57 : memref<512xi32, #tpu.memory_space<hbm>>) dst(%arg5 : memref<512xi32, #tpu.memory_space<vmem>>)
        tpu.yield
      }) : () -> ()
      %dma_start3A = arith.constant 0 : i32
      %dma_start3A_39 = arith.constant 0 : i32
      %dma_start3A_40 = tpu.memref_slice %arg2[%dma_start3A, %dma_start3A_39] : memref<50000x128xf32, #tpu.memory_space<hbm>> -> memref<50000x128xf32, #tpu.memory_space<hbm>>
      tpu.enqueue_indirect_dma source(%dma_start3A_40 : memref<50000x128xf32, #tpu.memory_space<hbm>>) target(%arg6 : memref<512x128xf32, #tpu.memory_space<vmem>>) offsets(%arg5 : memref<512xi32, #tpu.memory_space<vmem>>) semaphore(%arg7 : memref<!tpu.dma_semaphore, #tpu.memory_space<semaphore_mem>>)
      %dma_wait3A = arith.constant 0 : i32
      %dma_wait3A_41 = arith.constant 0 : i32
      %dma_wait3A_42 = tpu.memref_slice %arg2[%dma_wait3A, %dma_wait3A_41] : memref<50000x128xf32, #tpu.memory_space<hbm>> -> memref<50000x128xf32, #tpu.memory_space<hbm>>
      tpu.wait_indirect_dma semaphore(%arg7 : memref<!tpu.dma_semaphore, #tpu.memory_space<semaphore_mem>>) src(%dma_wait3A_42 : memref<50000x128xf32, #tpu.memory_space<hbm>>) dst(%arg6 : memref<512x128xf32, #tpu.memory_space<vmem>>)
      %mul3A_43 = arith.constant 512 : i32
      %mul3A_44 = arith.muli %add3A_38, %mul3A_43 : i32
      "tpu.region"() ({
        %run_scoped3A = tpu.sem_alloc : memref<!tpu.dma_semaphore, #tpu.memory_space<semaphore_mem>>
        %dma_start3A_46 = arith.constant 0 : i32
        %dma_start3A_47 = tpu.memref_slice %arg4[%mul3A_44, %dma_start3A_46] : memref<160256x128xf32, #tpu.memory_space<hbm>> -> memref<512x128xf32, #tpu.memory_space<hbm>>
        %dma_start3A_48 = arith.constant 0 : i32
        %dma_start3A_49 = tpu.memref_slice %arg4[%mul3A_44, %dma_start3A_48] : memref<160256x128xf32, #tpu.memory_space<hbm>> -> memref<512x128xf32, #tpu.memory_space<hbm>>
        tpu.enqueue_dma source(%arg6 : memref<512x128xf32, #tpu.memory_space<vmem>>) target(%dma_start3A_49 : memref<512x128xf32, #tpu.memory_space<hbm>>) target_semaphore(%run_scoped3A : memref<!tpu.dma_semaphore, #tpu.memory_space<semaphore_mem>>)
        %dma_wait3A_50 = arith.constant 0 : i32
        %dma_wait3A_51 = tpu.memref_slice %arg4[%mul3A_44, %dma_wait3A_50] : memref<160256x128xf32, #tpu.memory_space<hbm>> -> memref<512x128xf32, #tpu.memory_space<hbm>>
        %dma_wait3A_52 = arith.constant 0 : i32
        %dma_wait3A_53 = tpu.memref_slice %arg4[%mul3A_44, %dma_wait3A_52] : memref<160256x128xf32, #tpu.memory_space<hbm>> -> memref<512x128xf32, #tpu.memory_space<hbm>>
        tpu.wait_dma2 semaphore(%run_scoped3A : memref<!tpu.dma_semaphore, #tpu.memory_space<semaphore_mem>>) src(%arg6 : memref<512x128xf32, #tpu.memory_space<vmem>>) dst(%dma_wait3A_53 : memref<512x128xf32, #tpu.memory_space<hbm>>)
        tpu.yield
      }) : () -> ()
      %while3A_45 = arith.constant 0 : i32
      scf.yield %while3A_45 : i32
    }
    %while3A_32 = arith.constant 1 : i32
    %while3A_33 = scf.for %while3A_34 = %while3A_29 to %while3A_25 step %while3A_32 iter_args(%while3A_35 = %while3A_31) -> (i32)  : i32 {
      %mul3A_36 = arith.constant 32 : i32
      %mul3A_37 = arith.muli %while3A_34, %mul3A_36 : i32
      %add3A_38 = arith.addi %add3A, %mul3A_37 : i32
      "tpu.region"() ({
        %run_scoped3A = tpu.sem_alloc : memref<!tpu.dma_semaphore, #tpu.memory_space<semaphore_mem>>
        %dma_start3A_46 = arith.constant 0 : i32
        %dma_start3A_47 = tpu.memref_slice %arg3[%add3A_38, %dma_start3A_46] : memref<313x512xi32, #tpu.memory_space<hbm>> -> memref<1x512xi32, #tpu.memory_space<hbm>>
        %dma_start3A_48 = tpu.memref_squeeze %dma_start3A_47 : memref<1x512xi32, #tpu.memory_space<hbm>> -> memref<512xi32, #tpu.memory_space<hbm>>
        %dma_start3A_49 = arith.constant 0 : i32
        %dma_start3A_50 = tpu.memref_slice %arg3[%add3A_38, %dma_start3A_49] : memref<313x512xi32, #tpu.memory_space<hbm>> -> memref<1x512xi32, #tpu.memory_space<hbm>>
        %dma_start3A_51 = tpu.memref_squeeze %dma_start3A_50 : memref<1x512xi32, #tpu.memory_space<hbm>> -> memref<512xi32, #tpu.memory_space<hbm>>
        tpu.enqueue_dma source(%dma_start3A_51 : memref<512xi32, #tpu.memory_space<hbm>>) target(%arg5 : memref<512xi32, #tpu.memory_space<vmem>>) target_semaphore(%run_scoped3A : memref<!tpu.dma_semaphore, #tpu.memory_space<semaphore_mem>>)
        %dma_wait3A_52 = arith.constant 0 : i32
        %dma_wait3A_53 = tpu.memref_slice %arg3[%add3A_38, %dma_wait3A_52] : memref<313x512xi32, #tpu.memory_space<hbm>> -> memref<1x512xi32, #tpu.memory_space<hbm>>
        %dma_wait3A_54 = tpu.memref_squeeze %dma_wait3A_53 : memref<1x512xi32, #tpu.memory_space<hbm>> -> memref<512xi32, #tpu.memory_space<hbm>>
        %dma_wait3A_55 = arith.constant 0 : i32
        %dma_wait3A_56 = tpu.memref_slice %arg3[%add3A_38, %dma_wait3A_55] : memref<313x512xi32, #tpu.memory_space<hbm>> -> memref<1x512xi32, #tpu.memory_space<hbm>>
        %dma_wait3A_57 = tpu.memref_squeeze %dma_wait3A_56 : memref<1x512xi32, #tpu.memory_space<hbm>> -> memref<512xi32, #tpu.memory_space<hbm>>
        tpu.wait_dma2 semaphore(%run_scoped3A : memref<!tpu.dma_semaphore, #tpu.memory_space<semaphore_mem>>) src(%dma_wait3A_57 : memref<512xi32, #tpu.memory_space<hbm>>) dst(%arg5 : memref<512xi32, #tpu.memory_space<vmem>>)
        tpu.yield
      }) : () -> ()
      %dma_start3A = arith.constant 0 : i32
      %dma_start3A_39 = arith.constant 0 : i32
      %dma_start3A_40 = tpu.memref_slice %arg2[%dma_start3A, %dma_start3A_39] : memref<50000x128xf32, #tpu.memory_space<hbm>> -> memref<50000x128xf32, #tpu.memory_space<hbm>>
      tpu.enqueue_indirect_dma source(%dma_start3A_40 : memref<50000x128xf32, #tpu.memory_space<hbm>>) target(%arg6 : memref<512x128xf32, #tpu.memory_space<vmem>>) offsets(%arg5 : memref<512xi32, #tpu.memory_space<vmem>>) semaphore(%arg7 : memref<!tpu.dma_semaphore, #tpu.memory_space<semaphore_mem>>)
      %dma_wait3A = arith.constant 0 : i32
      %dma_wait3A_41 = arith.constant 0 : i32
      %dma_wait3A_42 = tpu.memref_slice %arg2[%dma_wait3A, %dma_wait3A_41] : memref<50000x128xf32, #tpu.memory_space<hbm>> -> memref<50000x128xf32, #tpu.memory_space<hbm>>
      tpu.wait_indirect_dma semaphore(%arg7 : memref<!tpu.dma_semaphore, #tpu.memory_space<semaphore_mem>>) src(%dma_wait3A_42 : memref<50000x128xf32, #tpu.memory_space<hbm>>) dst(%arg6 : memref<512x128xf32, #tpu.memory_space<vmem>>)
      %mul3A_43 = arith.constant 512 : i32
      %mul3A_44 = arith.muli %add3A_38, %mul3A_43 : i32
      "tpu.region"() ({
        %run_scoped3A = tpu.sem_alloc : memref<!tpu.dma_semaphore, #tpu.memory_space<semaphore_mem>>
        %dma_start3A_46 = arith.constant 0 : i32
        %dma_start3A_47 = tpu.memref_slice %arg4[%mul3A_44, %dma_start3A_46] : memref<160256x128xf32, #tpu.memory_space<hbm>> -> memref<512x128xf32, #tpu.memory_space<hbm>>
        %dma_start3A_48 = arith.constant 0 : i32
        %dma_start3A_49 = tpu.memref_slice %arg4[%mul3A_44, %dma_start3A_48] : memref<160256x128xf32, #tpu.memory_space<hbm>> -> memref<512x128xf32, #tpu.memory_space<hbm>>
        tpu.enqueue_dma source(%arg6 : memref<512x128xf32, #tpu.memory_space<vmem>>) target(%dma_start3A_49 : memref<512x128xf32, #tpu.memory_space<hbm>>) target_semaphore(%run_scoped3A : memref<!tpu.dma_semaphore, #tpu.memory_space<semaphore_mem>>)
        %dma_wait3A_50 = arith.constant 0 : i32
        %dma_wait3A_51 = tpu.memref_slice %arg4[%mul3A_44, %dma_wait3A_50] : memref<160256x128xf32, #tpu.memory_space<hbm>> -> memref<512x128xf32, #tpu.memory_space<hbm>>
        %dma_wait3A_52 = arith.constant 0 : i32
        %dma_wait3A_53 = tpu.memref_slice %arg4[%mul3A_44, %dma_wait3A_52] : memref<160256x128xf32, #tpu.memory_space<hbm>> -> memref<512x128xf32, #tpu.memory_space<hbm>>
        tpu.wait_dma2 semaphore(%run_scoped3A : memref<!tpu.dma_semaphore, #tpu.memory_space<semaphore_mem>>) src(%arg6 : memref<512x128xf32, #tpu.memory_space<vmem>>) dst(%dma_wait3A_53 : memref<512x128xf32, #tpu.memory_space<hbm>>)
        tpu.yield
      }) : () -> ()
      %while3A_45 = arith.constant 0 : i32
      scf.yield %while3A_45 : i32
    }
    return
  }
}

#map = affine_map<(d0, d1) -> (0, 0)>
module attributes {stable_mosaic.version = 14 : i64} {
  func.func @k(%arg0: i32, %arg1: i32, %arg2: memref<50000x128xf32, #tpu.memory_space<hbm>>, %arg3: memref<625x512xi32, #tpu.memory_space<hbm>>, %arg4: memref<320000x128xf32, #tpu.memory_space<hbm>>, %arg5: memref<512xi32, #tpu.memory_space<vmem>>, %arg6: memref<512x128xf32, #tpu.memory_space<vmem>>, %arg7: memref<!tpu.dma_semaphore, #tpu.memory_space<semaphore_mem>>) attributes {dimension_semantics = [#tpu.dimension_semantics<core_parallel>, #tpu.dimension_semantics<subcore_parallel>], iteration_bounds = array<i64: 2, 16>, scalar_prefetch = 0 : i64, scratch_operands = 3 : i64, tpu.core_type = #tpu.core_type<sc_vector_subcore>, window_params = [{transform_indices = #map}, {transform_indices = #map}, {transform_indices = #map}]} {
    %mul3A = arith.constant 2 : i32
    %mul3A_0 = arith.muli %arg1, %mul3A : i32
    %add3A = arith.addi %mul3A_0, %arg0 : i32
    %sub3A = arith.constant 625 : i32
    %sub3A_1 = arith.subi %sub3A, %add3A : i32
    %add3A_2 = arith.constant 32 : i32
    %add3A_3 = arith.addi %sub3A_1, %add3A_2 : i32
    %sub3A_4 = arith.constant 1 : i32
    %sub3A_5 = arith.subi %add3A_3, %sub3A_4 : i32
    %jit3A = arith.constant 32 : i32
    %div3A = arith.divsi %sub3A_5, %jit3A : i32
    %sign3A = arith.constant 0 : i32
    %sign3A_6 = arith.cmpi sgt, %sub3A_5, %sign3A : i32
    %sign3A_7 = arith.extui %sign3A_6 : i1 to i32
    %sign3A_8 = arith.constant 0 : i32
    %sign3A_9 = arith.cmpi slt, %sub3A_5, %sign3A_8 : i32
    %sign3A_10 = arith.extui %sign3A_9 : i1 to i32
    %sign3A_11 = arith.subi %sign3A_7, %sign3A_10 : i32
    %sign3A_12 = arith.constant 0 : i32
    %sign3A_13 = arith.cmpi sgt, %jit3A, %sign3A_12 : i32
    %sign3A_14 = arith.extui %sign3A_13 : i1 to i32
    %sign3A_15 = arith.constant 0 : i32
    %sign3A_16 = arith.cmpi slt, %jit3A, %sign3A_15 : i32
    %sign3A_17 = arith.extui %sign3A_16 : i1 to i32
    %sign3A_18 = arith.subi %sign3A_14, %sign3A_17 : i32
    %ne3A = arith.cmpi ne, %sign3A_11, %sign3A_18 : i32
    %rem3A = arith.remsi %sub3A_5, %jit3A : i32
    %ne3A_19 = arith.constant 0 : i32
    %ne3A_20 = arith.cmpi ne, %rem3A, %ne3A_19 : i32
    %and3A = arith.andi %ne3A, %ne3A_20 : i1
    %sub3A_21 = arith.constant 1 : i32
    %sub3A_22 = arith.subi %div3A, %sub3A_21 : i32
    %select_n3A = arith.select %and3A, %sub3A_22, %div3A : i32
    %while3A = arith.constant 0 : i32
    %while3A_23 = arith.constant 0 : i32
    %while3A_24 = arith.subi %select_n3A, %while3A : i32
    %while3A_25 = arith.addi %while3A, %while3A_24 : i32
    %while3A_26 = arith.constant 1 : i32
    %while3A_27 = arith.divsi %while3A_24, %while3A_26 : i32
    %while3A_28 = arith.muli %while3A_27, %while3A_26 : i32
    %while3A_29 = arith.addi %while3A, %while3A_28 : i32
    %while3A_30 = arith.constant 1 : i32
    %while3A_31 = scf.for %while3A_34 = %while3A to %while3A_29 step %while3A_30 iter_args(%while3A_35 = %while3A_23) -> (i32)  : i32 {
      %mul3A_36 = arith.constant 32 : i32
      %mul3A_37 = arith.muli %while3A_34, %mul3A_36 : i32
      %add3A_38 = arith.addi %add3A, %mul3A_37 : i32
      "tpu.region"() ({
        %run_scoped3A = tpu.sem_alloc : memref<!tpu.dma_semaphore, #tpu.memory_space<semaphore_mem>>
        %dma_start3A_46 = arith.constant 0 : i32
        %dma_start3A_47 = tpu.memref_slice %arg3[%add3A_38, %dma_start3A_46] : memref<625x512xi32, #tpu.memory_space<hbm>> -> memref<1x512xi32, #tpu.memory_space<hbm>>
        %dma_start3A_48 = tpu.memref_squeeze %dma_start3A_47 : memref<1x512xi32, #tpu.memory_space<hbm>> -> memref<512xi32, #tpu.memory_space<hbm>>
        %dma_start3A_49 = arith.constant 0 : i32
        %dma_start3A_50 = tpu.memref_slice %arg3[%add3A_38, %dma_start3A_49] : memref<625x512xi32, #tpu.memory_space<hbm>> -> memref<1x512xi32, #tpu.memory_space<hbm>>
        %dma_start3A_51 = tpu.memref_squeeze %dma_start3A_50 : memref<1x512xi32, #tpu.memory_space<hbm>> -> memref<512xi32, #tpu.memory_space<hbm>>
        tpu.enqueue_dma source(%dma_start3A_51 : memref<512xi32, #tpu.memory_space<hbm>>) target(%arg5 : memref<512xi32, #tpu.memory_space<vmem>>) target_semaphore(%run_scoped3A : memref<!tpu.dma_semaphore, #tpu.memory_space<semaphore_mem>>)
        %dma_wait3A_52 = arith.constant 0 : i32
        %dma_wait3A_53 = tpu.memref_slice %arg3[%add3A_38, %dma_wait3A_52] : memref<625x512xi32, #tpu.memory_space<hbm>> -> memref<1x512xi32, #tpu.memory_space<hbm>>
        %dma_wait3A_54 = tpu.memref_squeeze %dma_wait3A_53 : memref<1x512xi32, #tpu.memory_space<hbm>> -> memref<512xi32, #tpu.memory_space<hbm>>
        %dma_wait3A_55 = arith.constant 0 : i32
        %dma_wait3A_56 = tpu.memref_slice %arg3[%add3A_38, %dma_wait3A_55] : memref<625x512xi32, #tpu.memory_space<hbm>> -> memref<1x512xi32, #tpu.memory_space<hbm>>
        %dma_wait3A_57 = tpu.memref_squeeze %dma_wait3A_56 : memref<1x512xi32, #tpu.memory_space<hbm>> -> memref<512xi32, #tpu.memory_space<hbm>>
        tpu.wait_dma2 semaphore(%run_scoped3A : memref<!tpu.dma_semaphore, #tpu.memory_space<semaphore_mem>>) src(%dma_wait3A_57 : memref<512xi32, #tpu.memory_space<hbm>>) dst(%arg5 : memref<512xi32, #tpu.memory_space<vmem>>)
        tpu.yield
      }) : () -> ()
      %dma_start3A = arith.constant 0 : i32
      %dma_start3A_39 = arith.constant 0 : i32
      %dma_start3A_40 = tpu.memref_slice %arg2[%dma_start3A, %dma_start3A_39] : memref<50000x128xf32, #tpu.memory_space<hbm>> -> memref<50000x128xf32, #tpu.memory_space<hbm>>
      tpu.enqueue_indirect_dma source(%dma_start3A_40 : memref<50000x128xf32, #tpu.memory_space<hbm>>) target(%arg6 : memref<512x128xf32, #tpu.memory_space<vmem>>) offsets(%arg5 : memref<512xi32, #tpu.memory_space<vmem>>) semaphore(%arg7 : memref<!tpu.dma_semaphore, #tpu.memory_space<semaphore_mem>>)
      %dma_wait3A = arith.constant 0 : i32
      %dma_wait3A_41 = arith.constant 0 : i32
      %dma_wait3A_42 = tpu.memref_slice %arg2[%dma_wait3A, %dma_wait3A_41] : memref<50000x128xf32, #tpu.memory_space<hbm>> -> memref<50000x128xf32, #tpu.memory_space<hbm>>
      tpu.wait_indirect_dma semaphore(%arg7 : memref<!tpu.dma_semaphore, #tpu.memory_space<semaphore_mem>>) src(%dma_wait3A_42 : memref<50000x128xf32, #tpu.memory_space<hbm>>) dst(%arg6 : memref<512x128xf32, #tpu.memory_space<vmem>>)
      %mul3A_43 = arith.constant 512 : i32
      %mul3A_44 = arith.muli %add3A_38, %mul3A_43 : i32
      "tpu.region"() ({
        %run_scoped3A = tpu.sem_alloc : memref<!tpu.dma_semaphore, #tpu.memory_space<semaphore_mem>>
        %dma_start3A_46 = arith.constant 0 : i32
        %dma_start3A_47 = tpu.memref_slice %arg4[%mul3A_44, %dma_start3A_46] : memref<320000x128xf32, #tpu.memory_space<hbm>> -> memref<512x128xf32, #tpu.memory_space<hbm>>
        %dma_start3A_48 = arith.constant 0 : i32
        %dma_start3A_49 = tpu.memref_slice %arg4[%mul3A_44, %dma_start3A_48] : memref<320000x128xf32, #tpu.memory_space<hbm>> -> memref<512x128xf32, #tpu.memory_space<hbm>>
        tpu.enqueue_dma source(%arg6 : memref<512x128xf32, #tpu.memory_space<vmem>>) target(%dma_start3A_49 : memref<512x128xf32, #tpu.memory_space<hbm>>) target_semaphore(%run_scoped3A : memref<!tpu.dma_semaphore, #tpu.memory_space<semaphore_mem>>)
        %dma_wait3A_50 = arith.constant 0 : i32
        %dma_wait3A_51 = tpu.memref_slice %arg4[%mul3A_44, %dma_wait3A_50] : memref<320000x128xf32, #tpu.memory_space<hbm>> -> memref<512x128xf32, #tpu.memory_space<hbm>>
        %dma_wait3A_52 = arith.constant 0 : i32
        %dma_wait3A_53 = tpu.memref_slice %arg4[%mul3A_44, %dma_wait3A_52] : memref<320000x128xf32, #tpu.memory_space<hbm>> -> memref<512x128xf32, #tpu.memory_space<hbm>>
        tpu.wait_dma2 semaphore(%run_scoped3A : memref<!tpu.dma_semaphore, #tpu.memory_space<semaphore_mem>>) src(%arg6 : memref<512x128xf32, #tpu.memory_space<vmem>>) dst(%dma_wait3A_53 : memref<512x128xf32, #tpu.memory_space<hbm>>)
        tpu.yield
      }) : () -> ()
      %while3A_45 = arith.constant 0 : i32
      scf.yield %while3A_45 : i32
    }
    %while3A_32 = arith.constant 1 : i32
    %while3A_33 = scf.for %while3A_34 = %while3A_29 to %while3A_25 step %while3A_32 iter_args(%while3A_35 = %while3A_31) -> (i32)  : i32 {
      %mul3A_36 = arith.constant 32 : i32
      %mul3A_37 = arith.muli %while3A_34, %mul3A_36 : i32
      %add3A_38 = arith.addi %add3A, %mul3A_37 : i32
      "tpu.region"() ({
        %run_scoped3A = tpu.sem_alloc : memref<!tpu.dma_semaphore, #tpu.memory_space<semaphore_mem>>
        %dma_start3A_46 = arith.constant 0 : i32
        %dma_start3A_47 = tpu.memref_slice %arg3[%add3A_38, %dma_start3A_46] : memref<625x512xi32, #tpu.memory_space<hbm>> -> memref<1x512xi32, #tpu.memory_space<hbm>>
        %dma_start3A_48 = tpu.memref_squeeze %dma_start3A_47 : memref<1x512xi32, #tpu.memory_space<hbm>> -> memref<512xi32, #tpu.memory_space<hbm>>
        %dma_start3A_49 = arith.constant 0 : i32
        %dma_start3A_50 = tpu.memref_slice %arg3[%add3A_38, %dma_start3A_49] : memref<625x512xi32, #tpu.memory_space<hbm>> -> memref<1x512xi32, #tpu.memory_space<hbm>>
        %dma_start3A_51 = tpu.memref_squeeze %dma_start3A_50 : memref<1x512xi32, #tpu.memory_space<hbm>> -> memref<512xi32, #tpu.memory_space<hbm>>
        tpu.enqueue_dma source(%dma_start3A_51 : memref<512xi32, #tpu.memory_space<hbm>>) target(%arg5 : memref<512xi32, #tpu.memory_space<vmem>>) target_semaphore(%run_scoped3A : memref<!tpu.dma_semaphore, #tpu.memory_space<semaphore_mem>>)
        %dma_wait3A_52 = arith.constant 0 : i32
        %dma_wait3A_53 = tpu.memref_slice %arg3[%add3A_38, %dma_wait3A_52] : memref<625x512xi32, #tpu.memory_space<hbm>> -> memref<1x512xi32, #tpu.memory_space<hbm>>
        %dma_wait3A_54 = tpu.memref_squeeze %dma_wait3A_53 : memref<1x512xi32, #tpu.memory_space<hbm>> -> memref<512xi32, #tpu.memory_space<hbm>>
        %dma_wait3A_55 = arith.constant 0 : i32
        %dma_wait3A_56 = tpu.memref_slice %arg3[%add3A_38, %dma_wait3A_55] : memref<625x512xi32, #tpu.memory_space<hbm>> -> memref<1x512xi32, #tpu.memory_space<hbm>>
        %dma_wait3A_57 = tpu.memref_squeeze %dma_wait3A_56 : memref<1x512xi32, #tpu.memory_space<hbm>> -> memref<512xi32, #tpu.memory_space<hbm>>
        tpu.wait_dma2 semaphore(%run_scoped3A : memref<!tpu.dma_semaphore, #tpu.memory_space<semaphore_mem>>) src(%dma_wait3A_57 : memref<512xi32, #tpu.memory_space<hbm>>) dst(%arg5 : memref<512xi32, #tpu.memory_space<vmem>>)
        tpu.yield
      }) : () -> ()
      %dma_start3A = arith.constant 0 : i32
      %dma_start3A_39 = arith.constant 0 : i32
      %dma_start3A_40 = tpu.memref_slice %arg2[%dma_start3A, %dma_start3A_39] : memref<50000x128xf32, #tpu.memory_space<hbm>> -> memref<50000x128xf32, #tpu.memory_space<hbm>>
      tpu.enqueue_indirect_dma source(%dma_start3A_40 : memref<50000x128xf32, #tpu.memory_space<hbm>>) target(%arg6 : memref<512x128xf32, #tpu.memory_space<vmem>>) offsets(%arg5 : memref<512xi32, #tpu.memory_space<vmem>>) semaphore(%arg7 : memref<!tpu.dma_semaphore, #tpu.memory_space<semaphore_mem>>)
      %dma_wait3A = arith.constant 0 : i32
      %dma_wait3A_41 = arith.constant 0 : i32
      %dma_wait3A_42 = tpu.memref_slice %arg2[%dma_wait3A, %dma_wait3A_41] : memref<50000x128xf32, #tpu.memory_space<hbm>> -> memref<50000x128xf32, #tpu.memory_space<hbm>>
      tpu.wait_indirect_dma semaphore(%arg7 : memref<!tpu.dma_semaphore, #tpu.memory_space<semaphore_mem>>) src(%dma_wait3A_42 : memref<50000x128xf32, #tpu.memory_space<hbm>>) dst(%arg6 : memref<512x128xf32, #tpu.memory_space<vmem>>)
      %mul3A_43 = arith.constant 512 : i32
      %mul3A_44 = arith.muli %add3A_38, %mul3A_43 : i32
      "tpu.region"() ({
        %run_scoped3A = tpu.sem_alloc : memref<!tpu.dma_semaphore, #tpu.memory_space<semaphore_mem>>
        %dma_start3A_46 = arith.constant 0 : i32
        %dma_start3A_47 = tpu.memref_slice %arg4[%mul3A_44, %dma_start3A_46] : memref<320000x128xf32, #tpu.memory_space<hbm>> -> memref<512x128xf32, #tpu.memory_space<hbm>>
        %dma_start3A_48 = arith.constant 0 : i32
        %dma_start3A_49 = tpu.memref_slice %arg4[%mul3A_44, %dma_start3A_48] : memref<320000x128xf32, #tpu.memory_space<hbm>> -> memref<512x128xf32, #tpu.memory_space<hbm>>
        tpu.enqueue_dma source(%arg6 : memref<512x128xf32, #tpu.memory_space<vmem>>) target(%dma_start3A_49 : memref<512x128xf32, #tpu.memory_space<hbm>>) target_semaphore(%run_scoped3A : memref<!tpu.dma_semaphore, #tpu.memory_space<semaphore_mem>>)
        %dma_wait3A_50 = arith.constant 0 : i32
        %dma_wait3A_51 = tpu.memref_slice %arg4[%mul3A_44, %dma_wait3A_50] : memref<320000x128xf32, #tpu.memory_space<hbm>> -> memref<512x128xf32, #tpu.memory_space<hbm>>
        %dma_wait3A_52 = arith.constant 0 : i32
        %dma_wait3A_53 = tpu.memref_slice %arg4[%mul3A_44, %dma_wait3A_52] : memref<320000x128xf32, #tpu.memory_space<hbm>> -> memref<512x128xf32, #tpu.memory_space<hbm>>
        tpu.wait_dma2 semaphore(%run_scoped3A : memref<!tpu.dma_semaphore, #tpu.memory_space<semaphore_mem>>) src(%arg6 : memref<512x128xf32, #tpu.memory_space<vmem>>) dst(%dma_wait3A_53 : memref<512x128xf32, #tpu.memory_space<hbm>>)
        tpu.yield
      }) : () -> ()
      %while3A_45 = arith.constant 0 : i32
      scf.yield %while3A_45 : i32
    }
    return
  }
}

module attributes {stable_mosaic.version = 14 : i64} {
  func.func @_proj_body(%arg0: i32, %arg1: memref<2000x128xf32, #tpu.memory_space<vmem>>, %arg2: memref<128x640xf32, #tpu.memory_space<vmem>>, %arg3: memref<5x2000x128xf32, #tpu.memory_space<vmem>>) attributes {dimension_semantics = [#tpu.dimension_semantics<arbitrary>], iteration_bounds = array<i64: 5>, scalar_prefetch = 0 : i64, scratch_operands = 0 : i64, tpu.core_type = #tpu.core_type<tc>, window_params = [{transform_indices = @transform_0, window_bounds = array<i64: 2000, 128>}, {pipeline_mode = #tpu.pipeline_mode<synchronous>, transform_indices = @transform_1, window_bounds = array<i64: 128, 640>}, {transform_indices = @transform_2, window_bounds = array<i64: 5, 2000, 128>}]} {
    %get3A = arith.constant 0 : index
    %get3A_0 = arith.constant 0 : index
    %get3A_1 = vector.load %arg1[%get3A, %get3A_0] : memref<2000x128xf32, #tpu.memory_space<vmem>>, vector<2000x128xf32>
    %get3A_2 = arith.constant 0 : index
    %get3A_3 = arith.constant 0 : index
    %get3A_4 = vector.load %arg2[%get3A_2, %get3A_3] : memref<128x640xf32, #tpu.memory_space<vmem>>, vector<128x128xf32>
    %dot_general3A = arith.constant dense<0.000000e+00> : vector<2000x128xf32>
    %dot_general3A_5 = tpu.matmul %get3A_1, %get3A_4, %dot_general3A {dimension_numbers = #tpu.dot_dimension_numbers<[1], [0], [0], [1], [0, 0, 1, 1], [], []>, transpose_lhs_hint = false} : vector<2000x128xf32>, vector<128x128xf32>, vector<2000x128xf32> -> vector<2000x128xf32>
    %swap3A = arith.constant 0 : index
    %swap3A_6 = arith.constant 0 : index
    %swap3A_7 = arith.constant 0 : index
    %swap3A_8 = vector.load %arg3[%swap3A, %swap3A_6, %swap3A_7] : memref<5x2000x128xf32, #tpu.memory_space<vmem>>, vector<1x2000x128xf32>
    %swap3A_9 = vector.shape_cast %swap3A_8 : vector<1x2000x128xf32> to vector<2000x128xf32>
    %swap3A_10 = vector.shape_cast %dot_general3A_5 : vector<2000x128xf32> to vector<1x2000x128xf32>
    tpu.vector_store %arg3[%swap3A, %swap3A_6, %swap3A_7], %swap3A_10 {strides = array<i32>} : memref<5x2000x128xf32, #tpu.memory_space<vmem>>, vector<1x2000x128xf32>,
    %get3A_11 = arith.constant 0 : index
    %get3A_12 = arith.constant 128 : index
    %get3A_13 = vector.load %arg2[%get3A_11, %get3A_12] : memref<128x640xf32, #tpu.memory_space<vmem>>, vector<128x128xf32>
    %dot_general3A_14 = arith.constant dense<0.000000e+00> : vector<2000x128xf32>
    %dot_general3A_15 = tpu.matmul %get3A_1, %get3A_13, %dot_general3A_14 {dimension_numbers = #tpu.dot_dimension_numbers<[1], [0], [0], [1], [0, 0, 1, 1], [], []>, transpose_lhs_hint = false} : vector<2000x128xf32>, vector<128x128xf32>, vector<2000x128xf32> -> vector<2000x128xf32>
    %swap3A_16 = arith.constant 1 : index
    %swap3A_17 = arith.constant 0 : index
    %swap3A_18 = arith.constant 0 : index
    %swap3A_19 = vector.load %arg3[%swap3A_16, %swap3A_17, %swap3A_18] : memref<5x2000x128xf32, #tpu.memory_space<vmem>>, vector<1x2000x128xf32>
    %swap3A_20 = vector.shape_cast %swap3A_19 : vector<1x2000x128xf32> to vector<2000x128xf32>
    %swap3A_21 = vector.shape_cast %dot_general3A_15 : vector<2000x128xf32> to vector<1x2000x128xf32>
    tpu.vector_store %arg3[%swap3A_16, %swap3A_17, %swap3A_18], %swap3A_21 {strides = array<i32>} : memref<5x2000x128xf32, #tpu.memory_space<vmem>>, vector<1x2000x128xf32>,
    %get3A_22 = arith.constant 0 : index
    %get3A_23 = arith.constant 256 : index
    %get3A_24 = vector.load %arg2[%get3A_22, %get3A_23] : memref<128x640xf32, #tpu.memory_space<vmem>>, vector<128x128xf32>
    %dot_general3A_25 = arith.constant dense<0.000000e+00> : vector<2000x128xf32>
    %dot_general3A_26 = tpu.matmul %get3A_1, %get3A_24, %dot_general3A_25 {dimension_numbers = #tpu.dot_dimension_numbers<[1], [0], [0], [1], [0, 0, 1, 1], [], []>, transpose_lhs_hint = false} : vector<2000x128xf32>, vector<128x128xf32>, vector<2000x128xf32> -> vector<2000x128xf32>
    %swap3A_27 = arith.constant 2 : index
    %swap3A_28 = arith.constant 0 : index
    %swap3A_29 = arith.constant 0 : index
    %swap3A_30 = vector.load %arg3[%swap3A_27, %swap3A_28, %swap3A_29] : memref<5x2000x128xf32, #tpu.memory_space<vmem>>, vector<1x2000x128xf32>
    %swap3A_31 = vector.shape_cast %swap3A_30 : vector<1x2000x128xf32> to vector<2000x128xf32>
    %swap3A_32 = vector.shape_cast %dot_general3A_26 : vector<2000x128xf32> to vector<1x2000x128xf32>
    tpu.vector_store %arg3[%swap3A_27, %swap3A_28, %swap3A_29], %swap3A_32 {strides = array<i32>} : memref<5x2000x128xf32, #tpu.memory_space<vmem>>, vector<1x2000x128xf32>,
    %get3A_33 = arith.constant 0 : index
    %get3A_34 = arith.constant 384 : index
    %get3A_35 = vector.load %arg2[%get3A_33, %get3A_34] : memref<128x640xf32, #tpu.memory_space<vmem>>, vector<128x128xf32>
    %dot_general3A_36 = arith.constant dense<0.000000e+00> : vector<2000x128xf32>
    %dot_general3A_37 = tpu.matmul %get3A_1, %get3A_35, %dot_general3A_36 {dimension_numbers = #tpu.dot_dimension_numbers<[1], [0], [0], [1], [0, 0, 1, 1], [], []>, transpose_lhs_hint = false} : vector<2000x128xf32>, vector<128x128xf32>, vector<2000x128xf32> -> vector<2000x128xf32>
    %swap3A_38 = arith.constant 3 : index
    %swap3A_39 = arith.constant 0 : index
    %swap3A_40 = arith.constant 0 : index
    %swap3A_41 = vector.load %arg3[%swap3A_38, %swap3A_39, %swap3A_40] : memref<5x2000x128xf32, #tpu.memory_space<vmem>>, vector<1x2000x128xf32>
    %swap3A_42 = vector.shape_cast %swap3A_41 : vector<1x2000x128xf32> to vector<2000x128xf32>
    %swap3A_43 = vector.shape_cast %dot_general3A_37 : vector<2000x128xf32> to vector<1x2000x128xf32>
    tpu.vector_store %arg3[%swap3A_38, %swap3A_39, %swap3A_40], %swap3A_43 {strides = array<i32>} : memref<5x2000x128xf32, #tpu.memory_space<vmem>>, vector<1x2000x128xf32>,
    %get3A_44 = arith.constant 0 : index
    %get3A_45 = arith.constant 512 : index
    %get3A_46 = vector.load %arg2[%get3A_44, %get3A_45] : memref<128x640xf32, #tpu.memory_space<vmem>>, vector<128x128xf32>
    %dot_general3A_47 = arith.constant dense<0.000000e+00> : vector<2000x128xf32>
    %dot_general3A_48 = tpu.matmul %get3A_1, %get3A_46, %dot_general3A_47 {dimension_numbers = #tpu.dot_dimension_numbers<[1], [0], [0], [1], [0, 0, 1, 1], [], []>, transpose_lhs_hint = false} : vector<2000x128xf32>, vector<128x128xf32>, vector<2000x128xf32> -> vector<2000x128xf32>
    %swap3A_49 = arith.constant 4 : index
    %swap3A_50 = arith.constant 0 : index
    %swap3A_51 = arith.constant 0 : index
    %swap3A_52 = vector.load %arg3[%swap3A_49, %swap3A_50, %swap3A_51] : memref<5x2000x128xf32, #tpu.memory_space<vmem>>, vector<1x2000x128xf32>
    %swap3A_53 = vector.shape_cast %swap3A_52 : vector<1x2000x128xf32> to vector<2000x128xf32>
    %swap3A_54 = vector.shape_cast %dot_general3A_48 : vector<2000x128xf32> to vector<1x2000x128xf32>
    tpu.vector_store %arg3[%swap3A_49, %swap3A_50, %swap3A_51], %swap3A_54 {strides = array<i32>} : memref<5x2000x128xf32, #tpu.memory_space<vmem>>, vector<1x2000x128xf32>,
    return
  }
  func.func @transform_0(%arg0: i32) -> (i32, i32) {
    %c0_i32 = arith.constant 0 : i32
    %c0_i32_0 = arith.constant 0 : i32
    return %arg0, %c0_i32 : i32, i32
  }
  func.func @transform_1(%arg0: i32) -> (i32, i32) {
    %c0_i32 = arith.constant 0 : i32
    %c0_i32_0 = arith.constant 0 : i32
    %c0_i32_1 = arith.constant 0 : i32
    return %c0_i32, %c0_i32_0 : i32, i32
  }
  func.func @transform_2(%arg0: i32) -> (i32, i32, i32) {
    %c0_i32 = arith.constant 0 : i32
    %c0_i32_0 = arith.constant 0 : i32
    %c0_i32_1 = arith.constant 0 : i32
    return %c0_i32, %arg0, %c0_i32_0 : i32, i32, i32
  }
}

module attributes {stable_mosaic.version = 14 : i64} {
  func.func @_edge_mlp_body(%arg0: i32, %arg1: memref<4000x128xf32, #tpu.memory_space<vmem>>, %arg2: memref<4000x128xf32, #tpu.memory_space<vmem>>, %arg3: memref<4000x128xf32, #tpu.memory_space<vmem>>, %arg4: memref<128x128xf32, #tpu.memory_space<vmem>>, %arg5: memref<1x128xf32, #tpu.memory_space<vmem>>, %arg6: memref<128x128xf32, #tpu.memory_space<vmem>>, %arg7: memref<1x128xf32, #tpu.memory_space<vmem>>, %arg8: memref<1x128xf32, #tpu.memory_space<vmem>>, %arg9: memref<1x128xf32, #tpu.memory_space<vmem>>, %arg10: memref<4000x128xf32, #tpu.memory_space<vmem>>, %arg11: memref<4000x128xf32, #tpu.memory_space<vmem>>) attributes {dimension_semantics = [#tpu.dimension_semantics<arbitrary>], iteration_bounds = array<i64: 40>, scalar_prefetch = 0 : i64, scratch_operands = 0 : i64, tpu.core_type = #tpu.core_type<tc>, window_params = [{transform_indices = @transform_0, window_bounds = array<i64: 4000, 128>}, {transform_indices = @transform_1, window_bounds = array<i64: 4000, 128>}, {transform_indices = @transform_2, window_bounds = array<i64: 4000, 128>}, {pipeline_mode = #tpu.pipeline_mode<synchronous>, transform_indices = @transform_3, window_bounds = array<i64: 128, 128>}, {pipeline_mode = #tpu.pipeline_mode<synchronous>, transform_indices = @transform_4, window_bounds = array<i64: 1, 128>}, {pipeline_mode = #tpu.pipeline_mode<synchronous>, transform_indices = @transform_5, window_bounds = array<i64: 128, 128>}, {pipeline_mode = #tpu.pipeline_mode<synchronous>, transform_indices = @transform_6, window_bounds = array<i64: 1, 128>}, {pipeline_mode = #tpu.pipeline_mode<synchronous>, transform_indices = @transform_7, window_bounds = array<i64: 1, 128>}, {pipeline_mode = #tpu.pipeline_mode<synchronous>, transform_indices = @transform_8, window_bounds = array<i64: 1, 128>}, {transform_indices = @transform_9, window_bounds = array<i64: 4000, 128>}, {transform_indices = @transform_10, window_bounds = array<i64: 4000, 128>}]} {
    %get3A = arith.constant 0 : index
    %get3A_0 = arith.constant 0 : index
    %get3A_1 = vector.load %arg3[%get3A, %get3A_0] : memref<4000x128xf32, #tpu.memory_space<vmem>>, vector<4000x128xf32>
    %get3A_2 = arith.constant 0 : index
    %get3A_3 = arith.constant 0 : index
    %get3A_4 = vector.load %arg1[%get3A_2, %get3A_3] : memref<4000x128xf32, #tpu.memory_space<vmem>>, vector<4000x128xf32>
    %get3A_5 = arith.constant 0 : index
    %get3A_6 = arith.constant 0 : index
    %get3A_7 = vector.load %arg2[%get3A_5, %get3A_6] : memref<4000x128xf32, #tpu.memory_space<vmem>>, vector<4000x128xf32>
    %add3A = arith.addf %get3A_4, %get3A_7 : vector<4000x128xf32>
    %get3A_8 = arith.constant 0 : index
    %get3A_9 = arith.constant 0 : index
    %get3A_10 = vector.load %arg5[%get3A_8, %get3A_9] : memref<1x128xf32, #tpu.memory_space<vmem>>, vector<1x128xf32>
    %add3A_11 = vector.broadcast %get3A_10 : vector<1x128xf32> to vector<4000x128xf32>
    %add3A_12 = arith.addf %add3A, %add3A_11 : vector<4000x128xf32>
    %get3A_13 = arith.constant 0 : index
    %get3A_14 = arith.constant 0 : index
    %get3A_15 = vector.load %arg4[%get3A_13, %get3A_14] : memref<128x128xf32, #tpu.memory_space<vmem>>, vector<128x128xf32>
    %dot_general3A = arith.constant dense<0.000000e+00> : vector<4000x128xf32>
    %dot_general3A_16 = tpu.matmul %get3A_1, %get3A_15, %dot_general3A {dimension_numbers = #tpu.dot_dimension_numbers<[1], [0], [0], [1], [0, 0, 1, 1], [], []>, transpose_lhs_hint = false} : vector<4000x128xf32>, vector<128x128xf32>, vector<4000x128xf32> -> vector<4000x128xf32>
    %add3A_17 = arith.addf %add3A_12, %dot_general3A_16 : vector<4000x128xf32>
    %max3A = arith.constant 0.000000e+00 : f32
    %max3A_18 = vector.broadcast %max3A : f32 to vector<4000x128xf32>
    %max3A_19 = arith.maximumf %add3A_17, %max3A_18 : vector<4000x128xf32>
    %get3A_20 = arith.constant 0 : index
    %get3A_21 = arith.constant 0 : index
    %get3A_22 = vector.load %arg6[%get3A_20, %get3A_21] : memref<128x128xf32, #tpu.memory_space<vmem>>, vector<128x128xf32>
    %dot_general3A_23 = arith.constant dense<0.000000e+00> : vector<4000x128xf32>
    %dot_general3A_24 = tpu.matmul %max3A_19, %get3A_22, %dot_general3A_23 {dimension_numbers = #tpu.dot_dimension_numbers<[1], [0], [0], [1], [0, 0, 1, 1], [], []>, transpose_lhs_hint = false} : vector<4000x128xf32>, vector<128x128xf32>, vector<4000x128xf32> -> vector<4000x128xf32>
    %get3A_25 = arith.constant 0 : index
    %get3A_26 = arith.constant 0 : index
    %get3A_27 = vector.load %arg7[%get3A_25, %get3A_26] : memref<1x128xf32, #tpu.memory_space<vmem>>, vector<1x128xf32>
    %add3A_28 = vector.broadcast %get3A_27 : vector<1x128xf32> to vector<4000x128xf32>
    %add3A_29 = arith.addf %dot_general3A_24, %add3A_28 : vector<4000x128xf32>
    %reduce_sum3A = arith.constant dense<0.000000e+00> : vector<4000xf32>
    %reduce_sum3A_30 = vector.multi_reduction <add>, %add3A_29, %reduce_sum3A [1] : vector<4000x128xf32> to vector<4000xf32>
    %broadcast_in_dim3A = vector.shape_cast %reduce_sum3A_30 : vector<4000xf32> to vector<4000x1xf32>
    %div3A = arith.constant 1.280000e+02 : f32
    %div3A_31 = vector.broadcast %div3A : f32 to vector<4000x1xf32>
    %div3A_32 = arith.divf %broadcast_in_dim3A, %div3A_31 : vector<4000x1xf32>
    %sub3A = vector.broadcast %div3A_32 : vector<4000x1xf32> to vector<4000x128xf32>
    %sub3A_33 = arith.subf %add3A_29, %sub3A : vector<4000x128xf32>
    %integer_pow3A = arith.mulf %sub3A_33, %sub3A_33 : vector<4000x128xf32>
    %reduce_sum3A_34 = arith.constant dense<0.000000e+00> : vector<4000xf32>
    %reduce_sum3A_35 = vector.multi_reduction <add>, %integer_pow3A, %reduce_sum3A_34 [1] : vector<4000x128xf32> to vector<4000xf32>
    %broadcast_in_dim3A_36 = vector.shape_cast %reduce_sum3A_35 : vector<4000xf32> to vector<4000x1xf32>
    %div3A_37 = arith.constant 1.280000e+02 : f32
    %div3A_38 = vector.broadcast %div3A_37 : f32 to vector<4000x1xf32>
    %div3A_39 = arith.divf %broadcast_in_dim3A_36, %div3A_38 : vector<4000x1xf32>
    %sub3A_40 = vector.broadcast %div3A_32 : vector<4000x1xf32> to vector<4000x128xf32>
    %sub3A_41 = arith.subf %add3A_29, %sub3A_40 : vector<4000x128xf32>
    %add3A_42 = arith.constant 9.99999974E-6 : f32
    %add3A_43 = vector.broadcast %add3A_42 : f32 to vector<4000x1xf32>
    %add3A_44 = arith.addf %div3A_39, %add3A_43 : vector<4000x1xf32>
    %rsqrt3A = math.rsqrt %add3A_44 : vector<4000x1xf32>
    %mul3A = vector.broadcast %rsqrt3A : vector<4000x1xf32> to vector<4000x128xf32>
    %mul3A_45 = arith.mulf %sub3A_41, %mul3A : vector<4000x128xf32>
    %get3A_46 = arith.constant 0 : index
    %get3A_47 = arith.constant 0 : index
    %get3A_48 = vector.load %arg8[%get3A_46, %get3A_47] : memref<1x128xf32, #tpu.memory_space<vmem>>, vector<1x128xf32>
    %mul3A_49 = vector.broadcast %get3A_48 : vector<1x128xf32> to vector<4000x128xf32>
    %mul3A_50 = arith.mulf %mul3A_45, %mul3A_49 : vector<4000x128xf32>
    %get3A_51 = arith.constant 0 : index
    %get3A_52 = arith.constant 0 : index
    %get3A_53 = vector.load %arg9[%get3A_51, %get3A_52] : memref<1x128xf32, #tpu.memory_space<vmem>>, vector<1x128xf32>
    %add3A_54 = vector.broadcast %get3A_53 : vector<1x128xf32> to vector<4000x128xf32>
    %add3A_55 = arith.addf %mul3A_50, %add3A_54 : vector<4000x128xf32>
    %swap3A = arith.constant 0 : index
    %swap3A_56 = arith.constant 0 : index
    %swap3A_57 = vector.load %arg10[%swap3A, %swap3A_56] : memref<4000x128xf32, #tpu.memory_space<vmem>>, vector<4000x128xf32>
    tpu.vector_store %arg10[%swap3A, %swap3A_56], %add3A_55 {strides = array<i32>} : memref<4000x128xf32, #tpu.memory_space<vmem>>, vector<4000x128xf32>,
    %add3A_58 = arith.addf %get3A_1, %add3A_55 : vector<4000x128xf32>
    %swap3A_59 = arith.constant 0 : index
    %swap3A_60 = arith.constant 0 : index
    %swap3A_61 = vector.load %arg11[%swap3A_59, %swap3A_60] : memref<4000x128xf32, #tpu.memory_space<vmem>>, vector<4000x128xf32>
    tpu.vector_store %arg11[%swap3A_59, %swap3A_60], %add3A_58 {strides = array<i32>} : memref<4000x128xf32, #tpu.memory_space<vmem>>, vector<4000x128xf32>,
    return
  }
  func.func @transform_0(%arg0: i32) -> (i32, i32) {
    %add3A = arith.constant 0 : i32
    %add3A_0 = arith.addi %add3A, %arg0 : i32
    %c0_i32 = arith.constant 0 : i32
    %c0_i32_1 = arith.constant 0 : i32
    return %add3A_0, %c0_i32 : i32, i32
  }
  func.func @transform_1(%arg0: i32) -> (i32, i32) {
    %add3A = arith.constant 40 : i32
    %add3A_0 = arith.addi %add3A, %arg0 : i32
    %c0_i32 = arith.constant 0 : i32
    %c0_i32_1 = arith.constant 0 : i32
    return %add3A_0, %c0_i32 : i32, i32
  }
  func.func @transform_2(%arg0: i32) -> (i32, i32) {
    %c0_i32 = arith.constant 0 : i32
    %c0_i32_0 = arith.constant 0 : i32
    return %arg0, %c0_i32 : i32, i32
  }
  func.func @transform_3(%arg0: i32) -> (i32, i32) {
    %c0_i32 = arith.constant 0 : i32
    %c0_i32_0 = arith.constant 0 : i32
    %c0_i32_1 = arith.constant 0 : i32
    return %c0_i32, %c0_i32_0 : i32, i32
  }
  func.func @transform_4(%arg0: i32) -> (i32, i32) {
    %c0_i32 = arith.constant 0 : i32
    %c0_i32_0 = arith.constant 0 : i32
    %c0_i32_1 = arith.constant 0 : i32
    return %c0_i32, %c0_i32_0 : i32, i32
  }
  func.func @transform_5(%arg0: i32) -> (i32, i32) {
    %c0_i32 = arith.constant 0 : i32
    %c0_i32_0 = arith.constant 0 : i32
    %c0_i32_1 = arith.constant 0 : i32
    return %c0_i32, %c0_i32_0 : i32, i32
  }
  func.func @transform_6(%arg0: i32) -> (i32, i32) {
    %c0_i32 = arith.constant 0 : i32
    %c0_i32_0 = arith.constant 0 : i32
    %c0_i32_1 = arith.constant 0 : i32
    return %c0_i32, %c0_i32_0 : i32, i32
  }
  func.func @transform_7(%arg0: i32) -> (i32, i32) {
    %c0_i32 = arith.constant 0 : i32
    %c0_i32_0 = arith.constant 0 : i32
    %c0_i32_1 = arith.constant 0 : i32
    return %c0_i32, %c0_i32_0 : i32, i32
  }
  func.func @transform_8(%arg0: i32) -> (i32, i32) {
    %c0_i32 = arith.constant 0 : i32
    %c0_i32_0 = arith.constant 0 : i32
    %c0_i32_1 = arith.constant 0 : i32
    return %c0_i32, %c0_i32_0 : i32, i32
  }
  func.func @transform_9(%arg0: i32) -> (i32, i32) {
    %c0_i32 = arith.constant 0 : i32
    %c0_i32_0 = arith.constant 0 : i32
    return %arg0, %c0_i32 : i32, i32
  }
  func.func @transform_10(%arg0: i32) -> (i32, i32) {
    %c0_i32 = arith.constant 0 : i32
    %c0_i32_0 = arith.constant 0 : i32
    return %arg0, %c0_i32 : i32, i32
  }
}

module attributes {stable_mosaic.version = 14 : i64} {
  func.func @_edge_mlp_body(%arg0: i32, %arg1: memref<4000x128xf32, #tpu.memory_space<vmem>>, %arg2: memref<4000x128xf32, #tpu.memory_space<vmem>>, %arg3: memref<4000x128xf32, #tpu.memory_space<vmem>>, %arg4: memref<128x128xf32, #tpu.memory_space<vmem>>, %arg5: memref<1x128xf32, #tpu.memory_space<vmem>>, %arg6: memref<128x128xf32, #tpu.memory_space<vmem>>, %arg7: memref<1x128xf32, #tpu.memory_space<vmem>>, %arg8: memref<1x128xf32, #tpu.memory_space<vmem>>, %arg9: memref<1x128xf32, #tpu.memory_space<vmem>>, %arg10: memref<4000x128xf32, #tpu.memory_space<vmem>>, %arg11: memref<4000x128xf32, #tpu.memory_space<vmem>>) attributes {dimension_semantics = [#tpu.dimension_semantics<arbitrary>], iteration_bounds = array<i64: 20>, scalar_prefetch = 0 : i64, scratch_operands = 0 : i64, tpu.core_type = #tpu.core_type<tc>, window_params = [{transform_indices = @transform_0, window_bounds = array<i64: 4000, 128>}, {transform_indices = @transform_1, window_bounds = array<i64: 4000, 128>}, {transform_indices = @transform_2, window_bounds = array<i64: 4000, 128>}, {pipeline_mode = #tpu.pipeline_mode<synchronous>, transform_indices = @transform_3, window_bounds = array<i64: 128, 128>}, {pipeline_mode = #tpu.pipeline_mode<synchronous>, transform_indices = @transform_4, window_bounds = array<i64: 1, 128>}, {pipeline_mode = #tpu.pipeline_mode<synchronous>, transform_indices = @transform_5, window_bounds = array<i64: 128, 128>}, {pipeline_mode = #tpu.pipeline_mode<synchronous>, transform_indices = @transform_6, window_bounds = array<i64: 1, 128>}, {pipeline_mode = #tpu.pipeline_mode<synchronous>, transform_indices = @transform_7, window_bounds = array<i64: 1, 128>}, {pipeline_mode = #tpu.pipeline_mode<synchronous>, transform_indices = @transform_8, window_bounds = array<i64: 1, 128>}, {transform_indices = @transform_9, window_bounds = array<i64: 4000, 128>}, {transform_indices = @transform_10, window_bounds = array<i64: 4000, 128>}]} {
    %get3A = arith.constant 0 : index
    %get3A_0 = arith.constant 0 : index
    %get3A_1 = vector.load %arg3[%get3A, %get3A_0] : memref<4000x128xf32, #tpu.memory_space<vmem>>, vector<4000x128xf32>
    %get3A_2 = arith.constant 0 : index
    %get3A_3 = arith.constant 0 : index
    %get3A_4 = vector.load %arg1[%get3A_2, %get3A_3] : memref<4000x128xf32, #tpu.memory_space<vmem>>, vector<4000x128xf32>
    %get3A_5 = arith.constant 0 : index
    %get3A_6 = arith.constant 0 : index
    %get3A_7 = vector.load %arg2[%get3A_5, %get3A_6] : memref<4000x128xf32, #tpu.memory_space<vmem>>, vector<4000x128xf32>
    %add3A = arith.addf %get3A_4, %get3A_7 : vector<4000x128xf32>
    %get3A_8 = arith.constant 0 : index
    %get3A_9 = arith.constant 0 : index
    %get3A_10 = vector.load %arg5[%get3A_8, %get3A_9] : memref<1x128xf32, #tpu.memory_space<vmem>>, vector<1x128xf32>
    %add3A_11 = vector.broadcast %get3A_10 : vector<1x128xf32> to vector<4000x128xf32>
    %add3A_12 = arith.addf %add3A, %add3A_11 : vector<4000x128xf32>
    %get3A_13 = arith.constant 0 : index
    %get3A_14 = arith.constant 0 : index
    %get3A_15 = vector.load %arg4[%get3A_13, %get3A_14] : memref<128x128xf32, #tpu.memory_space<vmem>>, vector<128x128xf32>
    %dot_general3A = arith.constant dense<0.000000e+00> : vector<4000x128xf32>
    %dot_general3A_16 = tpu.matmul %get3A_1, %get3A_15, %dot_general3A {dimension_numbers = #tpu.dot_dimension_numbers<[1], [0], [0], [1], [0, 0, 1, 1], [], []>, transpose_lhs_hint = false} : vector<4000x128xf32>, vector<128x128xf32>, vector<4000x128xf32> -> vector<4000x128xf32>
    %add3A_17 = arith.addf %add3A_12, %dot_general3A_16 : vector<4000x128xf32>
    %max3A = arith.constant 0.000000e+00 : f32
    %max3A_18 = vector.broadcast %max3A : f32 to vector<4000x128xf32>
    %max3A_19 = arith.maximumf %add3A_17, %max3A_18 : vector<4000x128xf32>
    %get3A_20 = arith.constant 0 : index
    %get3A_21 = arith.constant 0 : index
    %get3A_22 = vector.load %arg6[%get3A_20, %get3A_21] : memref<128x128xf32, #tpu.memory_space<vmem>>, vector<128x128xf32>
    %dot_general3A_23 = arith.constant dense<0.000000e+00> : vector<4000x128xf32>
    %dot_general3A_24 = tpu.matmul %max3A_19, %get3A_22, %dot_general3A_23 {dimension_numbers = #tpu.dot_dimension_numbers<[1], [0], [0], [1], [0, 0, 1, 1], [], []>, transpose_lhs_hint = false} : vector<4000x128xf32>, vector<128x128xf32>, vector<4000x128xf32> -> vector<4000x128xf32>
    %get3A_25 = arith.constant 0 : index
    %get3A_26 = arith.constant 0 : index
    %get3A_27 = vector.load %arg7[%get3A_25, %get3A_26] : memref<1x128xf32, #tpu.memory_space<vmem>>, vector<1x128xf32>
    %add3A_28 = vector.broadcast %get3A_27 : vector<1x128xf32> to vector<4000x128xf32>
    %add3A_29 = arith.addf %dot_general3A_24, %add3A_28 : vector<4000x128xf32>
    %reduce_sum3A = arith.constant dense<0.000000e+00> : vector<4000xf32>
    %reduce_sum3A_30 = vector.multi_reduction <add>, %add3A_29, %reduce_sum3A [1] : vector<4000x128xf32> to vector<4000xf32>
    %broadcast_in_dim3A = vector.shape_cast %reduce_sum3A_30 : vector<4000xf32> to vector<4000x1xf32>
    %div3A = arith.constant 1.280000e+02 : f32
    %div3A_31 = vector.broadcast %div3A : f32 to vector<4000x1xf32>
    %div3A_32 = arith.divf %broadcast_in_dim3A, %div3A_31 : vector<4000x1xf32>
    %sub3A = vector.broadcast %div3A_32 : vector<4000x1xf32> to vector<4000x128xf32>
    %sub3A_33 = arith.subf %add3A_29, %sub3A : vector<4000x128xf32>
    %integer_pow3A = arith.mulf %sub3A_33, %sub3A_33 : vector<4000x128xf32>
    %reduce_sum3A_34 = arith.constant dense<0.000000e+00> : vector<4000xf32>
    %reduce_sum3A_35 = vector.multi_reduction <add>, %integer_pow3A, %reduce_sum3A_34 [1] : vector<4000x128xf32> to vector<4000xf32>
    %broadcast_in_dim3A_36 = vector.shape_cast %reduce_sum3A_35 : vector<4000xf32> to vector<4000x1xf32>
    %div3A_37 = arith.constant 1.280000e+02 : f32
    %div3A_38 = vector.broadcast %div3A_37 : f32 to vector<4000x1xf32>
    %div3A_39 = arith.divf %broadcast_in_dim3A_36, %div3A_38 : vector<4000x1xf32>
    %sub3A_40 = vector.broadcast %div3A_32 : vector<4000x1xf32> to vector<4000x128xf32>
    %sub3A_41 = arith.subf %add3A_29, %sub3A_40 : vector<4000x128xf32>
    %add3A_42 = arith.constant 9.99999974E-6 : f32
    %add3A_43 = vector.broadcast %add3A_42 : f32 to vector<4000x1xf32>
    %add3A_44 = arith.addf %div3A_39, %add3A_43 : vector<4000x1xf32>
    %rsqrt3A = math.rsqrt %add3A_44 : vector<4000x1xf32>
    %mul3A = vector.broadcast %rsqrt3A : vector<4000x1xf32> to vector<4000x128xf32>
    %mul3A_45 = arith.mulf %sub3A_41, %mul3A : vector<4000x128xf32>
    %get3A_46 = arith.constant 0 : index
    %get3A_47 = arith.constant 0 : index
    %get3A_48 = vector.load %arg8[%get3A_46, %get3A_47] : memref<1x128xf32, #tpu.memory_space<vmem>>, vector<1x128xf32>
    %mul3A_49 = vector.broadcast %get3A_48 : vector<1x128xf32> to vector<4000x128xf32>
    %mul3A_50 = arith.mulf %mul3A_45, %mul3A_49 : vector<4000x128xf32>
    %get3A_51 = arith.constant 0 : index
    %get3A_52 = arith.constant 0 : index
    %get3A_53 = vector.load %arg9[%get3A_51, %get3A_52] : memref<1x128xf32, #tpu.memory_space<vmem>>, vector<1x128xf32>
    %add3A_54 = vector.broadcast %get3A_53 : vector<1x128xf32> to vector<4000x128xf32>
    %add3A_55 = arith.addf %mul3A_50, %add3A_54 : vector<4000x128xf32>
    %swap3A = arith.constant 0 : index
    %swap3A_56 = arith.constant 0 : index
    %swap3A_57 = vector.load %arg10[%swap3A, %swap3A_56] : memref<4000x128xf32, #tpu.memory_space<vmem>>, vector<4000x128xf32>
    tpu.vector_store %arg10[%swap3A, %swap3A_56], %add3A_55 {strides = array<i32>} : memref<4000x128xf32, #tpu.memory_space<vmem>>, vector<4000x128xf32>,
    %add3A_58 = arith.addf %get3A_1, %add3A_55 : vector<4000x128xf32>
    %swap3A_59 = arith.constant 0 : index
    %swap3A_60 = arith.constant 0 : index
    %swap3A_61 = vector.load %arg11[%swap3A_59, %swap3A_60] : memref<4000x128xf32, #tpu.memory_space<vmem>>, vector<4000x128xf32>
    tpu.vector_store %arg11[%swap3A_59, %swap3A_60], %add3A_58 {strides = array<i32>} : memref<4000x128xf32, #tpu.memory_space<vmem>>, vector<4000x128xf32>,
    return
  }
  func.func @transform_0(%arg0: i32) -> (i32, i32) {
    %add3A = arith.constant 0 : i32
    %add3A_0 = arith.addi %add3A, %arg0 : i32
    %c0_i32 = arith.constant 0 : i32
    %c0_i32_1 = arith.constant 0 : i32
    return %add3A_0, %c0_i32 : i32, i32
  }
  func.func @transform_1(%arg0: i32) -> (i32, i32) {
    %add3A = arith.constant 20 : i32
    %add3A_0 = arith.addi %add3A, %arg0 : i32
    %c0_i32 = arith.constant 0 : i32
    %c0_i32_1 = arith.constant 0 : i32
    return %add3A_0, %c0_i32 : i32, i32
  }
  func.func @transform_2(%arg0: i32) -> (i32, i32) {
    %c0_i32 = arith.constant 0 : i32
    %c0_i32_0 = arith.constant 0 : i32
    return %arg0, %c0_i32 : i32, i32
  }
  func.func @transform_3(%arg0: i32) -> (i32, i32) {
    %c0_i32 = arith.constant 0 : i32
    %c0_i32_0 = arith.constant 0 : i32
    %c0_i32_1 = arith.constant 0 : i32
    return %c0_i32, %c0_i32_0 : i32, i32
  }
  func.func @transform_4(%arg0: i32) -> (i32, i32) {
    %c0_i32 = arith.constant 0 : i32
    %c0_i32_0 = arith.constant 0 : i32
    %c0_i32_1 = arith.constant 0 : i32
    return %c0_i32, %c0_i32_0 : i32, i32
  }
  func.func @transform_5(%arg0: i32) -> (i32, i32) {
    %c0_i32 = arith.constant 0 : i32
    %c0_i32_0 = arith.constant 0 : i32
    %c0_i32_1 = arith.constant 0 : i32
    return %c0_i32, %c0_i32_0 : i32, i32
  }
  func.func @transform_6(%arg0: i32) -> (i32, i32) {
    %c0_i32 = arith.constant 0 : i32
    %c0_i32_0 = arith.constant 0 : i32
    %c0_i32_1 = arith.constant 0 : i32
    return %c0_i32, %c0_i32_0 : i32, i32
  }
  func.func @transform_7(%arg0: i32) -> (i32, i32) {
    %c0_i32 = arith.constant 0 : i32
    %c0_i32_0 = arith.constant 0 : i32
    %c0_i32_1 = arith.constant 0 : i32
    return %c0_i32, %c0_i32_0 : i32, i32
  }
  func.func @transform_8(%arg0: i32) -> (i32, i32) {
    %c0_i32 = arith.constant 0 : i32
    %c0_i32_0 = arith.constant 0 : i32
    %c0_i32_1 = arith.constant 0 : i32
    return %c0_i32, %c0_i32_0 : i32, i32
  }
  func.func @transform_9(%arg0: i32) -> (i32, i32) {
    %c0_i32 = arith.constant 0 : i32
    %c0_i32_0 = arith.constant 0 : i32
    return %arg0, %c0_i32 : i32, i32
  }
  func.func @transform_10(%arg0: i32) -> (i32, i32) {
    %c0_i32 = arith.constant 0 : i32
    %c0_i32_0 = arith.constant 0 : i32
    return %arg0, %c0_i32 : i32, i32
  }
}

module attributes {stable_mosaic.version = 14 : i64} {
  func.func @_node_mlp_body(%arg0: i32, %arg1: memref<2000x128xf32, #tpu.memory_space<vmem>>, %arg2: memref<1x2000x128xf32, #tpu.memory_space<vmem>>, %arg3: memref<1x2000x128xf32, #tpu.memory_space<vmem>>, %arg4: memref<1x2000x128xf32, #tpu.memory_space<vmem>>, %arg5: memref<1x2000x128xf32, #tpu.memory_space<vmem>>, %arg6: memref<1x2000x128xf32, #tpu.memory_space<vmem>>, %arg7: memref<128x128xf32, #tpu.memory_space<vmem>>, %arg8: memref<128x128xf32, #tpu.memory_space<vmem>>, %arg9: memref<1x128xf32, #tpu.memory_space<vmem>>, %arg10: memref<128x128xf32, #tpu.memory_space<vmem>>, %arg11: memref<1x128xf32, #tpu.memory_space<vmem>>, %arg12: memref<1x128xf32, #tpu.memory_space<vmem>>, %arg13: memref<1x128xf32, #tpu.memory_space<vmem>>, %arg14: memref<2000x128xf32, #tpu.memory_space<vmem>>) attributes {dimension_semantics = [#tpu.dimension_semantics<arbitrary>], iteration_bounds = array<i64: 5>, scalar_prefetch = 0 : i64, scratch_operands = 0 : i64, tpu.core_type = #tpu.core_type<tc>, window_params = [{transform_indices = @transform_0, window_bounds = array<i64: 2000, 128>}, {transform_indices = @transform_1, window_bounds = array<i64: 1, 2000, 128>}, {transform_indices = @transform_2, window_bounds = array<i64: 1, 2000, 128>}, {transform_indices = @transform_3, window_bounds = array<i64: 1, 2000, 128>}, {transform_indices = @transform_4, window_bounds = array<i64: 1, 2000, 128>}, {transform_indices = @transform_5, window_bounds = array<i64: 1, 2000, 128>}, {pipeline_mode = #tpu.pipeline_mode<synchronous>, transform_indices = @transform_6, window_bounds = array<i64: 128, 128>}, {pipeline_mode = #tpu.pipeline_mode<synchronous>, transform_indices = @transform_7, window_bounds = array<i64: 128, 128>}, {pipeline_mode = #tpu.pipeline_mode<synchronous>, transform_indices = @transform_8, window_bounds = array<i64: 1, 128>}, {pipeline_mode = #tpu.pipeline_mode<synchronous>, transform_indices = @transform_9, window_bounds = array<i64: 128, 128>}, {pipeline_mode = #tpu.pipeline_mode<synchronous>, transform_indices = @transform_10, window_bounds = array<i64: 1, 128>}, {pipeline_mode = #tpu.pipeline_mode<synchronous>, transform_indices = @transform_11, window_bounds = array<i64: 1, 128>}, {pipeline_mode = #tpu.pipeline_mode<synchronous>, transform_indices = @transform_12, window_bounds = array<i64: 1, 128>}, {transform_indices = @transform_13, window_bounds = array<i64: 2000, 128>}]} {
    %get3A = arith.constant 0 : index
    %get3A_0 = arith.constant 0 : index
    %get3A_1 = arith.constant 0 : index
    %get3A_2 = vector.load %arg3[%get3A, %get3A_0, %get3A_1] : memref<1x2000x128xf32, #tpu.memory_space<vmem>>, vector<1x2000x128xf32>
    %get3A_3 = vector.shape_cast %get3A_2 : vector<1x2000x128xf32> to vector<2000x128xf32>
    %get3A_4 = arith.constant 0 : index
    %get3A_5 = arith.constant 0 : index
    %get3A_6 = arith.constant 0 : index
    %get3A_7 = vector.load %arg4[%get3A_4, %get3A_5, %get3A_6] : memref<1x2000x128xf32, #tpu.memory_space<vmem>>, vector<1x2000x128xf32>
    %get3A_8 = vector.shape_cast %get3A_7 : vector<1x2000x128xf32> to vector<2000x128xf32>
    %add3A = arith.addf %get3A_3, %get3A_8 : vector<2000x128xf32>
    %get3A_9 = arith.constant 0 : index
    %get3A_10 = arith.constant 0 : index
    %get3A_11 = arith.constant 0 : index
    %get3A_12 = vector.load %arg5[%get3A_9, %get3A_10, %get3A_11] : memref<1x2000x128xf32, #tpu.memory_space<vmem>>, vector<1x2000x128xf32>
    %get3A_13 = vector.shape_cast %get3A_12 : vector<1x2000x128xf32> to vector<2000x128xf32>
    %get3A_14 = arith.constant 0 : index
    %get3A_15 = arith.constant 0 : index
    %get3A_16 = arith.constant 0 : index
    %get3A_17 = vector.load %arg6[%get3A_14, %get3A_15, %get3A_16] : memref<1x2000x128xf32, #tpu.memory_space<vmem>>, vector<1x2000x128xf32>
    %get3A_18 = vector.shape_cast %get3A_17 : vector<1x2000x128xf32> to vector<2000x128xf32>
    %add3A_19 = arith.addf %get3A_13, %get3A_18 : vector<2000x128xf32>
    %get3A_20 = arith.constant 0 : index
    %get3A_21 = arith.constant 0 : index
    %get3A_22 = arith.constant 0 : index
    %get3A_23 = vector.load %arg2[%get3A_20, %get3A_21, %get3A_22] : memref<1x2000x128xf32, #tpu.memory_space<vmem>>, vector<1x2000x128xf32>
    %get3A_24 = vector.shape_cast %get3A_23 : vector<1x2000x128xf32> to vector<2000x128xf32>
    %get3A_25 = arith.constant 0 : index
    %get3A_26 = arith.constant 0 : index
    %get3A_27 = vector.load %arg9[%get3A_25, %get3A_26] : memref<1x128xf32, #tpu.memory_space<vmem>>, vector<1x128xf32>
    %add3A_28 = vector.broadcast %get3A_27 : vector<1x128xf32> to vector<2000x128xf32>
    %add3A_29 = arith.addf %get3A_24, %add3A_28 : vector<2000x128xf32>
    %get3A_30 = arith.constant 0 : index
    %get3A_31 = arith.constant 0 : index
    %get3A_32 = vector.load %arg7[%get3A_30, %get3A_31] : memref<128x128xf32, #tpu.memory_space<vmem>>, vector<128x128xf32>
    %dot_general3A = arith.constant dense<0.000000e+00> : vector<2000x128xf32>
    %dot_general3A_33 = tpu.matmul %add3A, %get3A_32, %dot_general3A {dimension_numbers = #tpu.dot_dimension_numbers<[1], [0], [0], [1], [0, 0, 1, 1], [], []>, transpose_lhs_hint = false} : vector<2000x128xf32>, vector<128x128xf32>, vector<2000x128xf32> -> vector<2000x128xf32>
    %add3A_34 = arith.addf %add3A_29, %dot_general3A_33 : vector<2000x128xf32>
    %get3A_35 = arith.constant 0 : index
    %get3A_36 = arith.constant 0 : index
    %get3A_37 = vector.load %arg8[%get3A_35, %get3A_36] : memref<128x128xf32, #tpu.memory_space<vmem>>, vector<128x128xf32>
    %dot_general3A_38 = arith.constant dense<0.000000e+00> : vector<2000x128xf32>
    %dot_general3A_39 = tpu.matmul %add3A_19, %get3A_37, %dot_general3A_38 {dimension_numbers = #tpu.dot_dimension_numbers<[1], [0], [0], [1], [0, 0, 1, 1], [], []>, transpose_lhs_hint = false} : vector<2000x128xf32>, vector<128x128xf32>, vector<2000x128xf32> -> vector<2000x128xf32>
    %add3A_40 = arith.addf %add3A_34, %dot_general3A_39 : vector<2000x128xf32>
    %max3A = arith.constant 0.000000e+00 : f32
    %max3A_41 = vector.broadcast %max3A : f32 to vector<2000x128xf32>
    %max3A_42 = arith.maximumf %add3A_40, %max3A_41 : vector<2000x128xf32>
    %get3A_43 = arith.constant 0 : index
    %get3A_44 = arith.constant 0 : index
    %get3A_45 = vector.load %arg10[%get3A_43, %get3A_44] : memref<128x128xf32, #tpu.memory_space<vmem>>, vector<128x128xf32>
    %dot_general3A_46 = arith.constant dense<0.000000e+00> : vector<2000x128xf32>
    %dot_general3A_47 = tpu.matmul %max3A_42, %get3A_45, %dot_general3A_46 {dimension_numbers = #tpu.dot_dimension_numbers<[1], [0], [0], [1], [0, 0, 1, 1], [], []>, transpose_lhs_hint = false} : vector<2000x128xf32>, vector<128x128xf32>, vector<2000x128xf32> -> vector<2000x128xf32>
    %get3A_48 = arith.constant 0 : index
    %get3A_49 = arith.constant 0 : index
    %get3A_50 = vector.load %arg11[%get3A_48, %get3A_49] : memref<1x128xf32, #tpu.memory_space<vmem>>, vector<1x128xf32>
    %add3A_51 = vector.broadcast %get3A_50 : vector<1x128xf32> to vector<2000x128xf32>
    %add3A_52 = arith.addf %dot_general3A_47, %add3A_51 : vector<2000x128xf32>
    %reduce_sum3A = arith.constant dense<0.000000e+00> : vector<2000xf32>
    %reduce_sum3A_53 = vector.multi_reduction <add>, %add3A_52, %reduce_sum3A [1] : vector<2000x128xf32> to vector<2000xf32>
    %broadcast_in_dim3A = vector.shape_cast %reduce_sum3A_53 : vector<2000xf32> to vector<2000x1xf32>
    %div3A = arith.constant 1.280000e+02 : f32
    %div3A_54 = vector.broadcast %div3A : f32 to vector<2000x1xf32>
    %div3A_55 = arith.divf %broadcast_in_dim3A, %div3A_54 : vector<2000x1xf32>
    %sub3A = vector.broadcast %div3A_55 : vector<2000x1xf32> to vector<2000x128xf32>
    %sub3A_56 = arith.subf %add3A_52, %sub3A : vector<2000x128xf32>
    %integer_pow3A = arith.mulf %sub3A_56, %sub3A_56 : vector<2000x128xf32>
    %reduce_sum3A_57 = arith.constant dense<0.000000e+00> : vector<2000xf32>
    %reduce_sum3A_58 = vector.multi_reduction <add>, %integer_pow3A, %reduce_sum3A_57 [1] : vector<2000x128xf32> to vector<2000xf32>
    %broadcast_in_dim3A_59 = vector.shape_cast %reduce_sum3A_58 : vector<2000xf32> to vector<2000x1xf32>
    %div3A_60 = arith.constant 1.280000e+02 : f32
    %div3A_61 = vector.broadcast %div3A_60 : f32 to vector<2000x1xf32>
    %div3A_62 = arith.divf %broadcast_in_dim3A_59, %div3A_61 : vector<2000x1xf32>
    %sub3A_63 = vector.broadcast %div3A_55 : vector<2000x1xf32> to vector<2000x128xf32>
    %sub3A_64 = arith.subf %add3A_52, %sub3A_63 : vector<2000x128xf32>
    %add3A_65 = arith.constant 9.99999974E-6 : f32
    %add3A_66 = vector.broadcast %add3A_65 : f32 to vector<2000x1xf32>
    %add3A_67 = arith.addf %div3A_62, %add3A_66 : vector<2000x1xf32>
    %rsqrt3A = math.rsqrt %add3A_67 : vector<2000x1xf32>
    %mul3A = vector.broadcast %rsqrt3A : vector<2000x1xf32> to vector<2000x128xf32>
    %mul3A_68 = arith.mulf %sub3A_64, %mul3A : vector<2000x128xf32>
    %get3A_69 = arith.constant 0 : index
    %get3A_70 = arith.constant 0 : index
    %get3A_71 = vector.load %arg12[%get3A_69, %get3A_70] : memref<1x128xf32, #tpu.memory_space<vmem>>, vector<1x128xf32>
    %mul3A_72 = vector.broadcast %get3A_71 : vector<1x128xf32> to vector<2000x128xf32>
    %mul3A_73 = arith.mulf %mul3A_68, %mul3A_72 : vector<2000x128xf32>
    %get3A_74 = arith.constant 0 : index
    %get3A_75 = arith.constant 0 : index
    %get3A_76 = vector.load %arg13[%get3A_74, %get3A_75] : memref<1x128xf32, #tpu.memory_space<vmem>>, vector<1x128xf32>
    %add3A_77 = vector.broadcast %get3A_76 : vector<1x128xf32> to vector<2000x128xf32>
    %add3A_78 = arith.addf %mul3A_73, %add3A_77 : vector<2000x128xf32>
    %get3A_79 = arith.constant 0 : index
    %get3A_80 = arith.constant 0 : index
    %get3A_81 = vector.load %arg1[%get3A_79, %get3A_80] : memref<2000x128xf32, #tpu.memory_space<vmem>>, vector<2000x128xf32>
    %add3A_82 = arith.addf %get3A_81, %add3A_78 : vector<2000x128xf32>
    %swap3A = arith.constant 0 : index
    %swap3A_83 = arith.constant 0 : index
    %swap3A_84 = vector.load %arg14[%swap3A, %swap3A_83] : memref<2000x128xf32, #tpu.memory_space<vmem>>, vector<2000x128xf32>
    tpu.vector_store %arg14[%swap3A, %swap3A_83], %add3A_82 {strides = array<i32>} : memref<2000x128xf32, #tpu.memory_space<vmem>>, vector<2000x128xf32>,
    return
  }
  func.func @transform_0(%arg0: i32) -> (i32, i32) {
    %c0_i32 = arith.constant 0 : i32
    %c0_i32_0 = arith.constant 0 : i32
    return %arg0, %c0_i32 : i32, i32
  }
  func.func @transform_1(%arg0: i32) -> (i32, i32, i32) {
    %c4_i32 = arith.constant 4 : i32
    %c0_i32 = arith.constant 0 : i32
    %c0_i32_0 = arith.constant 0 : i32
    return %c4_i32, %arg0, %c0_i32 : i32, i32, i32
  }
  func.func @transform_2(%arg0: i32) -> (i32, i32, i32) {
    %c0_i32 = arith.constant 0 : i32
    %c0_i32_0 = arith.constant 0 : i32
    %c0_i32_1 = arith.constant 0 : i32
    return %c0_i32, %arg0, %c0_i32_0 : i32, i32, i32
  }
  func.func @transform_3(%arg0: i32) -> (i32, i32, i32) {
    %c1_i32 = arith.constant 1 : i32
    %c0_i32 = arith.constant 0 : i32
    %c0_i32_0 = arith.constant 0 : i32
    return %c1_i32, %arg0, %c0_i32 : i32, i32, i32
  }
  func.func @transform_4(%arg0: i32) -> (i32, i32, i32) {
    %c0_i32 = arith.constant 0 : i32
    %c0_i32_0 = arith.constant 0 : i32
    %c0_i32_1 = arith.constant 0 : i32
    return %c0_i32, %arg0, %c0_i32_0 : i32, i32, i32
  }
  func.func @transform_5(%arg0: i32) -> (i32, i32, i32) {
    %c1_i32 = arith.constant 1 : i32
    %c0_i32 = arith.constant 0 : i32
    %c0_i32_0 = arith.constant 0 : i32
    return %c1_i32, %arg0, %c0_i32 : i32, i32, i32
  }
  func.func @transform_6(%arg0: i32) -> (i32, i32) {
    %c0_i32 = arith.constant 0 : i32
    %c0_i32_0 = arith.constant 0 : i32
    %c0_i32_1 = arith.constant 0 : i32
    return %c0_i32, %c0_i32_0 : i32, i32
  }
  func.func @transform_7(%arg0: i32) -> (i32, i32) {
    %c0_i32 = arith.constant 0 : i32
    %c0_i32_0 = arith.constant 0 : i32
    %c0_i32_1 = arith.constant 0 : i32
    return %c0_i32, %c0_i32_0 : i32, i32
  }
  func.func @transform_8(%arg0: i32) -> (i32, i32) {
    %c0_i32 = arith.constant 0 : i32
    %c0_i32_0 = arith.constant 0 : i32
    %c0_i32_1 = arith.constant 0 : i32
    return %c0_i32, %c0_i32_0 : i32, i32
  }
  func.func @transform_9(%arg0: i32) -> (i32, i32) {
    %c0_i32 = arith.constant 0 : i32
    %c0_i32_0 = arith.constant 0 : i32
    %c0_i32_1 = arith.constant 0 : i32
    return %c0_i32, %c0_i32_0 : i32, i32
  }
  func.func @transform_10(%arg0: i32) -> (i32, i32) {
    %c0_i32 = arith.constant 0 : i32
    %c0_i32_0 = arith.constant 0 : i32
    %c0_i32_1 = arith.constant 0 : i32
    return %c0_i32, %c0_i32_0 : i32, i32
  }
  func.func @transform_11(%arg0: i32) -> (i32, i32) {
    %c0_i32 = arith.constant 0 : i32
    %c0_i32_0 = arith.constant 0 : i32
    %c0_i32_1 = arith.constant 0 : i32
    return %c0_i32, %c0_i32_0 : i32, i32
  }
  func.func @transform_12(%arg0: i32) -> (i32, i32) {
    %c0_i32 = arith.constant 0 : i32
    %c0_i32_0 = arith.constant 0 : i32
    %c0_i32_1 = arith.constant 0 : i32
    return %c0_i32, %c0_i32_0 : i32, i32
  }
  func.func @transform_13(%arg0: i32) -> (i32, i32) {
    %c0_i32 = arith.constant 0 : i32
    %c0_i32_0 = arith.constant 0 : i32
    return %arg0, %c0_i32 : i32, i32
  }
}

</mosaic_0001>

<sc_bundles>
// kernel: kernel.10.cloned.1.call-start
scs
__scs_entry_jumppad:
0x0: {  	(pc) =	sbr.rel $0x88, $3  }
0x1: {  	(tag) =	ssettag $0x0;
	lr =	simm.s32 $0x1  }
0x2: {  	[smem:$0x3F8A] =	sst lr;
	_ =	strace $0xD0000000  }
0x3: {  	_ = 	snop  }
0x4: {  	_ = 	snop  }
0x5: {  	_ = 	snop  }
0x6: {  	_ = 	snop  }
0x7: {  	_ = 	snop  }
__scs_overlays_trampoline_lowered:
0x8: {  	[smem:$0x3F99] =	sst s0  }
0x9: {  	[smem:$0x3F9A] =	sst s1  }
0xa: {  	[smem:$0x3F9B] =	sst s2  }
0xb: {  	[smem:$0x3F9C] =	sst s3  }
0xc: {  	[smem:$0x3F9D] =	sst s4  }
0xd: {  	[smem:$0x3F9E] =	sst s5  }
0xe: {  	[smem:$0x3F9F] =	sst s6  }
0xf: {  	[smem:$0x3FA0] =	sst s7  }
0x10: {  	[smem:$0x3FA1] =	sst s8  }
0x11: {  	[smem:$0x3FA2] =	sst s9;
	s0 =	simm.s32 @!p0 $0x0  }
0x12: {  	s1 =	sld [smem:$0x3F88];
	s0 =	simm.s32 @p0 $0x1  }
0x13: {  	[smem:$0x3FA3] =	sst s0;
	s0 =	simm.s32 @!p1 $0x0  }
0x14: {  	s2 =	sld [smem:$0x3F87];
	s0 =	simm.s32 @p1 $0x1  }
0x15: {  	[smem:$0x3FA4] =	sst s0;
	s0 =	simm.s32 @!p2 $0x0  }
0x16: {  	s3 =	sld [smem:$0x3FDB];
	s0 =	simm.s32 @p2 $0x1  }
0x17: {  	s4 =	simm.s32 $0x1BF5;
	[smem:$0x3FA6] =	sst s0  }
0x18: {  	s0 =	sld [smem:$0x3F89];
	_ =	swait.ge [sflag:s4], $0x0  }
0x19: {  	s7 =	sld [smem:$0x3F8A]  }
0x1a: {  	s8 =	sadd.s32 $0xFFFFE003, lr  }
0x1b: {  	s9 =	sadd.s32 $0xFFFFFEF7, lr;
	s5 =	simm.s32 $0xFFFFFFFF;
	p2 =	slt.u32 s8, $0xFFFFF086  }
0x1c: {  	p1 =	slt.u32 s9, $0xF7A;
	s5 =	simm.s32 @!p2 $0x0  }
0x1d: {  	s5 =	simm.s32 @p1 $0x1;
	p0 =	seq.s32 s7, s2  }
0x1e: {  	s7 =	smul.u32 @!p0 $0xF7A, s2;
	p2 =	seq.s32 @!p0 s5, $0x0  }
0x1f: {  	s9 =	smul.u32 $0xF7A, s1;
	s8 =	simm.s32 @!p0 $0x1BF5;
	p2 =	por !p2, p0  }
0x20: {  	[sflag:s8] =	ssyncset.s32 @!p0 $0xFFFFF086;
	s6 =	sadd.s32 @!p0 s3, s7;
	s7 =	simm.s32 @!p0 $0x108  }
0x21: {  	s3 =	sadd.s32 s3, s9;
	s6 =	sadd.s32 @!p0 $0x88, s6;
	s7 =	simm.s32 @p2 $0x1082  }
0x22: {  	[simem:s7], [sflag:s8] =	dma.local @!p0 [hbm:s6], $0xF7A  }
0x23: {  	s9 =	sor.u32 $0xD0000000, s2;
	s6 =	simm.s32 $0x108;
	_ =	swait.ge @!p0 [sflag:s8], $0x0  }
0x24: {  	s3 =	sadd.s32 $0x88, s3;
	s6 =	simm.s32 @!p1 $0x1082;
	[sflag:s4] =	ssyncset.s32 $0xFFFFF086  }
0x25: {  	[simem:s6], [sflag:s4] =	dma.local [hbm:s3], $0xF7A  }
0x26: {  	[smem:$0x3F8A] =	sst s1;
	(tag) =	ssettag s2;
	_ =	strace s9  }
0x27: {  	s1 =	sld [smem:$0x3F9A]  }
0x28: {  	s2 =	sld [smem:$0x3F9B]  }
0x29: {  	s4 =	sld [smem:$0x3F9D]  }
0x2a: {  	p0 =	seq.s32 s5, $0x0;
	s5 =	sld [smem:$0x3F9E]  }
0x2b: {  	s6 =	sld [smem:$0x3F9F]  }
0x2c: {  	s7 =	sld [smem:$0x3FA0]  }
0x2d: {  	s3 =	simm.s32 $0x108;
	s8 =	sld [smem:$0x3FA1]  }
0x2e: {  	s3 =	simm.s32 @!p0 $0x1082;
	s9 =	sld [smem:$0x3FA2]  }
0x2f: {  	lr =	sadd.s32 s0, s3;
	s0 =	sld [smem:$0x3F99]  }
0x30: {  	s3 =	sld [smem:$0x3F9C]  }
0x31: {  	[smem:$0x3FA5] =	sst s10  }
0x32: {  	s10 =	sld [smem:$0x3FA3];
	_ =	sdelay $0x3  }
0x33: {  	p0 =	seq.s32 s10, $0x1;
	s10 =	sld [smem:$0x3FA5];
	_ =	sdelay $0x3  }
0x34: {  	[smem:$0x3FA5] =	sst s10  }
0x35: {  	s10 =	sld [smem:$0x3FA4];
	_ =	sdelay $0x3  }
0x36: {  	p1 =	seq.s32 s10, $0x1;
	s10 =	sld [smem:$0x3FA5];
	_ =	sdelay $0x3  }
0x37: {  	[smem:$0x3FA5] =	sst s10  }
0x38: {  	s10 =	sld [smem:$0x3FA6]  }
0x39: {  	_ = 	snop;
	(pc) =	sbr.ind lr, $3  }
0x3a: {  	_ = 	snop  }
0x3b: {  	_ = 	snop  }
0x3c: {  	p2 =	seq.s32 s10, $0x1;
	s10 =	sld [smem:$0x3FA5]  }
0x3d: {  	_ =	shalt  }
0x3e: {  	_ =	shalt  }
0x3f: {  	_ =	shalt  }
0x40: {  	_ =	shalt  }
0x41: {  	_ =	shalt  }
0x42: {  	_ =	shalt  }
0x43: {  	_ =	shalt  }
0x44: {  	_ =	shalt  }
0x45: {  	_ =	shalt  }
0x46: {  	_ =	shalt  }
0x47: {  	_ =	shalt  }
0x48: {  	_ =	shalt  }
0x49: {  	_ =	shalt  }
0x4a: {  	_ =	shalt  }
0x4b: {  	_ =	shalt  }
0x4c: {  	_ =	shalt  }
0x4d: {  	_ =	shalt  }
0x4e: {  	_ =	shalt  }
0x4f: {  	_ =	shalt  }
0x50: {  	_ =	shalt  }
0x51: {  	_ =	shalt  }
0x52: {  	_ =	shalt  }
0x53: {  	_ =	shalt  }
0x54: {  	_ =	shalt  }
0x55: {  	_ =	shalt  }
0x56: {  	_ =	shalt  }
0x57: {  	_ =	shalt  }
0x58: {  	_ =	shalt  }
0x59: {  	_ =	shalt  }
0x5a: {  	_ =	shalt  }
0x5b: {  	_ =	shalt  }
0x5c: {  	_ =	shalt  }
0x5d: {  	_ =	shalt  }
0x5e: {  	_ =	shalt  }
0x5f: {  	_ =	shalt  }
0x60: {  	_ =	shalt  }
0x61: {  	_ =	shalt  }
0x62: {  	_ =	shalt  }
0x63: {  	_ =	shalt  }
0x64: {  	_ =	shalt  }
0x65: {  	_ =	shalt  }
0x66: {  	_ =	shalt  }
0x67: {  	_ =	shalt  }
0x68: {  	_ =	shalt  }
0x69: {  	_ =	shalt  }
0x6a: {  	_ =	shalt  }
0x6b: {  	_ =	shalt  }
0x6c: {  	_ =	shalt  }
0x6d: {  	_ =	shalt  }
0x6e: {  	_ =	shalt  }
0x6f: {  	_ =	shalt  }
0x70: {  	_ =	shalt  }
0x71: {  	_ =	shalt  }
0x72: {  	_ =	shalt  }
0x73: {  	_ =	shalt  }
0x74: {  	_ =	shalt  }
0x75: {  	_ =	shalt  }
0x76: {  	_ =	shalt  }
0x77: {  	_ =	shalt  }
0x78: {  	_ =	shalt  }
0x79: {  	_ =	shalt  }
0x7a: {  	_ =	shalt  }
0x7b: {  	_ =	shalt  }
0x7c: {  	_ =	shalt  }
0x7d: {  	_ =	shalt  }
0x7e: {  	_ =	shalt  }
0x7f: {  	_ =	shalt  }
0x80: {  	_ =	shalt  }
0x81: {  	_ =	shalt  }
0x82: {  	_ =	shalt  }
0x83: {  	_ =	shalt  }
0x84: {  	_ =	shalt  }
0x85: {  	_ =	shalt  }
0x86: {  	_ =	shalt  }
0x87: {  	_ =	shalt  }
.Lfunc_end0:
.L_simem_size_0:
called_computation_lowered:
.L_overlay_start_0:
0x88: {  	s2 =	sld [smem:$0x3FD9]  }
0x89: {  	s3 =	sld [smem:$0x3FFE];
	_ =	sdelay $0x1  }
0x8a: {  	s1 =	srdreg.scid  }
0x8b: {  	s0 =	sand.u32 $0x1, s1  }
0x8c: {  	s14 =	sshll.u32 s0, $0xA;
	s2 =	sadd.s32 s3, s2  }
0x8d: {  	s2 =	sadd.s32 s2, s14  }
0x8e: {  	[smem:$0x3FB1] =	sst s2  }
0x8f: {  	_ = 	snop  }
0x90: {  	s2 =	sld [smem:$0x3FD0];
	_ =	sdelay $0x2  }
0x91: {  	s15 =	simm.s32 $0xB;
	s4 =	simm.s32 $0x10  }
0x92: {  	[smem:s4], [sflag:s15] =	dma.local [hbm:s2], $0x1  }
0x93: {  	_ =	swait.eq [sflag:s15], $0x1  }
0x94: {  	[sflag:s15] =	ssyncset.done $0x0  }
0x95: {  	[sflag:s15] =	ssyncadd.s32 $0xFFFFFFFF  }
0x96: {  	s16 =	sld [smem:$0x10];
	(tm) =	ssettm $0x1  }
0x97: {  	s17 =	sld [smem:$0x3FFB];
	_ =	sdelay $0x3  }
0x98: {  	_ =	strace s17  }
0x99: {  	s3 =	sld [smem:$0x3FFC];
	_ =	sdelay $0x3  }
0x9a: {  	_ =	strace s3  }
0x9b: {  	s3 =	sld [smem:$0x3FFD];
	_ =	sdelay $0x3  }
0x9c: {  	_ =	strace s3  }
0x9d: {  	_ =	strace $0x8FFFFFFF  }
0x9e: {  	s18 =	sld [smem:$0x3FDB];
	_ =	sdelay $0x1  }
0x9f: {  	s19 =	simm.s32 $_scs_section_size  }
0xa0: {  	s5 =	simm.s32 $_size__tile_overlayer_lowered;
	s6 =	simm.s32 $_tile_overlayer_lowered  }
0xa1: {  	s22 =	simm.s32 $0x1BFF;
	s21 =	sshll.u32 s6, $0x1;
	s3 =	sadd.s32 s19, s18  }
0xa2: {  	s7 =	simm.s32 $0x0;
	s20 =	sshll.u32 s5, $0x1;
	s5 =	sadd.s32 s21, s3  }
0xa3: {  	[timem:s7], [sflag:s22] =	dma.local [hbm:s5], s20  }
0xa4: {  	_ =	swait.ge [sflag:s22], s20  }
0xa5: {  	s4 =	ssub.s32 $0x0, s20;
	[sflag:s22] =	ssyncset.done $0x0  }
0xa6: {  	[sflag:s22] =	ssyncadd.s32 s4;
	_ =	sdelay $0x1  }
0xa7: {  	s23 =	simm.s32 $0x1B8B  }
0xa8: {  	_ =	swait.ge [sflag:s23], $0x1  }
0xa9: {  	[sflag:s23] =	ssyncset.done $0x0  }
0xaa: {  	s25 =	simm.s32 $0x1B8E;
	s24 =	sld [smem:$0x3FFE];
	[sflag:s23] =	ssyncadd.s32 $0xFFFFFFFF  }
0xab: {  	s26 =	simm.s32 $execute0_lowered;
	[smem:$0x3FD2] =	sst s25  }
0xac: {  	s5 =	sshll.u32 s26, $0x1;
	_ =	strace $0x80000046;
	[dreg:$0x1] =	wrdreg $0xFFFFFFFF  }
0xad: {  	s28 =	simm.s32 $_size_execute0_lowered;
	s3 =	sadd.s32 s3, s5;
	[dreg:$0x0] =	wrdreg $0x0  }
0xae: {  	s5 =	sshll.u32 s28, $0x1;
	[dreg:$0x2] =	wrdreg s3  }
0xaf: {  	[dreg:$0x3] =	wrdreg s5  }
0xb0: {  	[dreg:$0x4] =	wrdreg $0xC0  }
0xb1: {  	_ =	task [dreg:s7], $0x5FFFF  }
0xb2: {  	[dreg:$0x1] =	wrdreg $0xFFFFFFFF  }
0xb3: {  	[dreg:$0x0] =	wrdreg $0x60  }
0xb4: {  	[dreg:$0x2] =	wrdreg s24  }
0xb5: {  	[dreg:$0x3] =	wrdreg s16  }
0xb6: {  	[dreg:$0x4] =	wrdreg $0xA  }
0xb7: {  	_ =	task.clear_ibuf [dreg:s7], $0x5FFFF;
	_ =	strace $0x90000046  }
0xb8: {  	s29 =	simm.s32 $0xA;
	_ =	strace $0x80000048  }
0xb9: {  	_ =	swait.ge [sflag:s29], $0x1  }
0xba: {  	[sflag:s29] =	ssyncadd.s32 $0xFFFFFFFF  }
0xbb: {  	_ =	strace $0x90000048  }
0xbc: {  	_ =	sfence  }
0xbd: {  	s30 =	sld [smem:$0x0];
	_ =	sdelay $0x2  }
0xbe: {  	s31 =	sshll.u32 s1, $0xD;
	s1 =	sshrl.u32 s1, $0x2  }
0xbf: {  	s3 =	sand.u32 $0x4000, s31;
	s1 =	sadd.s32 s1, s30  }
0xc0: {  	s0 =	sor.u32 s3, s0;
	s1 =	sshll.u32 s1, $0x11  }
0xc1: {  	s0 =	sor.u32 s1, s0  }
0xc2: {  	s0 =	sadd.s32 $0x8F2B, s0  }
0xc3: {  	[sflag:s0] =	ssyncadd.remote.s32 $0x1  }
0xc4: {  	_ =	sfence.sel $0xFFFF  }
0xc5: {  	[dreg:$0x0] =	wrdreg $0xFFFFFFFF;
	(pc) =	sbr.abs _section_cstart, $3  }
0xc6: {  	[dreg:$0x1] =	wrdreg $0xFFFFFFFF  }
0xc7: {  	_ =	task.clear_ibuf [dreg:s7], $0x2FFFF;
	_ =	strace $0x9FFFFFFF  }
0xc8: {  	(tm) =	ssettm $0x7FFFFFFF  }
0xc9: {  	_ =	shalt  }
tec
execute0_lowered:
.L_overlay_start_1:
0x0: {  	(tag) =	ssettag $0x1  }
0x1: {  	s5 =	rddreg [dreg:$0x0]  }
0x2: {  	s2 =	rddreg [dreg:$0x1]  }
0x3: {  	s0 =	rddreg [dreg:$0x2]  }
0x4: {  	s3 =	simm.s32 $0x0;
	s4 =	srdreg.scid;
	s1 =	stileid.u32  }
0x5: {  	s14 =	simm.s32 $0x200;
	s15 =	simm.s32 $0x1;
	s16 =	simm.s32 $0x0  }
0x6: {  	[smem:$0x7FF] =	sst s3;
	s8 =	sand.u32 $0x1, s4;
	s30 =	sshll.u32 s1, $0x1  }
0x7: {  	s4 =	sadd.s32 $0x9200, s5;
	s5 =	sadd.s32 $0xCC800, s5;
	s31 =	sshll.u32 s1, $0xA  }
0x8: {  	s12 =	sshll.u32 s1, $0xE;
	_ =	strace $0x80000047;
	s6 =	ssub.s32 $0x2, s8  }
0x9: {  	s9 =	sor.u32 s8, s30;
	s11 =	sshll.u32 s8, $0x9;
	s13 =	sshll.u32 s8, $0xD  }
0xa: {  	s7 =	sshrl.u32 s6, $0x1;
	s10 =	sshll.u32 s9, $0x7;
	s9 =	ssub.s32 $0x290, s9  }
0xb: {  	s7 =	ssub.s32 s6, s7;
	s6 =	sand.u32 $0x380, s10;
	s8 =	sshrl.u32 s9, $0x5  }
0xc: {  	s9 =	sor.u32 s11, s31;
	s10 =	sor.u32 s13, s12;
	s11 =	simm.s32 $0x80  }
0xd: {  	s12 =	simm.s32 $0x400;
	s13 =	simm.s32 $0x2;
	s7 =	smax.u32 s7, $0x1  }
.LBB2_1:
0xe: {  	p1 =	sne.s32 s8, $0x1  }
.Ltmp0:
0xf: {  	_ = 	snop;
	(pc) =	sbr.rel @!p1 .LBB2_2-.Ltmp0, $4  }
0x10: {  	_ = 	snop  }
0x11: {  	s17 =	sand.u32 $0xFFFFF000, s9  }
0x12: {  	s17 =	sor.u32 s6, s17  }
0x13: {  	s18 =	sadd.s32 $0xFFFFFFFF, s8;
	p0 =	por $0x0, $0x0;
	s20 =	sshrl.u32 s17, $0x3  }
0x14: {  	s17 =	sadd.s32 s2, s20  }
0x15: {  	[tilespmem:s3], [sflag:$0x2] =	stream.strided.gather [hbm4b:s17+s11], $0x200, s12, s11, $0x38;
	[tilespmem:$0x10200] =	vst v63  }
0x16: {  	_ =	swait.ge [sflag:s13], $0x200  }
0x17: {  	[sflag:s13] =	ssyncset.done $0x0  }
0x18: {  	p1 =	sne.s32 s18, $0x1;
	[sflag:s13] =	ssyncadd.s32 $0xFFFFFE00  }
0x19: {  	[tilespmem:s14], [sflag:$0x1] =	stream.indirect.gather [hbm4b:s4+s14], $0x80, s3, s14, $0xb8;
	[tilespmem:$0x10200] =	vst v63  }
0x1a: {  	s19 =	sand.u32 $0x1FFFE000, s10;
	s17 =	sadd.s32 $0x4000, s9;
	_ =	swait.ge [sflag:s15], $0x10000  }
.Ltmp1:
0x1b: {  	s30 =	sand.u32 $0xFFFFF000, s17;
	[sflag:s15] =	ssyncset.done $0x0;
	(pc) =	sbr.rel @!p1 .LBB2_4-.Ltmp1, $4  }
0x1c: {  	s19 =	sadd.s32 s5, s19;
	s31 =	sor.u32 s6, s30;
	[sflag:s15] =	ssyncadd.s32 $0xFFFF0000  }
0x1d: {  	[hbm4b:s19+s3] =	stream.linear.scatter [tilespmem:s14], [sflag:$0x2], $0x10000, $0x38;
	[tilespmem:$0x10200] =	vst v63  }
0x1e: {  	p0 =	por $0x1, $0x1;
	s20 =	sshrl.u32 s31, $0x3;
	_ =	swait.ge [sflag:s13], $0x10000  }
0x1f: {  	s19 =	sadd.s32 $0xFFFFFFFF, s18;
	s18 =	smov.u32 s10;
	[sflag:s13] =	ssyncset.done $0x0  }
.LBB2_5:
0x20: {  	s20 =	sadd.s32 s2, s20;
	[sflag:s13] =	ssyncadd.s32 $0xFFFF0000;
	s18 =	sadd.s32 $0x40000, s18  }
0x21: {  	[tilespmem:s3], [sflag:$0x2] =	stream.strided.gather [hbm4b:s20+s11], $0x200, s12, s11, $0x38;
	[tilespmem:$0x10200] =	vst v63  }
0x22: {  	p1 =	sne.s32 s19, $0x1;
	s19 =	sadd.s32 $0xFFFFFFFF, s19;
	_ =	swait.ge [sflag:s13], $0x200  }
0x23: {  	[sflag:s13] =	ssyncset.done $0x0  }
0x24: {  	[sflag:s13] =	ssyncadd.s32 $0xFFFFFE00  }
0x25: {  	[tilespmem:s14], [sflag:$0x1] =	stream.indirect.gather [hbm4b:s4+s14], $0x80, s3, s14, $0xb8;
	[tilespmem:$0x10200] =	vst v63  }
0x26: {  	s17 =	sadd.s32 $0x4000, s17;
	_ =	swait.ge [sflag:s15], $0x10000  }
.Ltmp2:
0x27: {  	s20 =	sand.u32 $0x1FFFE000, s18;
	[sflag:s15] =	ssyncset.done $0x0;
	(pc) =	sbr.rel @p1 .LBB2_5-.Ltmp2, $4  }
0x28: {  	s21 =	sand.u32 $0xFFFFF000, s17;
	s20 =	sadd.s32 s5, s20;
	[sflag:s15] =	ssyncadd.s32 $0xFFFF0000  }
0x29: {  	[hbm4b:s20+s3] =	stream.linear.scatter [tilespmem:s14], [sflag:$0x2], $0x10000, $0x38;
	[tilespmem:$0x10200] =	vst v63  }
0x2a: {  	s20 =	sor.u32 s6, s21;
	_ =	swait.ge [sflag:s13], $0x10000  }
0x2b: {  	s20 =	sshrl.u32 s20, $0x3;
	[sflag:s13] =	ssyncset.done $0x0  }
.LBB2_6:
0x2c: {  	s17 =	sadd.s32 s2, s20;
	[sflag:s13] =	ssyncadd.s32 @p0 $0xFFFF0000  }
0x2d: {  	[tilespmem:s3], [sflag:$0x2] =	stream.strided.gather [hbm4b:s17+s11], $0x200, s12, s11, $0x38;
	[tilespmem:$0x10200] =	vst v63  }
0x2e: {  	_ =	swait.ge [sflag:s13], $0x200  }
0x2f: {  	[sflag:s13] =	ssyncset.done $0x0  }
0x30: {  	s17 =	sadd.s32 @p0 $0x40000, s18;
	s18 =	smov.u32 s10;
	[sflag:s13] =	ssyncadd.s32 $0xFFFFFE00  }
0x31: {  	[tilespmem:s14], [sflag:$0x1] =	stream.indirect.gather [hbm4b:s4+s14], $0x80, s3, s14, $0xb8;
	[tilespmem:$0x10200] =	vst v63  }
0x32: {  	s18 =	smov.u32 @p0 s17;
	_ =	swait.ge [sflag:s15], $0x10000  }
0x33: {  	s16 =	sadd.s32 $0x1, s16;
	s17 =	sand.u32 $0x1FFFE000, s18;
	[sflag:s15] =	ssyncset.done $0x0  }
0x34: {  	p0 =	sne.s32 s16, s7;
	s17 =	sadd.s32 s5, s17;
	[sflag:s15] =	ssyncadd.s32 $0xFFFF0000  }
0x35: {  	[hbm4b:s17+s3] =	stream.linear.scatter [tilespmem:s14], [sflag:$0x2], $0x10000, $0x38;
	[tilespmem:$0x10200] =	vst v63  }
.Ltmp3:
0x36: {  	_ = 	snop;
	(pc) =	sbr.rel @p0 .LBB2_1-.Ltmp3, $4  }
.Ltmp4:
0x37: {  	_ = 	snop;
	(pc) =	sbr.rel @!p0 .LBB2_7-.Ltmp4, $4  }
0x38: {  	_ =	swait.ge [sflag:s13], $0x10000  }
0x39: {  	[sflag:s13] =	ssyncset.done $0x0  }
0x3a: {  	[sflag:s13] =	ssyncadd.s32 $0xFFFF0000  }
0x3b: {  	_ = 	snop  }
.LBB2_2:
.Ltmp5:
0x3c: {  	(pc) =	sbr.rel .LBB2_6-.Ltmp5, $2  }
0x3d: {  	_ =	sdelay $0x2  }
0x3e: {  	s18 =	smov.u32 s10  }
.LBB2_4:
.Ltmp6:
0x3f: {  	(pc) =	sbr.rel .LBB2_6-.Ltmp6, $2  }
0x40: {  	_ =	sdelay $0x2  }
0x41: {  	s18 =	smov.u32 s10  }
.LBB2_7:
0x42: {  	_ =	sfence.sel $0x180000  }
0x43: {  	[bflag:$0x0] =	sbarrier.arrive $0xFFFF  }
0x44: {  	p0 =	sne.s32 s1, $0x0;
	_ =	strace $0x90000047  }
0x45: {  	s0 =	sadd.s32 @!p0 $0x100000, s0;
	[bflag:$0x2] =	sbarrier.arrive $0xFFFF  }
0x46: {  	[sflag:s0] =	ssyncadd.tile.s32 @!p0 $0x1;
	_ =	shalt  }
.Lfunc_end2:
_tile_overlayer_lowered:
.L_overlay_start_2:
0x47: {  	(tag) =	ssettag $0x2  }
0x48: {  	s0 =	rddreg [dreg:$0x0];
	s2 =	stileid.u32  }
0x49: {  	s1 =	rddreg [dreg:$0x1];
	p0 =	sne.s32 s2, $0x0  }
0x4a: {  	s3 =	rddreg [dreg:$0x2];
	[bflag:$0x3] =	sbarrier.arrive $0xFFFF;
	s2 =	simm.s32 @!p0 $0x1C02  }
0x4b: {  	[timem:s3], [sflag:s2] =	dma.local @!p0 [hbm:s0], s1  }
0x4c: {  	s0 =	simm.s32 @!p0 $0x2  }
0x4d: {  	_ =	swait.ge @!p0 [sflag:s0], s1  }
0x4e: {  	s1 =	ssub.s32 @!p0 $0x0, s1;
	[sflag:s0] =	ssyncset.done @!p0 $0x0  }
0x4f: {  	[sflag:s0] =	ssyncadd.s32 @!p0 s1  }
0x50: {  	[bflag:$0x3] =	sbarrier.arrive $0xFFFF  }
0x51: {  	_ =	shalt  }

// kernel: kernel.13.cloned.1.call-start
scs
__scs_entry_jumppad:
0x0: {  	(pc) =	sbr.rel $0x88, $3  }
0x1: {  	(tag) =	ssettag $0x0;
	lr =	simm.s32 $0x1  }
0x2: {  	[smem:$0x3F8A] =	sst lr;
	_ =	strace $0xD0000000  }
0x3: {  	_ = 	snop  }
0x4: {  	_ = 	snop  }
0x5: {  	_ = 	snop  }
0x6: {  	_ = 	snop  }
0x7: {  	_ = 	snop  }
__scs_overlays_trampoline_lowered:
0x8: {  	[smem:$0x3F99] =	sst s0  }
0x9: {  	[smem:$0x3F9A] =	sst s1  }
0xa: {  	[smem:$0x3F9B] =	sst s2  }
0xb: {  	[smem:$0x3F9C] =	sst s3  }
0xc: {  	[smem:$0x3F9D] =	sst s4  }
0xd: {  	[smem:$0x3F9E] =	sst s5  }
0xe: {  	[smem:$0x3F9F] =	sst s6  }
0xf: {  	[smem:$0x3FA0] =	sst s7  }
0x10: {  	[smem:$0x3FA1] =	sst s8  }
0x11: {  	[smem:$0x3FA2] =	sst s9;
	s0 =	simm.s32 @!p0 $0x0  }
0x12: {  	s1 =	sld [smem:$0x3F88];
	s0 =	simm.s32 @p0 $0x1  }
0x13: {  	[smem:$0x3FA3] =	sst s0;
	s0 =	simm.s32 @!p1 $0x0  }
0x14: {  	s2 =	sld [smem:$0x3F87];
	s0 =	simm.s32 @p1 $0x1  }
0x15: {  	[smem:$0x3FA4] =	sst s0;
	s0 =	simm.s32 @!p2 $0x0  }
0x16: {  	s3 =	sld [smem:$0x3FDB];
	s0 =	simm.s32 @p2 $0x1  }
0x17: {  	s4 =	simm.s32 $0x1BF5;
	[smem:$0x3FA6] =	sst s0  }
0x18: {  	s0 =	sld [smem:$0x3F89];
	_ =	swait.ge [sflag:s4], $0x0  }
0x19: {  	s7 =	sld [smem:$0x3F8A]  }
0x1a: {  	s8 =	sadd.s32 $0xFFFFE003, lr  }
0x1b: {  	s9 =	sadd.s32 $0xFFFFFEF7, lr;
	s5 =	simm.s32 $0xFFFFFFFF;
	p2 =	slt.u32 s8, $0xFFFFF086  }
0x1c: {  	p1 =	slt.u32 s9, $0xF7A;
	s5 =	simm.s32 @!p2 $0x0  }
0x1d: {  	s5 =	simm.s32 @p1 $0x1;
	p0 =	seq.s32 s7, s2  }
0x1e: {  	s7 =	smul.u32 @!p0 $0xF7A, s2;
	p2 =	seq.s32 @!p0 s5, $0x0  }
0x1f: {  	s9 =	smul.u32 $0xF7A, s1;
	s8 =	simm.s32 @!p0 $0x1BF5;
	p2 =	por !p2, p0  }
0x20: {  	[sflag:s8] =	ssyncset.s32 @!p0 $0xFFFFF086;
	s6 =	sadd.s32 @!p0 s3, s7;
	s7 =	simm.s32 @!p0 $0x108  }
0x21: {  	s3 =	sadd.s32 s3, s9;
	s6 =	sadd.s32 @!p0 $0x88, s6;
	s7 =	simm.s32 @p2 $0x1082  }
0x22: {  	[simem:s7], [sflag:s8] =	dma.local @!p0 [hbm:s6], $0xF7A  }
0x23: {  	s9 =	sor.u32 $0xD0000000, s2;
	s6 =	simm.s32 $0x108;
	_ =	swait.ge @!p0 [sflag:s8], $0x0  }
0x24: {  	s3 =	sadd.s32 $0x88, s3;
	s6 =	simm.s32 @!p1 $0x1082;
	[sflag:s4] =	ssyncset.s32 $0xFFFFF086  }
0x25: {  	[simem:s6], [sflag:s4] =	dma.local [hbm:s3], $0xF7A  }
0x26: {  	[smem:$0x3F8A] =	sst s1;
	(tag) =	ssettag s2;
	_ =	strace s9  }
0x27: {  	s1 =	sld [smem:$0x3F9A]  }
0x28: {  	s2 =	sld [smem:$0x3F9B]  }
0x29: {  	s4 =	sld [smem:$0x3F9D]  }
0x2a: {  	p0 =	seq.s32 s5, $0x0;
	s5 =	sld [smem:$0x3F9E]  }
0x2b: {  	s6 =	sld [smem:$0x3F9F]  }
0x2c: {  	s7 =	sld [smem:$0x3FA0]  }
0x2d: {  	s3 =	simm.s32 $0x108;
	s8 =	sld [smem:$0x3FA1]  }
0x2e: {  	s3 =	simm.s32 @!p0 $0x1082;
	s9 =	sld [smem:$0x3FA2]  }
0x2f: {  	lr =	sadd.s32 s0, s3;
	s0 =	sld [smem:$0x3F99]  }
0x30: {  	s3 =	sld [smem:$0x3F9C]  }
0x31: {  	[smem:$0x3FA5] =	sst s10  }
0x32: {  	s10 =	sld [smem:$0x3FA3];
	_ =	sdelay $0x3  }
0x33: {  	p0 =	seq.s32 s10, $0x1;
	s10 =	sld [smem:$0x3FA5];
	_ =	sdelay $0x3  }
0x34: {  	[smem:$0x3FA5] =	sst s10  }
0x35: {  	s10 =	sld [smem:$0x3FA4];
	_ =	sdelay $0x3  }
0x36: {  	p1 =	seq.s32 s10, $0x1;
	s10 =	sld [smem:$0x3FA5];
	_ =	sdelay $0x3  }
0x37: {  	[smem:$0x3FA5] =	sst s10  }
0x38: {  	s10 =	sld [smem:$0x3FA6]  }
0x39: {  	_ = 	snop;
	(pc) =	sbr.ind lr, $3  }
0x3a: {  	_ = 	snop  }
0x3b: {  	_ = 	snop  }
0x3c: {  	p2 =	seq.s32 s10, $0x1;
	s10 =	sld [smem:$0x3FA5]  }
0x3d: {  	_ =	shalt  }
0x3e: {  	_ =	shalt  }
0x3f: {  	_ =	shalt  }
0x40: {  	_ =	shalt  }
0x41: {  	_ =	shalt  }
0x42: {  	_ =	shalt  }
0x43: {  	_ =	shalt  }
0x44: {  	_ =	shalt  }
0x45: {  	_ =	shalt  }
0x46: {  	_ =	shalt  }
0x47: {  	_ =	shalt  }
0x48: {  	_ =	shalt  }
0x49: {  	_ =	shalt  }
0x4a: {  	_ =	shalt  }
0x4b: {  	_ =	shalt  }
0x4c: {  	_ =	shalt  }
0x4d: {  	_ =	shalt  }
0x4e: {  	_ =	shalt  }
0x4f: {  	_ =	shalt  }
0x50: {  	_ =	shalt  }
0x51: {  	_ =	shalt  }
0x52: {  	_ =	shalt  }
0x53: {  	_ =	shalt  }
0x54: {  	_ =	shalt  }
0x55: {  	_ =	shalt  }
0x56: {  	_ =	shalt  }
0x57: {  	_ =	shalt  }
0x58: {  	_ =	shalt  }
0x59: {  	_ =	shalt  }
0x5a: {  	_ =	shalt  }
0x5b: {  	_ =	shalt  }
0x5c: {  	_ =	shalt  }
0x5d: {  	_ =	shalt  }
0x5e: {  	_ =	shalt  }
0x5f: {  	_ =	shalt  }
0x60: {  	_ =	shalt  }
0x61: {  	_ =	shalt  }
0x62: {  	_ =	shalt  }
0x63: {  	_ =	shalt  }
0x64: {  	_ =	shalt  }
0x65: {  	_ =	shalt  }
0x66: {  	_ =	shalt  }
0x67: {  	_ =	shalt  }
0x68: {  	_ =	shalt  }
0x69: {  	_ =	shalt  }
0x6a: {  	_ =	shalt  }
0x6b: {  	_ =	shalt  }
0x6c: {  	_ =	shalt  }
0x6d: {  	_ =	shalt  }
0x6e: {  	_ =	shalt  }
0x6f: {  	_ =	shalt  }
0x70: {  	_ =	shalt  }
0x71: {  	_ =	shalt  }
0x72: {  	_ =	shalt  }
0x73: {  	_ =	shalt  }
0x74: {  	_ =	shalt  }
0x75: {  	_ =	shalt  }
0x76: {  	_ =	shalt  }
0x77: {  	_ =	shalt  }
0x78: {  	_ =	shalt  }
0x79: {  	_ =	shalt  }
0x7a: {  	_ =	shalt  }
0x7b: {  	_ =	shalt  }
0x7c: {  	_ =	shalt  }
0x7d: {  	_ =	shalt  }
0x7e: {  	_ =	shalt  }
0x7f: {  	_ =	shalt  }
0x80: {  	_ =	shalt  }
0x81: {  	_ =	shalt  }
0x82: {  	_ =	shalt  }
0x83: {  	_ =	shalt  }
0x84: {  	_ =	shalt  }
0x85: {  	_ =	shalt  }
0x86: {  	_ =	shalt  }
0x87: {  	_ =	shalt  }
.Lfunc_end0:
.L_simem_size_0:
called_computation.1_lowered:
.L_overlay_start_0:
0x88: {  	s2 =	sld [smem:$0x3FD9]  }
0x89: {  	s3 =	sld [smem:$0x3FFE];
	_ =	sdelay $0x1  }
0x8a: {  	s1 =	srdreg.scid  }
0x8b: {  	s0 =	sand.u32 $0x1, s1  }
0x8c: {  	s15 =	sshll.u32 s0, $0xA;
	s2 =	sadd.s32 s3, s2  }
0x8d: {  	s2 =	sadd.s32 s2, s15  }
0x8e: {  	[smem:$0x3FB1] =	sst s2  }
0x8f: {  	_ = 	snop  }
0x90: {  	s2 =	sld [smem:$0x3FD0];
	_ =	sdelay $0x2  }
0x91: {  	s16 =	simm.s32 $0xB;
	s4 =	simm.s32 $0x10  }
0x92: {  	[smem:s4], [sflag:s16] =	dma.local [hbm:s2], $0x1  }
0x93: {  	_ =	swait.eq [sflag:s16], $0x1  }
0x94: {  	[sflag:s16] =	ssyncset.done $0x0  }
0x95: {  	[sflag:s16] =	ssyncadd.s32 $0xFFFFFFFF  }
0x96: {  	s17 =	sld [smem:$0x12];
	(tm) =	ssettm $0x1  }
0x97: {  	s18 =	sld [smem:$0x3FFB];
	_ =	sdelay $0x3  }
0x98: {  	_ =	strace s18  }
0x99: {  	s2 =	sld [smem:$0x3FFC];
	_ =	sdelay $0x3  }
0x9a: {  	_ =	strace s2  }
0x9b: {  	s2 =	sld [smem:$0x3FFD];
	_ =	sdelay $0x3  }
0x9c: {  	_ =	strace s2  }
0x9d: {  	_ =	strace $0x8FFFFFFF  }
0x9e: {  	s19 =	sld [smem:$0x3FDB];
	_ =	sdelay $0x1  }
0x9f: {  	s20 =	simm.s32 $_scs_section_size  }
0xa0: {  	s5 =	simm.s32 $_size__tile_overlayer_lowered;
	s6 =	simm.s32 $_tile_overlayer_lowered  }
0xa1: {  	s7 =	simm.s32 $0x1BFF;
	s21 =	sshll.u32 s6, $0x1;
	s4 =	sadd.s32 s20, s19  }
0xa2: {  	s22 =	simm.s32 $0x0;
	s5 =	sshll.u32 s5, $0x1;
	s6 =	sadd.s32 s21, s4  }
0xa3: {  	[timem:s22], [sflag:s7] =	dma.local [hbm:s6], s5  }
0xa4: {  	_ =	swait.ge [sflag:s7], s5  }
0xa5: {  	s5 =	ssub.s32 $0x0, s5;
	[sflag:s7] =	ssyncset.done $0x0  }
0xa6: {  	[sflag:s7] =	ssyncadd.s32 s5;
	_ =	sdelay $0x1  }
0xa7: {  	s23 =	simm.s32 $0x1B8B  }
0xa8: {  	_ =	swait.ge [sflag:s23], $0x1  }
0xa9: {  	[sflag:s23] =	ssyncset.done $0x0  }
0xaa: {  	[sflag:s23] =	ssyncadd.s32 $0xFFFFFFFF  }
0xab: {  	s5 =	sld [smem:$0x0]  }
0xac: {  	s6 =	sand.u32 $0xFFFFFFFE, s1  }
0xad: {  	p0 =	sne.s32 s1, s6  }
0xae: {  	s6 =	sshll.u32 @p0 s6, $0xE  }
0xaf: {  	s6 =	sadd.s32 @p0 $0x11B8D, s6;
	s7 =	sshll.u32 @p0 s5, $0x11  }
0xb0: {  	s6 =	sor.u32 @p0 s7, s6  }
0xb1: {  	[sflag:s6] =	ssyncadd.remote.s32 @p0 $0x1;
	_ =	sdelay $0x1  }
0xb2: {  	s6 =	simm.s32 @p0 $0x1B8D  }
0xb3: {  	_ =	swait.eq @p0 [sflag:s6], $0x1  }
0xb4: {  	[sflag:s6] =	ssyncadd.s32 @p0 $0xFFFFFFFF  }
0xb5: {  	s7 =	sshll.u32 @!p0 s1, $0xE  }
0xb6: {  	s7 =	sor.u32 @!p0 $0x4000, s7;
	s6 =	simm.s32 @!p0 $0x1B8D  }
0xb7: {  	s5 =	sshll.u32 @!p0 s5, $0x11;
	s7 =	sadd.s32 @!p0 $0x11B8D, s7;
	_ =	swait.eq @!p0 [sflag:s6], $0x1  }
0xb8: {  	s5 =	sor.u32 @!p0 s5, s7;
	[sflag:s6] =	ssyncadd.s32 @!p0 $0xFFFFFFFF  }
0xb9: {  	s25 =	simm.s32 $0x1B8E;
	s24 =	sld [smem:$0x3FFE];
	[sflag:s5] =	ssyncadd.remote.s32 @!p0 $0x1  }
0xba: {  	s26 =	simm.s32 $execute0_lowered;
	[smem:$0x3FD2] =	sst s25  }
0xbb: {  	s6 =	sshll.u32 s26, $0x1;
	_ =	strace $0x80000049;
	[dreg:$0x1] =	wrdreg $0xFFFFFFFF  }
0xbc: {  	s28 =	simm.s32 $_size_execute0_lowered;
	s4 =	sadd.s32 s4, s6;
	[dreg:$0x0] =	wrdreg $0x0  }
0xbd: {  	s6 =	sshll.u32 s28, $0x1;
	[dreg:$0x2] =	wrdreg s4  }
0xbe: {  	[dreg:$0x3] =	wrdreg s6  }
0xbf: {  	[dreg:$0x4] =	wrdreg $0xC0  }
0xc0: {  	_ =	task [dreg:s22], $0x5FFFF  }
0xc1: {  	[dreg:$0x1] =	wrdreg $0xFFFFFFFF  }
0xc2: {  	[dreg:$0x0] =	wrdreg $0x60  }
0xc3: {  	[dreg:$0x2] =	wrdreg s24  }
0xc4: {  	[dreg:$0x3] =	wrdreg s17  }
0xc5: {  	[dreg:$0x4] =	wrdreg $0x9  }
0xc6: {  	_ =	task.clear_ibuf [dreg:s22], $0x5FFFF;
	_ =	strace $0x90000049  }
0xc7: {  	s29 =	simm.s32 $0x9;
	_ =	strace $0x8000004B  }
0xc8: {  	_ =	swait.ge [sflag:s29], $0x1  }
0xc9: {  	[sflag:s29] =	ssyncadd.s32 $0xFFFFFFFF  }
0xca: {  	_ =	strace $0x9000004B  }
0xcb: {  	_ =	sfence  }
0xcc: {  	s30 =	sld [smem:$0x0];
	_ =	sdelay $0x2  }
0xcd: {  	s31 =	sshll.u32 s1, $0xD;
	s1 =	sshrl.u32 s1, $0x2  }
0xce: {  	s4 =	sand.u32 $0x4000, s31;
	s1 =	sadd.s32 s1, s30  }
0xcf: {  	s0 =	sor.u32 s4, s0;
	s1 =	sshll.u32 s1, $0x11  }
0xd0: {  	s0 =	sor.u32 s1, s0  }
0xd1: {  	s0 =	sadd.s32 $0x8F2B, s0  }
0xd2: {  	[sflag:s0] =	ssyncadd.remote.s32 $0x1  }
0xd3: {  	_ =	sfence.sel $0xFFFF  }
0xd4: {  	[dreg:$0x0] =	wrdreg $0xFFFFFFFF;
	(pc) =	sbr.abs _section_cstart, $3  }
0xd5: {  	[dreg:$0x1] =	wrdreg $0xFFFFFFFF  }
0xd6: {  	_ =	task.clear_ibuf [dreg:s22], $0x2FFFF;
	_ =	strace $0x9FFFFFFF  }
0xd7: {  	(tm) =	ssettm $0x7FFFFFFF  }
tec
execute0_lowered:
.L_overlay_start_1:
0x0: {  	(tag) =	ssettag $0x1  }
0x1: {  	s5 =	rddreg [dreg:$0x0]  }
0x2: {  	s2 =	rddreg [dreg:$0x1]  }
0x3: {  	s0 =	rddreg [dreg:$0x2]  }
0x4: {  	s3 =	simm.s32 $0x0;
	s4 =	srdreg.scid;
	s1 =	stileid.u32  }
0x5: {  	s14 =	simm.s32 $0x200;
	s15 =	simm.s32 $0x1;
	s16 =	simm.s32 $0x0  }
0x6: {  	[smem:$0x7FF] =	sst s3;
	s8 =	sand.u32 $0x1, s4;
	s30 =	sshll.u32 s1, $0x1  }
0x7: {  	s4 =	sadd.s32 $0x9200, s5;
	s5 =	sadd.s32 $0x5B1000, s5;
	s31 =	sshll.u32 s1, $0xA  }
0x8: {  	s12 =	sshll.u32 s1, $0xE;
	_ =	strace $0x8000004A;
	s6 =	ssub.s32 $0x2, s8  }
0x9: {  	s9 =	sor.u32 s8, s30;
	s11 =	sshll.u32 s8, $0x9;
	s13 =	sshll.u32 s8, $0xD  }
0xa: {  	s7 =	sshrl.u32 s6, $0x1;
	s10 =	sshll.u32 s9, $0x7;
	s9 =	ssub.s32 $0x158, s9  }
0xb: {  	s7 =	ssub.s32 s6, s7;
	s6 =	sand.u32 $0x380, s10;
	s8 =	sshrl.u32 s9, $0x5  }
0xc: {  	s9 =	sor.u32 s11, s31;
	s10 =	sor.u32 s13, s12;
	s11 =	simm.s32 $0x80  }
0xd: {  	s12 =	simm.s32 $0x400;
	s13 =	simm.s32 $0x2;
	s7 =	smax.u32 s7, $0x1  }
.LBB2_1:
0xe: {  	p1 =	sne.s32 s8, $0x1  }
.Ltmp0:
0xf: {  	_ = 	snop;
	(pc) =	sbr.rel @!p1 .LBB2_2-.Ltmp0, $4  }
0x10: {  	_ = 	snop  }
0x11: {  	s17 =	sand.u32 $0xFFFFF000, s9  }
0x12: {  	s17 =	sor.u32 s6, s17  }
0x13: {  	s18 =	sadd.s32 $0xFFFFFFFF, s8;
	p0 =	por $0x0, $0x0;
	s20 =	sshrl.u32 s17, $0x3  }
0x14: {  	s17 =	sadd.s32 s2, s20  }
0x15: {  	[tilespmem:s3], [sflag:$0x2] =	stream.strided.gather [hbm4b:s17+s11], $0x200, s12, s11, $0x38;
	[tilespmem:$0x10200] =	vst v63  }
0x16: {  	_ =	swait.ge [sflag:s13], $0x200  }
0x17: {  	[sflag:s13] =	ssyncset.done $0x0  }
0x18: {  	p1 =	sne.s32 s18, $0x1;
	[sflag:s13] =	ssyncadd.s32 $0xFFFFFE00  }
0x19: {  	[tilespmem:s14], [sflag:$0x1] =	stream.indirect.gather [hbm4b:s4+s14], $0x80, s3, s14, $0xb8;
	[tilespmem:$0x10200] =	vst v63  }
0x1a: {  	s19 =	sand.u32 $0x1FFFE000, s10;
	s17 =	sadd.s32 $0x4000, s9;
	_ =	swait.ge [sflag:s15], $0x10000  }
.Ltmp1:
0x1b: {  	s30 =	sand.u32 $0xFFFFF000, s17;
	[sflag:s15] =	ssyncset.done $0x0;
	(pc) =	sbr.rel @!p1 .LBB2_4-.Ltmp1, $4  }
0x1c: {  	s19 =	sadd.s32 s5, s19;
	s31 =	sor.u32 s6, s30;
	[sflag:s15] =	ssyncadd.s32 $0xFFFF0000  }
0x1d: {  	[hbm4b:s19+s3] =	stream.linear.scatter [tilespmem:s14], [sflag:$0x2], $0x10000, $0x38;
	[tilespmem:$0x10200] =	vst v63  }
0x1e: {  	p0 =	por $0x1, $0x1;
	s20 =	sshrl.u32 s31, $0x3;
	_ =	swait.ge [sflag:s13], $0x10000  }
0x1f: {  	s19 =	sadd.s32 $0xFFFFFFFF, s18;
	s18 =	smov.u32 s10;
	[sflag:s13] =	ssyncset.done $0x0  }
.LBB2_5:
0x20: {  	s20 =	sadd.s32 s2, s20;
	[sflag:s13] =	ssyncadd.s32 $0xFFFF0000;
	s18 =	sadd.s32 $0x40000, s18  }
0x21: {  	[tilespmem:s3], [sflag:$0x2] =	stream.strided.gather [hbm4b:s20+s11], $0x200, s12, s11, $0x38;
	[tilespmem:$0x10200] =	vst v63  }
0x22: {  	p1 =	sne.s32 s19, $0x1;
	s19 =	sadd.s32 $0xFFFFFFFF, s19;
	_ =	swait.ge [sflag:s13], $0x200  }
0x23: {  	[sflag:s13] =	ssyncset.done $0x0  }
0x24: {  	[sflag:s13] =	ssyncadd.s32 $0xFFFFFE00  }
0x25: {  	[tilespmem:s14], [sflag:$0x1] =	stream.indirect.gather [hbm4b:s4+s14], $0x80, s3, s14, $0xb8;
	[tilespmem:$0x10200] =	vst v63  }
0x26: {  	s17 =	sadd.s32 $0x4000, s17;
	_ =	swait.ge [sflag:s15], $0x10000  }
.Ltmp2:
0x27: {  	s20 =	sand.u32 $0x1FFFE000, s18;
	[sflag:s15] =	ssyncset.done $0x0;
	(pc) =	sbr.rel @p1 .LBB2_5-.Ltmp2, $4  }
0x28: {  	s21 =	sand.u32 $0xFFFFF000, s17;
	s20 =	sadd.s32 s5, s20;
	[sflag:s15] =	ssyncadd.s32 $0xFFFF0000  }
0x29: {  	[hbm4b:s20+s3] =	stream.linear.scatter [tilespmem:s14], [sflag:$0x2], $0x10000, $0x38;
	[tilespmem:$0x10200] =	vst v63  }
0x2a: {  	s20 =	sor.u32 s6, s21;
	_ =	swait.ge [sflag:s13], $0x10000  }
0x2b: {  	s20 =	sshrl.u32 s20, $0x3;
	[sflag:s13] =	ssyncset.done $0x0  }
.LBB2_6:
0x2c: {  	s17 =	sadd.s32 s2, s20;
	[sflag:s13] =	ssyncadd.s32 @p0 $0xFFFF0000  }
0x2d: {  	[tilespmem:s3], [sflag:$0x2] =	stream.strided.gather [hbm4b:s17+s11], $0x200, s12, s11, $0x38;
	[tilespmem:$0x10200] =	vst v63  }
0x2e: {  	_ =	swait.ge [sflag:s13], $0x200  }
0x2f: {  	[sflag:s13] =	ssyncset.done $0x0  }
0x30: {  	s17 =	sadd.s32 @p0 $0x40000, s18;
	s18 =	smov.u32 s10;
	[sflag:s13] =	ssyncadd.s32 $0xFFFFFE00  }
0x31: {  	[tilespmem:s14], [sflag:$0x1] =	stream.indirect.gather [hbm4b:s4+s14], $0x80, s3, s14, $0xb8;
	[tilespmem:$0x10200] =	vst v63  }
0x32: {  	s18 =	smov.u32 @p0 s17;
	_ =	swait.ge [sflag:s15], $0x10000  }
0x33: {  	s16 =	sadd.s32 $0x1, s16;
	s17 =	sand.u32 $0x1FFFE000, s18;
	[sflag:s15] =	ssyncset.done $0x0  }
0x34: {  	p0 =	sne.s32 s16, s7;
	s17 =	sadd.s32 s5, s17;
	[sflag:s15] =	ssyncadd.s32 $0xFFFF0000  }
0x35: {  	[hbm4b:s17+s3] =	stream.linear.scatter [tilespmem:s14], [sflag:$0x2], $0x10000, $0x38;
	[tilespmem:$0x10200] =	vst v63  }
.Ltmp3:
0x36: {  	_ = 	snop;
	(pc) =	sbr.rel @p0 .LBB2_1-.Ltmp3, $4  }
.Ltmp4:
0x37: {  	_ = 	snop;
	(pc) =	sbr.rel @!p0 .LBB2_7-.Ltmp4, $4  }
0x38: {  	_ =	swait.ge [sflag:s13], $0x10000  }
0x39: {  	[sflag:s13] =	ssyncset.done $0x0  }
0x3a: {  	[sflag:s13] =	ssyncadd.s32 $0xFFFF0000  }
0x3b: {  	_ = 	snop  }
.LBB2_2:
.Ltmp5:
0x3c: {  	(pc) =	sbr.rel .LBB2_6-.Ltmp5, $2  }
0x3d: {  	_ =	sdelay $0x2  }
0x3e: {  	s18 =	smov.u32 s10  }
.LBB2_4:
.Ltmp6:
0x3f: {  	(pc) =	sbr.rel .LBB2_6-.Ltmp6, $2  }
0x40: {  	_ =	sdelay $0x2  }
0x41: {  	s18 =	smov.u32 s10  }
.LBB2_7:
0x42: {  	_ =	sfence.sel $0x180000  }
0x43: {  	[bflag:$0x0] =	sbarrier.arrive $0xFFFF  }
0x44: {  	p0 =	sne.s32 s1, $0x0;
	_ =	strace $0x9000004A  }
0x45: {  	s0 =	sadd.s32 @!p0 $0x100000, s0;
	[bflag:$0x2] =	sbarrier.arrive $0xFFFF  }
0x46: {  	[sflag:s0] =	ssyncadd.tile.s32 @!p0 $0x1;
	_ =	shalt  }
.Lfunc_end2:
_tile_overlayer_lowered:
.L_overlay_start_2:
0x47: {  	(tag) =	ssettag $0x2  }
0x48: {  	s0 =	rddreg [dreg:$0x0];
	s2 =	stileid.u32  }
0x49: {  	s1 =	rddreg [dreg:$0x1];
	p0 =	sne.s32 s2, $0x0  }
0x4a: {  	s3 =	rddreg [dreg:$0x2];
	[bflag:$0x3] =	sbarrier.arrive $0xFFFF;
	s2 =	simm.s32 @!p0 $0x1C02  }
0x4b: {  	[timem:s3], [sflag:s2] =	dma.local @!p0 [hbm:s0], s1  }
0x4c: {  	s0 =	simm.s32 @!p0 $0x2  }
0x4d: {  	_ =	swait.ge @!p0 [sflag:s0], s1  }
0x4e: {  	s1 =	ssub.s32 @!p0 $0x0, s1;
	[sflag:s0] =	ssyncset.done @!p0 $0x0  }
0x4f: {  	[sflag:s0] =	ssyncadd.s32 @!p0 s1  }
0x50: {  	[bflag:$0x3] =	sbarrier.arrive $0xFFFF  }
0x51: {  	_ =	shalt  }

// kernel: kernel.16.cloned.1.call-start
scs
__scs_entry_jumppad:
0x0: {  	(pc) =	sbr.rel $0x88, $3  }
0x1: {  	(tag) =	ssettag $0x0;
	lr =	simm.s32 $0x1  }
0x2: {  	[smem:$0x3F8A] =	sst lr;
	_ =	strace $0xD0000000  }
0x3: {  	_ = 	snop  }
0x4: {  	_ = 	snop  }
0x5: {  	_ = 	snop  }
0x6: {  	_ = 	snop  }
0x7: {  	_ = 	snop  }
__scs_overlays_trampoline_lowered:
0x8: {  	[smem:$0x3F99] =	sst s0  }
0x9: {  	[smem:$0x3F9A] =	sst s1  }
0xa: {  	[smem:$0x3F9B] =	sst s2  }
0xb: {  	[smem:$0x3F9C] =	sst s3  }
0xc: {  	[smem:$0x3F9D] =	sst s4  }
0xd: {  	[smem:$0x3F9E] =	sst s5  }
0xe: {  	[smem:$0x3F9F] =	sst s6  }
0xf: {  	[smem:$0x3FA0] =	sst s7  }
0x10: {  	[smem:$0x3FA1] =	sst s8  }
0x11: {  	[smem:$0x3FA2] =	sst s9;
	s0 =	simm.s32 @!p0 $0x0  }
0x12: {  	s1 =	sld [smem:$0x3F88];
	s0 =	simm.s32 @p0 $0x1  }
0x13: {  	[smem:$0x3FA3] =	sst s0;
	s0 =	simm.s32 @!p1 $0x0  }
0x14: {  	s2 =	sld [smem:$0x3F87];
	s0 =	simm.s32 @p1 $0x1  }
0x15: {  	[smem:$0x3FA4] =	sst s0;
	s0 =	simm.s32 @!p2 $0x0  }
0x16: {  	s3 =	sld [smem:$0x3FDB];
	s0 =	simm.s32 @p2 $0x1  }
0x17: {  	s4 =	simm.s32 $0x1BF5;
	[smem:$0x3FA6] =	sst s0  }
0x18: {  	s0 =	sld [smem:$0x3F89];
	_ =	swait.ge [sflag:s4], $0x0  }
0x19: {  	s7 =	sld [smem:$0x3F8A]  }
0x1a: {  	s8 =	sadd.s32 $0xFFFFE003, lr  }
0x1b: {  	s9 =	sadd.s32 $0xFFFFFEF7, lr;
	s5 =	simm.s32 $0xFFFFFFFF;
	p2 =	slt.u32 s8, $0xFFFFF086  }
0x1c: {  	p1 =	slt.u32 s9, $0xF7A;
	s5 =	simm.s32 @!p2 $0x0  }
0x1d: {  	s5 =	simm.s32 @p1 $0x1;
	p0 =	seq.s32 s7, s2  }
0x1e: {  	s7 =	smul.u32 @!p0 $0xF7A, s2;
	p2 =	seq.s32 @!p0 s5, $0x0  }
0x1f: {  	s9 =	smul.u32 $0xF7A, s1;
	s8 =	simm.s32 @!p0 $0x1BF5;
	p2 =	por !p2, p0  }
0x20: {  	[sflag:s8] =	ssyncset.s32 @!p0 $0xFFFFF086;
	s6 =	sadd.s32 @!p0 s3, s7;
	s7 =	simm.s32 @!p0 $0x108  }
0x21: {  	s3 =	sadd.s32 s3, s9;
	s6 =	sadd.s32 @!p0 $0x88, s6;
	s7 =	simm.s32 @p2 $0x1082  }
0x22: {  	[simem:s7], [sflag:s8] =	dma.local @!p0 [hbm:s6], $0xF7A  }
0x23: {  	s9 =	sor.u32 $0xD0000000, s2;
	s6 =	simm.s32 $0x108;
	_ =	swait.ge @!p0 [sflag:s8], $0x0  }
0x24: {  	s3 =	sadd.s32 $0x88, s3;
	s6 =	simm.s32 @!p1 $0x1082;
	[sflag:s4] =	ssyncset.s32 $0xFFFFF086  }
0x25: {  	[simem:s6], [sflag:s4] =	dma.local [hbm:s3], $0xF7A  }
0x26: {  	[smem:$0x3F8A] =	sst s1;
	(tag) =	ssettag s2;
	_ =	strace s9  }
0x27: {  	s1 =	sld [smem:$0x3F9A]  }
0x28: {  	s2 =	sld [smem:$0x3F9B]  }
0x29: {  	s4 =	sld [smem:$0x3F9D]  }
0x2a: {  	p0 =	seq.s32 s5, $0x0;
	s5 =	sld [smem:$0x3F9E]  }
0x2b: {  	s6 =	sld [smem:$0x3F9F]  }
0x2c: {  	s7 =	sld [smem:$0x3FA0]  }
0x2d: {  	s3 =	simm.s32 $0x108;
	s8 =	sld [smem:$0x3FA1]  }
0x2e: {  	s3 =	simm.s32 @!p0 $0x1082;
	s9 =	sld [smem:$0x3FA2]  }
0x2f: {  	lr =	sadd.s32 s0, s3;
	s0 =	sld [smem:$0x3F99]  }
0x30: {  	s3 =	sld [smem:$0x3F9C]  }
0x31: {  	[smem:$0x3FA5] =	sst s10  }
0x32: {  	s10 =	sld [smem:$0x3FA3];
	_ =	sdelay $0x3  }
0x33: {  	p0 =	seq.s32 s10, $0x1;
	s10 =	sld [smem:$0x3FA5];
	_ =	sdelay $0x3  }
0x34: {  	[smem:$0x3FA5] =	sst s10  }
0x35: {  	s10 =	sld [smem:$0x3FA4];
	_ =	sdelay $0x3  }
0x36: {  	p1 =	seq.s32 s10, $0x1;
	s10 =	sld [smem:$0x3FA5];
	_ =	sdelay $0x3  }
0x37: {  	[smem:$0x3FA5] =	sst s10  }
0x38: {  	s10 =	sld [smem:$0x3FA6]  }
0x39: {  	_ = 	snop;
	(pc) =	sbr.ind lr, $3  }
0x3a: {  	_ = 	snop  }
0x3b: {  	_ = 	snop  }
0x3c: {  	p2 =	seq.s32 s10, $0x1;
	s10 =	sld [smem:$0x3FA5]  }
0x3d: {  	_ =	shalt  }
0x3e: {  	_ =	shalt  }
0x3f: {  	_ =	shalt  }
0x40: {  	_ =	shalt  }
0x41: {  	_ =	shalt  }
0x42: {  	_ =	shalt  }
0x43: {  	_ =	shalt  }
0x44: {  	_ =	shalt  }
0x45: {  	_ =	shalt  }
0x46: {  	_ =	shalt  }
0x47: {  	_ =	shalt  }
0x48: {  	_ =	shalt  }
0x49: {  	_ =	shalt  }
0x4a: {  	_ =	shalt  }
0x4b: {  	_ =	shalt  }
0x4c: {  	_ =	shalt  }
0x4d: {  	_ =	shalt  }
0x4e: {  	_ =	shalt  }
0x4f: {  	_ =	shalt  }
0x50: {  	_ =	shalt  }
0x51: {  	_ =	shalt  }
0x52: {  	_ =	shalt  }
0x53: {  	_ =	shalt  }
0x54: {  	_ =	shalt  }
0x55: {  	_ =	shalt  }
0x56: {  	_ =	shalt  }
0x57: {  	_ =	shalt  }
0x58: {  	_ =	shalt  }
0x59: {  	_ =	shalt  }
0x5a: {  	_ =	shalt  }
0x5b: {  	_ =	shalt  }
0x5c: {  	_ =	shalt  }
0x5d: {  	_ =	shalt  }
0x5e: {  	_ =	shalt  }
0x5f: {  	_ =	shalt  }
0x60: {  	_ =	shalt  }
0x61: {  	_ =	shalt  }
0x62: {  	_ =	shalt  }
0x63: {  	_ =	shalt  }
0x64: {  	_ =	shalt  }
0x65: {  	_ =	shalt  }
0x66: {  	_ =	shalt  }
0x67: {  	_ =	shalt  }
0x68: {  	_ =	shalt  }
0x69: {  	_ =	shalt  }
0x6a: {  	_ =	shalt  }
0x6b: {  	_ =	shalt  }
0x6c: {  	_ =	shalt  }
0x6d: {  	_ =	shalt  }
0x6e: {  	_ =	shalt  }
0x6f: {  	_ =	shalt  }
0x70: {  	_ =	shalt  }
0x71: {  	_ =	shalt  }
0x72: {  	_ =	shalt  }
0x73: {  	_ =	shalt  }
0x74: {  	_ =	shalt  }
0x75: {  	_ =	shalt  }
0x76: {  	_ =	shalt  }
0x77: {  	_ =	shalt  }
0x78: {  	_ =	shalt  }
0x79: {  	_ =	shalt  }
0x7a: {  	_ =	shalt  }
0x7b: {  	_ =	shalt  }
0x7c: {  	_ =	shalt  }
0x7d: {  	_ =	shalt  }
0x7e: {  	_ =	shalt  }
0x7f: {  	_ =	shalt  }
0x80: {  	_ =	shalt  }
0x81: {  	_ =	shalt  }
0x82: {  	_ =	shalt  }
0x83: {  	_ =	shalt  }
0x84: {  	_ =	shalt  }
0x85: {  	_ =	shalt  }
0x86: {  	_ =	shalt  }
0x87: {  	_ =	shalt  }
.Lfunc_end0:
.L_simem_size_0:
called_computation.2_lowered:
.L_overlay_start_0:
0x88: {  	s2 =	sld [smem:$0x3FD9]  }
0x89: {  	s3 =	sld [smem:$0x3FFE];
	_ =	sdelay $0x1  }
0x8a: {  	s1 =	srdreg.scid  }
0x8b: {  	s0 =	sand.u32 $0x1, s1  }
0x8c: {  	s17 =	sshll.u32 s0, $0xA;
	s2 =	sadd.s32 s3, s2  }
0x8d: {  	s2 =	sadd.s32 s2, s17  }
0x8e: {  	[smem:$0x3FB1] =	sst s2  }
0x8f: {  	_ = 	snop  }
0x90: {  	(tm) =	ssettm $0x1  }
0x91: {  	s18 =	sld [smem:$0x3FFB];
	_ =	sdelay $0x3  }
0x92: {  	_ =	strace s18  }
0x93: {  	s2 =	sld [smem:$0x3FFC];
	_ =	sdelay $0x3  }
0x94: {  	_ =	strace s2  }
0x95: {  	s2 =	sld [smem:$0x3FFD];
	_ =	sdelay $0x3  }
0x96: {  	_ =	strace s2  }
0x97: {  	_ =	strace $0x8FFFFFFF  }
0x98: {  	s19 =	sld [smem:$0x3FDB];
	_ =	sdelay $0x1  }
0x99: {  	s20 =	simm.s32 $_scs_section_size  }
0x9a: {  	s4 =	simm.s32 $_size__tile_overlayer_lowered;
	s5 =	simm.s32 $_tile_overlayer_lowered  }
0x9b: {  	s6 =	simm.s32 $0x1BFF;
	s21 =	sshll.u32 s5, $0x1;
	s3 =	sadd.s32 s20, s19  }
0x9c: {  	s22 =	simm.s32 $0x0;
	s4 =	sshll.u32 s4, $0x1;
	s5 =	sadd.s32 s21, s3  }
0x9d: {  	[timem:s22], [sflag:s6] =	dma.local [hbm:s5], s4  }
0x9e: {  	_ =	swait.ge [sflag:s6], s4  }
0x9f: {  	s4 =	ssub.s32 $0x0, s4;
	[sflag:s6] =	ssyncset.done $0x0  }
0xa0: {  	[sflag:s6] =	ssyncadd.s32 s4;
	_ =	sdelay $0x1  }
0xa1: {  	s23 =	simm.s32 $0x1B8B  }
0xa2: {  	_ =	swait.ge [sflag:s23], $0x1  }
0xa3: {  	[sflag:s23] =	ssyncset.done $0x0  }
0xa4: {  	[sflag:s23] =	ssyncadd.s32 $0xFFFFFFFF  }
0xa5: {  	s4 =	sld [smem:$0x0]  }
0xa6: {  	s5 =	sand.u32 $0xFFFFFFFE, s1  }
0xa7: {  	p0 =	sne.s32 s1, s5  }
0xa8: {  	s5 =	sshll.u32 @p0 s5, $0xE  }
0xa9: {  	s5 =	sadd.s32 @p0 $0x11B8D, s5;
	s6 =	sshll.u32 @p0 s4, $0x11  }
0xaa: {  	s5 =	sor.u32 @p0 s6, s5  }
0xab: {  	[sflag:s5] =	ssyncadd.remote.s32 @p0 $0x1;
	_ =	sdelay $0x1  }
0xac: {  	s5 =	simm.s32 @p0 $0x1B8D  }
0xad: {  	_ =	swait.eq @p0 [sflag:s5], $0x1  }
0xae: {  	[sflag:s5] =	ssyncadd.s32 @p0 $0xFFFFFFFF  }
0xaf: {  	s6 =	sshll.u32 @!p0 s1, $0xE  }
0xb0: {  	s6 =	sor.u32 @!p0 $0x4000, s6;
	s5 =	simm.s32 @!p0 $0x1B8D  }
0xb1: {  	s4 =	sshll.u32 @!p0 s4, $0x11;
	s6 =	sadd.s32 @!p0 $0x11B8D, s6;
	_ =	swait.eq @!p0 [sflag:s5], $0x1  }
0xb2: {  	s4 =	sor.u32 @!p0 s4, s6;
	[sflag:s5] =	ssyncadd.s32 @!p0 $0xFFFFFFFF  }
0xb3: {  	s25 =	simm.s32 $0x1B8E;
	s24 =	sld [smem:$0x3FFE];
	[sflag:s4] =	ssyncadd.remote.s32 @!p0 $0x1  }
0xb4: {  	s26 =	simm.s32 $execute0_lowered;
	[smem:$0x3FD2] =	sst s25  }
0xb5: {  	s5 =	sshll.u32 s26, $0x1;
	_ =	strace $0x8000004C;
	[dreg:$0x1] =	wrdreg $0xFFFFFFFF  }
0xb6: {  	s28 =	simm.s32 $_size_execute0_lowered;
	s3 =	sadd.s32 s3, s5;
	[dreg:$0x0] =	wrdreg $0x0  }
0xb7: {  	s5 =	sshll.u32 s28, $0x1;
	[dreg:$0x2] =	wrdreg s3  }
0xb8: {  	[dreg:$0x3] =	wrdreg s5  }
0xb9: {  	[dreg:$0x4] =	wrdreg $0xC0  }
0xba: {  	_ =	task [dreg:s22], $0x5FFFF  }
0xbb: {  	[dreg:$0x1] =	wrdreg $0xFFFFFFFF  }
0xbc: {  	[dreg:$0x0] =	wrdreg $0x60  }
0xbd: {  	[dreg:$0x2] =	wrdreg s24  }
0xbe: {  	[dreg:$0x3] =	wrdreg $0x0  }
0xbf: {  	[dreg:$0x4] =	wrdreg $0xA  }
0xc0: {  	_ =	task.clear_ibuf [dreg:s22], $0x5FFFF;
	_ =	strace $0x9000004C  }
0xc1: {  	s29 =	simm.s32 $0xA;
	_ =	strace $0x8000004E  }
0xc2: {  	_ =	swait.ge [sflag:s29], $0x1  }
0xc3: {  	[sflag:s29] =	ssyncadd.s32 $0xFFFFFFFF  }
0xc4: {  	_ =	strace $0x9000004E  }
0xc5: {  	_ =	sfence  }
0xc6: {  	s30 =	sld [smem:$0x0];
	_ =	sdelay $0x2  }
0xc7: {  	s31 =	sshll.u32 s1, $0xD;
	s1 =	sshrl.u32 s1, $0x2  }
0xc8: {  	s4 =	sand.u32 $0x4000, s31;
	s1 =	sadd.s32 s1, s30  }
0xc9: {  	s0 =	sor.u32 s4, s0;
	s1 =	sshll.u32 s1, $0x11  }
0xca: {  	s0 =	sor.u32 s1, s0  }
0xcb: {  	s0 =	sadd.s32 $0x8F2B, s0  }
0xcc: {  	[sflag:s0] =	ssyncadd.remote.s32 $0x1  }
0xcd: {  	_ =	sfence.sel $0xFFFF  }
0xce: {  	[dreg:$0x0] =	wrdreg $0xFFFFFFFF;
	(pc) =	sbr.abs _section_cstart, $3  }
0xcf: {  	[dreg:$0x1] =	wrdreg $0xFFFFFFFF  }
0xd0: {  	_ =	task.clear_ibuf [dreg:s22], $0x2FFFF;
	_ =	strace $0x9FFFFFFF  }
0xd1: {  	(tm) =	ssettm $0x7FFFFFFF  }
tec
execute0_lowered:
.L_overlay_start_1:
0x0: {  	(tag) =	ssettag $0x1  }
0x1: {  	s0 =	rddreg [dreg:$0x0]  }
0x2: {  	s2 =	rddreg [dreg:$0x1]  }
0x3: {  	s3 =	simm.s32 $0x0;
	s1 =	stileid.u32;
	s5 =	srdreg.scid  }
0x4: {  	s28 =	simm.s32 $0x0;
	[smem:$0x7FF] =	sst s3;
	s15 =	smul.u32 $0x14000, s1  }
0x5: {  	s4 =	sadd.s32 $0x823000, s0;
	s22 =	sand.u32 $0x1, s5;
	s5 =	sadd.s32 $0x3200, s0  }
0x6: {  	s9 =	sshll.u32 s1, $0x1;
	s10 =	smul.u32 $0x50000, s1;
	s21 =	sshll.u32 s1, $0x6  }
0x7: {  	s29 =	sshll.u32 s1, $0x8;
	s31 =	sshll.u32 s1, $0xC;
	_ =	strace $0x8000004D  }
0x8: {  	s17 =	ssub.s32 $0x2, s22;
	s20 =	sor.u32 s22, s9;
	s16 =	smul.u32 $0x140000, s22  }
0x9: {  	s30 =	sshll.u32 s22, $0x7;
	s22 =	sshll.u32 s22, $0xB;
	s6 =	sshrl.u32 s15, $0x3  }
0xa: {  	s8 =	sshrl.u32 s17, $0x1;
	s18 =	sshrl.u32 s10, $0x2;
	s9 =	sshll.u32 s20, $0x7  }
0xb: {  	s11 =	sadd.s32 $0x4000, s15;
	s13 =	sadd.s32 $0x8000, s15;
	s26 =	ssub.s32 $0x501, s20  }
0xc: {  	s22 =	sor.u32 s22, s31;
	s7 =	sadd.s32 s6, s0;
	s0 =	sadd.s32 $0xF4800, s0  }
0xd: {  	s19 =	ssub.s32 s17, s8;
	s6 =	sadd.s32 s18, s2;
	s8 =	sor.u32 $0x1C01, s21  }
0xe: {  	s23 =	sadd.s32 s15, s16;
	s9 =	sand.u32 $0x380, s9;
	s12 =	sadd.s32 s16, s11  }
0xf: {  	s11 =	sadd.s32 s11, s2;
	s14 =	sadd.s32 s16, s13;
	s13 =	sadd.s32 s13, s2  }
0x10: {  	s17 =	sadd.s32 $0xC000, s15;
	s21 =	sadd.s32 $0x10000, s15;
	s20 =	sshrl.u32 s26, $0x5  }
0x11: {  	s26 =	simm.s32 $0x80;
	s7 =	sadd.s32 $0xCC800, s7;
	s10 =	sshrl.u32 s23, $0x3  }
0x12: {  	s12 =	sshrl.u32 s12, $0x3;
	s14 =	sshrl.u32 s14, $0x3;
	s18 =	sadd.s32 s16, s17  }
0x13: {  	s15 =	sadd.s32 s17, s2;
	s25 =	sadd.s32 s16, s21;
	s17 =	sadd.s32 s21, s2  }
0x14: {  	s19 =	smax.u32 s19, $0x1;
	s21 =	sor.u32 s30, s29;
	s23 =	simm.s32 $0x1  }
0x15: {  	s10 =	sadd.s32 s0, s10;
	s12 =	sadd.s32 s0, s12;
	s14 =	sadd.s32 s0, s14  }
0x16: {  	s24 =	sshrl.u32 s18, $0x3;
	s18 =	sshrl.u32 s25, $0x3;
	s25 =	simm.s32 $0x14080  }
0x17: {  	s16 =	sadd.s32 s0, s24;
	s18 =	sadd.s32 s0, s18;
	s24 =	simm.s32 $0x14000  }
.LBB2_1:
0x18: {  	s0 =	sshrl.u32 s6, $0x3;
	p1 =	sne.s32 s20, $0x1  }
0x19: {  	[spmem:s0], [sflag:s8] =	dma.local [hbm:s7], $0x2800  }
.Ltmp0:
0x1a: {  	_ =	swait.ge [sflag:s23], $0x2800;
	(pc) =	sbr.rel @!p1 .LBB2_2-.Ltmp0, $4  }
0x1b: {  	[sflag:s23] =	ssyncset.done $0x0  }
0x1c: {  	s31 =	sand.u32 $0xFFFFFC00, s21;
	[sflag:s23] =	ssyncadd.s32 $0xFFFFD800  }
0x1d: {  	s0 =	sor.u32 s9, s31;
	[bflag:$0x0] =	sbarrier.arrive $0xFFFF  }
0x1e: {  	s30 =	sadd.s32 $0xFFFFFFFF, s20;
	p0 =	por $0x0, $0x0;
	s0 =	sshrl.u32 s0, $0x3  }
0x1f: {  	s0 =	sadd.s32 s5, s0  }
0x20: {  	[tilespmem:s24], [sflag:$0x1] =	stream.linear.gather [hbm4b:s0+s3], $0x80, $0x38;
	[tilespmem:$0x18080] =	vst v63  }
0x21: {  	_ =	swait.ge [sflag:s23], $0x80  }
0x22: {  	s0 =	sand.u32 $0x1FFFF800, s22;
	[sflag:s23] =	ssyncset.done $0x0  }
0x23: {  	s0 =	sadd.s32 s4, s0;
	[sflag:s23] =	ssyncadd.s32 $0xFFFFFF80  }
0x24: {  	[tilespmem:s25], [sflag:$0x1] =	stream.linear.gather [hbm4b:s0+s3], $0x4000, $0x38;
	[tilespmem:$0x18080] =	vst v63  }
0x25: {  	p1 =	sne.s32 s30, $0x1;
	_ =	swait.ge [sflag:s23], $0x4000  }
.Ltmp1:
0x26: {  	s29 =	sadd.s32 $0x1000, s21;
	[sflag:s23] =	ssyncset.done $0x0;
	(pc) =	sbr.rel @!p1 .LBB2_4-.Ltmp1, $4  }
0x27: {  	s31 =	sadd.s32 $0xFFFFFFFF, s30;
	s0 =	sand.u32 $0xFFFFFC00, s29;
	[sflag:s23] =	ssyncadd.s32 $0xFFFFC000  }
0x28: {  	[spmem:s2] =	stream.indirect.scatter.add.f32 [tilespmem:s25], [sflag:$0x1], $0x80, s24, s26, $0xb8;
	[tilespmem:$0x18080] =	vst v63  }
0x29: {  	p0 =	por $0x1, $0x1;
	s0 =	sor.u32 s9, s0;
	_ =	swait.ge [sflag:s23], $0x4000  }
0x2a: {  	s30 =	smov.u32 s22;
	s0 =	sshrl.u32 s0, $0x3;
	[sflag:s23] =	ssyncset.done $0x0  }
.LBB2_5:
0x2b: {  	s0 =	sadd.s32 s5, s0;
	[sflag:s23] =	ssyncadd.s32 $0xFFFFC000;
	s30 =	sadd.s32 $0x10000, s30  }
0x2c: {  	[tilespmem:s24], [sflag:$0x1] =	stream.linear.gather [hbm4b:s0+s3], $0x80, $0x38;
	[tilespmem:$0x18080] =	vst v63  }
0x2d: {  	p1 =	sne.s32 s31, $0x1;
	s31 =	sadd.s32 $0xFFFFFFFF, s31;
	_ =	swait.ge [sflag:s23], $0x80  }
0x2e: {  	s0 =	sand.u32 $0x1FFFF800, s30;
	[sflag:s23] =	ssyncset.done $0x0  }
0x2f: {  	s0 =	sadd.s32 s4, s0;
	[sflag:s23] =	ssyncadd.s32 $0xFFFFFF80  }
0x30: {  	[tilespmem:s25], [sflag:$0x1] =	stream.linear.gather [hbm4b:s0+s3], $0x4000, $0x38;
	[tilespmem:$0x18080] =	vst v63  }
0x31: {  	_ =	swait.ge [sflag:s23], $0x4000  }
.Ltmp2:
0x32: {  	s29 =	sadd.s32 $0x1000, s29;
	[sflag:s23] =	ssyncset.done $0x0;
	(pc) =	sbr.rel @p1 .LBB2_5-.Ltmp2, $4  }
0x33: {  	s0 =	sand.u32 $0xFFFFFC00, s29;
	[sflag:s23] =	ssyncadd.s32 $0xFFFFC000  }
0x34: {  	[spmem:s2] =	stream.indirect.scatter.add.f32 [tilespmem:s25], [sflag:$0x1], $0x80, s24, s26, $0xb8;
	[tilespmem:$0x18080] =	vst v63  }
0x35: {  	s0 =	sor.u32 s9, s0;
	_ =	swait.ge [sflag:s23], $0x4000  }
0x36: {  	s0 =	sshrl.u32 s0, $0x3;
	[sflag:s23] =	ssyncset.done $0x0  }
.LBB2_6:
0x37: {  	s0 =	sadd.s32 s5, s0;
	[sflag:s23] =	ssyncadd.s32 @p0 $0xFFFFC000  }
0x38: {  	[tilespmem:s24], [sflag:$0x1] =	stream.linear.gather [hbm4b:s0+s3], $0x80, $0x38;
	[tilespmem:$0x18080] =	vst v63  }
0x39: {  	s29 =	sadd.s32 @p0 $0x10000, s30;
	s0 =	smov.u32 s22  }
0x3a: {  	_ =	swait.ge [sflag:s23], $0x80;
	s0 =	smov.u32 @p0 s29  }
0x3b: {  	[sflag:s23] =	ssyncset.done $0x0;
	s0 =	sand.u32 $0x1FFFF800, s0  }
0x3c: {  	[sflag:s23] =	ssyncadd.s32 $0xFFFFFF80;
	s0 =	sadd.s32 s4, s0  }
0x3d: {  	[tilespmem:s25], [sflag:$0x1] =	stream.linear.gather [hbm4b:s0+s3], $0x4000, $0x38;
	[tilespmem:$0x18080] =	vst v63  }
0x3e: {  	_ =	swait.ge [sflag:s23], $0x4000  }
0x3f: {  	[sflag:s23] =	ssyncset.done $0x0  }
0x40: {  	[sflag:s23] =	ssyncadd.s32 $0xFFFFC000  }
0x41: {  	[spmem:s2] =	stream.indirect.scatter.add.f32 [tilespmem:s25], [sflag:$0x1], $0x80, s24, s26, $0xb8;
	[tilespmem:$0x18080] =	vst v63  }
0x42: {  	_ =	swait.ge [sflag:s23], $0x4000  }
0x43: {  	[sflag:s23] =	ssyncset.done $0x0  }
0x44: {  	[sflag:s23] =	ssyncadd.s32 $0xFFFFC000  }
0x45: {  	[bflag:$0x0] =	sbarrier.arrive $0xFFFF  }
0x46: {  	[tilespmem:s25], [sflag:$0x1] =	stream.linear.gather [spmem:s6], $0x4000, $0x38;
	[tilespmem:$0x18080] =	vst v63  }
0x47: {  	_ =	swait.ge [sflag:s23], $0x4000  }
0x48: {  	[sflag:s23] =	ssyncset.done $0x0  }
0x49: {  	[sflag:s23] =	ssyncadd.s32 $0xFFFFC000  }
0x4a: {  	[hbm4b:s10+s3] =	stream.linear.scatter [tilespmem:s25], [sflag:$0x1], $0x4000, $0x38;
	[tilespmem:$0x18080] =	vst v63  }
0x4b: {  	_ =	swait.ge [sflag:s23], $0x4000  }
0x4c: {  	[sflag:s23] =	ssyncset.done $0x0  }
0x4d: {  	[sflag:s23] =	ssyncadd.s32 $0xFFFFC000  }
0x4e: {  	[tilespmem:s25], [sflag:$0x1] =	stream.linear.gather [spmem:s11], $0x4000, $0x38;
	[tilespmem:$0x18080] =	vst v63  }
0x4f: {  	_ =	swait.ge [sflag:s23], $0x4000  }
0x50: {  	[sflag:s23] =	ssyncset.done $0x0  }
0x51: {  	[sflag:s23] =	ssyncadd.s32 $0xFFFFC000  }
0x52: {  	[hbm4b:s12+s3] =	stream.linear.scatter [tilespmem:s25], [sflag:$0x1], $0x4000, $0x38;
	[tilespmem:$0x18080] =	vst v63  }
0x53: {  	_ =	swait.ge [sflag:s23], $0x4000  }
0x54: {  	[sflag:s23] =	ssyncset.done $0x0  }
0x55: {  	[sflag:s23] =	ssyncadd.s32 $0xFFFFC000  }
0x56: {  	[tilespmem:s25], [sflag:$0x1] =	stream.linear.gather [spmem:s13], $0x4000, $0x38;
	[tilespmem:$0x18080] =	vst v63  }
0x57: {  	_ =	swait.ge [sflag:s23], $0x4000  }
0x58: {  	[sflag:s23] =	ssyncset.done $0x0  }
0x59: {  	[sflag:s23] =	ssyncadd.s32 $0xFFFFC000  }
0x5a: {  	[hbm4b:s14+s3] =	stream.linear.scatter [tilespmem:s25], [sflag:$0x1], $0x4000, $0x38;
	[tilespmem:$0x18080] =	vst v63  }
0x5b: {  	_ =	swait.ge [sflag:s23], $0x4000  }
0x5c: {  	[sflag:s23] =	ssyncset.done $0x0  }
0x5d: {  	[sflag:s23] =	ssyncadd.s32 $0xFFFFC000  }
0x5e: {  	[tilespmem:s25], [sflag:$0x1] =	stream.linear.gather [spmem:s15], $0x4000, $0x38;
	[tilespmem:$0x18080] =	vst v63  }
0x5f: {  	_ =	swait.ge [sflag:s23], $0x4000  }
0x60: {  	[sflag:s23] =	ssyncset.done $0x0  }
0x61: {  	[sflag:s23] =	ssyncadd.s32 $0xFFFFC000  }
0x62: {  	[hbm4b:s16+s3] =	stream.linear.scatter [tilespmem:s25], [sflag:$0x1], $0x4000, $0x38;
	[tilespmem:$0x18080] =	vst v63  }
0x63: {  	_ =	swait.ge [sflag:s23], $0x4000  }
0x64: {  	[sflag:s23] =	ssyncset.done $0x0  }
0x65: {  	[sflag:s23] =	ssyncadd.s32 $0xFFFFC000  }
0x66: {  	[tilespmem:s25], [sflag:$0x1] =	stream.linear.gather [spmem:s17], $0x4000, $0x38;
	[tilespmem:$0x18080] =	vst v63  }
0x67: {  	_ =	swait.ge [sflag:s23], $0x4000  }
0x68: {  	s28 =	sadd.s32 $0x1, s28;
	[sflag:s23] =	ssyncset.done $0x0  }
0x69: {  	p0 =	sne.s32 s28, s19;
	[sflag:s23] =	ssyncadd.s32 $0xFFFFC000  }
0x6a: {  	[hbm4b:s18+s3] =	stream.linear.scatter [tilespmem:s25], [sflag:$0x1], $0x4000, $0x38;
	[tilespmem:$0x18080] =	vst v63  }
.Ltmp3:
0x6b: {  	_ = 	snop;
	(pc) =	sbr.rel @p0 .LBB2_1-.Ltmp3, $4  }
.Ltmp4:
0x6c: {  	_ = 	snop;
	(pc) =	sbr.rel @!p0 .LBB2_7-.Ltmp4, $4  }
0x6d: {  	_ =	swait.ge [sflag:s23], $0x4000  }
0x6e: {  	[sflag:s23] =	ssyncset.done $0x0  }
0x6f: {  	[sflag:s23] =	ssyncadd.s32 $0xFFFFC000  }
0x70: {  	_ = 	snop  }
.LBB2_2:
.Ltmp5:
0x71: {  	(pc) =	sbr.rel .LBB2_6-.Ltmp5, $2  }
0x72: {  	_ =	sdelay $0x2  }
0x73: {  	s30 =	smov.u32 s22  }
.LBB2_4:
.Ltmp6:
0x74: {  	(pc) =	sbr.rel .LBB2_6-.Ltmp6, $2  }
0x75: {  	_ =	sdelay $0x2  }
0x76: {  	s30 =	smov.u32 s22  }
.LBB2_7:
0x77: {  	_ =	sfence.sel $0x180000  }
0x78: {  	[bflag:$0x0] =	sbarrier.arrive $0xFFFF  }
0x79: {  	_ =	strace $0x9000004D  }
0x7a: {  	[bflag:$0x2] =	sbarrier.arrive $0xFFFF  }
0x7b: {  	p0 =	sne.s32 s1, $0x0;
	s0 =	rddreg [dreg:$0x2]  }
0x7c: {  	s0 =	sadd.s32 @!p0 $0x100000, s0  }
0x7d: {  	[sflag:s0] =	ssyncadd.tile.s32 @!p0 $0x1;
	_ =	shalt  }
.Lfunc_end2:
_tile_overlayer_lowered:
.L_overlay_start_2:
0x7e: {  	(tag) =	ssettag $0x2  }
0x7f: {  	s0 =	rddreg [dreg:$0x0];
	s2 =	stileid.u32  }
0x80: {  	s1 =	rddreg [dreg:$0x1];
	p0 =	sne.s32 s2, $0x0  }
0x81: {  	s3 =	rddreg [dreg:$0x2];
	[bflag:$0x3] =	sbarrier.arrive $0xFFFF;
	s2 =	simm.s32 @!p0 $0x1C01  }
0x82: {  	[timem:s3], [sflag:s2] =	dma.local @!p0 [hbm:s0], s1  }
0x83: {  	s0 =	simm.s32 @!p0 $0x1  }
0x84: {  	_ =	swait.ge @!p0 [sflag:s0], s1  }
0x85: {  	s1 =	ssub.s32 @!p0 $0x0, s1;
	[sflag:s0] =	ssyncset.done @!p0 $0x0  }
0x86: {  	[sflag:s0] =	ssyncadd.s32 @!p0 s1  }
0x87: {  	[bflag:$0x3] =	sbarrier.arrive $0xFFFF  }
0x88: {  	_ =	shalt  }

// kernel: kernel.19.cloned.1.call-start
scs
__scs_entry_jumppad:
0x0: {  	(pc) =	sbr.rel $0x88, $3  }
0x1: {  	(tag) =	ssettag $0x0;
	lr =	simm.s32 $0x1  }
0x2: {  	[smem:$0x3F8A] =	sst lr;
	_ =	strace $0xD0000000  }
0x3: {  	_ = 	snop  }
0x4: {  	_ = 	snop  }
0x5: {  	_ = 	snop  }
0x6: {  	_ = 	snop  }
0x7: {  	_ = 	snop  }
__scs_overlays_trampoline_lowered:
0x8: {  	[smem:$0x3F99] =	sst s0  }
0x9: {  	[smem:$0x3F9A] =	sst s1  }
0xa: {  	[smem:$0x3F9B] =	sst s2  }
0xb: {  	[smem:$0x3F9C] =	sst s3  }
0xc: {  	[smem:$0x3F9D] =	sst s4  }
0xd: {  	[smem:$0x3F9E] =	sst s5  }
0xe: {  	[smem:$0x3F9F] =	sst s6  }
0xf: {  	[smem:$0x3FA0] =	sst s7  }
0x10: {  	[smem:$0x3FA1] =	sst s8  }
0x11: {  	[smem:$0x3FA2] =	sst s9;
	s0 =	simm.s32 @!p0 $0x0  }
0x12: {  	s1 =	sld [smem:$0x3F88];
	s0 =	simm.s32 @p0 $0x1  }
0x13: {  	[smem:$0x3FA3] =	sst s0;
	s0 =	simm.s32 @!p1 $0x0  }
0x14: {  	s2 =	sld [smem:$0x3F87];
	s0 =	simm.s32 @p1 $0x1  }
0x15: {  	[smem:$0x3FA4] =	sst s0;
	s0 =	simm.s32 @!p2 $0x0  }
0x16: {  	s3 =	sld [smem:$0x3FDB];
	s0 =	simm.s32 @p2 $0x1  }
0x17: {  	s4 =	simm.s32 $0x1BF5;
	[smem:$0x3FA6] =	sst s0  }
0x18: {  	s0 =	sld [smem:$0x3F89];
	_ =	swait.ge [sflag:s4], $0x0  }
0x19: {  	s7 =	sld [smem:$0x3F8A]  }
0x1a: {  	s8 =	sadd.s32 $0xFFFFE003, lr  }
0x1b: {  	s9 =	sadd.s32 $0xFFFFFEF7, lr;
	s5 =	simm.s32 $0xFFFFFFFF;
	p2 =	slt.u32 s8, $0xFFFFF086  }
0x1c: {  	p1 =	slt.u32 s9, $0xF7A;
	s5 =	simm.s32 @!p2 $0x0  }
0x1d: {  	s5 =	simm.s32 @p1 $0x1;
	p0 =	seq.s32 s7, s2  }
0x1e: {  	s7 =	smul.u32 @!p0 $0xF7A, s2;
	p2 =	seq.s32 @!p0 s5, $0x0  }
0x1f: {  	s9 =	smul.u32 $0xF7A, s1;
	s8 =	simm.s32 @!p0 $0x1BF5;
	p2 =	por !p2, p0  }
0x20: {  	[sflag:s8] =	ssyncset.s32 @!p0 $0xFFFFF086;
	s6 =	sadd.s32 @!p0 s3, s7;
	s7 =	simm.s32 @!p0 $0x108  }
0x21: {  	s3 =	sadd.s32 s3, s9;
	s6 =	sadd.s32 @!p0 $0x88, s6;
	s7 =	simm.s32 @p2 $0x1082  }
0x22: {  	[simem:s7], [sflag:s8] =	dma.local @!p0 [hbm:s6], $0xF7A  }
0x23: {  	s9 =	sor.u32 $0xD0000000, s2;
	s6 =	simm.s32 $0x108;
	_ =	swait.ge @!p0 [sflag:s8], $0x0  }
0x24: {  	s3 =	sadd.s32 $0x88, s3;
	s6 =	simm.s32 @!p1 $0x1082;
	[sflag:s4] =	ssyncset.s32 $0xFFFFF086  }
0x25: {  	[simem:s6], [sflag:s4] =	dma.local [hbm:s3], $0xF7A  }
0x26: {  	[smem:$0x3F8A] =	sst s1;
	(tag) =	ssettag s2;
	_ =	strace s9  }
0x27: {  	s1 =	sld [smem:$0x3F9A]  }
0x28: {  	s2 =	sld [smem:$0x3F9B]  }
0x29: {  	s4 =	sld [smem:$0x3F9D]  }
0x2a: {  	p0 =	seq.s32 s5, $0x0;
	s5 =	sld [smem:$0x3F9E]  }
0x2b: {  	s6 =	sld [smem:$0x3F9F]  }
0x2c: {  	s7 =	sld [smem:$0x3FA0]  }
0x2d: {  	s3 =	simm.s32 $0x108;
	s8 =	sld [smem:$0x3FA1]  }
0x2e: {  	s3 =	simm.s32 @!p0 $0x1082;
	s9 =	sld [smem:$0x3FA2]  }
0x2f: {  	lr =	sadd.s32 s0, s3;
	s0 =	sld [smem:$0x3F99]  }
0x30: {  	s3 =	sld [smem:$0x3F9C]  }
0x31: {  	[smem:$0x3FA5] =	sst s10  }
0x32: {  	s10 =	sld [smem:$0x3FA3];
	_ =	sdelay $0x3  }
0x33: {  	p0 =	seq.s32 s10, $0x1;
	s10 =	sld [smem:$0x3FA5];
	_ =	sdelay $0x3  }
0x34: {  	[smem:$0x3FA5] =	sst s10  }
0x35: {  	s10 =	sld [smem:$0x3FA4];
	_ =	sdelay $0x3  }
0x36: {  	p1 =	seq.s32 s10, $0x1;
	s10 =	sld [smem:$0x3FA5];
	_ =	sdelay $0x3  }
0x37: {  	[smem:$0x3FA5] =	sst s10  }
0x38: {  	s10 =	sld [smem:$0x3FA6]  }
0x39: {  	_ = 	snop;
	(pc) =	sbr.ind lr, $3  }
0x3a: {  	_ = 	snop  }
0x3b: {  	_ = 	snop  }
0x3c: {  	p2 =	seq.s32 s10, $0x1;
	s10 =	sld [smem:$0x3FA5]  }
0x3d: {  	_ =	shalt  }
0x3e: {  	_ =	shalt  }
0x3f: {  	_ =	shalt  }
0x40: {  	_ =	shalt  }
0x41: {  	_ =	shalt  }
0x42: {  	_ =	shalt  }
0x43: {  	_ =	shalt  }
0x44: {  	_ =	shalt  }
0x45: {  	_ =	shalt  }
0x46: {  	_ =	shalt  }
0x47: {  	_ =	shalt  }
0x48: {  	_ =	shalt  }
0x49: {  	_ =	shalt  }
0x4a: {  	_ =	shalt  }
0x4b: {  	_ =	shalt  }
0x4c: {  	_ =	shalt  }
0x4d: {  	_ =	shalt  }
0x4e: {  	_ =	shalt  }
0x4f: {  	_ =	shalt  }
0x50: {  	_ =	shalt  }
0x51: {  	_ =	shalt  }
0x52: {  	_ =	shalt  }
0x53: {  	_ =	shalt  }
0x54: {  	_ =	shalt  }
0x55: {  	_ =	shalt  }
0x56: {  	_ =	shalt  }
0x57: {  	_ =	shalt  }
0x58: {  	_ =	shalt  }
0x59: {  	_ =	shalt  }
0x5a: {  	_ =	shalt  }
0x5b: {  	_ =	shalt  }
0x5c: {  	_ =	shalt  }
0x5d: {  	_ =	shalt  }
0x5e: {  	_ =	shalt  }
0x5f: {  	_ =	shalt  }
0x60: {  	_ =	shalt  }
0x61: {  	_ =	shalt  }
0x62: {  	_ =	shalt  }
0x63: {  	_ =	shalt  }
0x64: {  	_ =	shalt  }
0x65: {  	_ =	shalt  }
0x66: {  	_ =	shalt  }
0x67: {  	_ =	shalt  }
0x68: {  	_ =	shalt  }
0x69: {  	_ =	shalt  }
0x6a: {  	_ =	shalt  }
0x6b: {  	_ =	shalt  }
0x6c: {  	_ =	shalt  }
0x6d: {  	_ =	shalt  }
0x6e: {  	_ =	shalt  }
0x6f: {  	_ =	shalt  }
0x70: {  	_ =	shalt  }
0x71: {  	_ =	shalt  }
0x72: {  	_ =	shalt  }
0x73: {  	_ =	shalt  }
0x74: {  	_ =	shalt  }
0x75: {  	_ =	shalt  }
0x76: {  	_ =	shalt  }
0x77: {  	_ =	shalt  }
0x78: {  	_ =	shalt  }
0x79: {  	_ =	shalt  }
0x7a: {  	_ =	shalt  }
0x7b: {  	_ =	shalt  }
0x7c: {  	_ =	shalt  }
0x7d: {  	_ =	shalt  }
0x7e: {  	_ =	shalt  }
0x7f: {  	_ =	shalt  }
0x80: {  	_ =	shalt  }
0x81: {  	_ =	shalt  }
0x82: {  	_ =	shalt  }
0x83: {  	_ =	shalt  }
0x84: {  	_ =	shalt  }
0x85: {  	_ =	shalt  }
0x86: {  	_ =	shalt  }
0x87: {  	_ =	shalt  }
.Lfunc_end0:
.L_simem_size_0:
called_computation.3_lowered:
.L_overlay_start_0:
0x88: {  	s2 =	sld [smem:$0x3FD9]  }
0x89: {  	s3 =	sld [smem:$0x3FFE];
	_ =	sdelay $0x1  }
0x8a: {  	s1 =	srdreg.scid  }
0x8b: {  	s0 =	sand.u32 $0x1, s1  }
0x8c: {  	s17 =	sshll.u32 s0, $0xA;
	s2 =	sadd.s32 s3, s2  }
0x8d: {  	s2 =	sadd.s32 s2, s17  }
0x8e: {  	[smem:$0x3FB1] =	sst s2  }
0x8f: {  	_ = 	snop  }
0x90: {  	(tm) =	ssettm $0x1  }
0x91: {  	s18 =	sld [smem:$0x3FFB];
	_ =	sdelay $0x3  }
0x92: {  	_ =	strace s18  }
0x93: {  	s2 =	sld [smem:$0x3FFC];
	_ =	sdelay $0x3  }
0x94: {  	_ =	strace s2  }
0x95: {  	s2 =	sld [smem:$0x3FFD];
	_ =	sdelay $0x3  }
0x96: {  	_ =	strace s2  }
0x97: {  	_ =	strace $0x8FFFFFFF  }
0x98: {  	s19 =	sld [smem:$0x3FDB];
	_ =	sdelay $0x1  }
0x99: {  	s20 =	simm.s32 $_scs_section_size  }
0x9a: {  	s4 =	simm.s32 $_size__tile_overlayer_lowered;
	s5 =	simm.s32 $_tile_overlayer_lowered  }
0x9b: {  	s6 =	simm.s32 $0x1BFF;
	s21 =	sshll.u32 s5, $0x1;
	s3 =	sadd.s32 s20, s19  }
0x9c: {  	s22 =	simm.s32 $0x0;
	s4 =	sshll.u32 s4, $0x1;
	s5 =	sadd.s32 s21, s3  }
0x9d: {  	[timem:s22], [sflag:s6] =	dma.local [hbm:s5], s4  }
0x9e: {  	_ =	swait.ge [sflag:s6], s4  }
0x9f: {  	s4 =	ssub.s32 $0x0, s4;
	[sflag:s6] =	ssyncset.done $0x0  }
0xa0: {  	[sflag:s6] =	ssyncadd.s32 s4;
	_ =	sdelay $0x1  }
0xa1: {  	s23 =	simm.s32 $0x1B8B  }
0xa2: {  	_ =	swait.ge [sflag:s23], $0x1  }
0xa3: {  	[sflag:s23] =	ssyncset.done $0x0  }
0xa4: {  	[sflag:s23] =	ssyncadd.s32 $0xFFFFFFFF  }
0xa5: {  	s4 =	sld [smem:$0x0]  }
0xa6: {  	s5 =	sand.u32 $0xFFFFFFFE, s1  }
0xa7: {  	p0 =	sne.s32 s1, s5  }
0xa8: {  	s5 =	sshll.u32 @p0 s5, $0xE  }
0xa9: {  	s5 =	sadd.s32 @p0 $0x11B8D, s5;
	s6 =	sshll.u32 @p0 s4, $0x11  }
0xaa: {  	s5 =	sor.u32 @p0 s6, s5  }
0xab: {  	[sflag:s5] =	ssyncadd.remote.s32 @p0 $0x1;
	_ =	sdelay $0x1  }
0xac: {  	s5 =	simm.s32 @p0 $0x1B8D  }
0xad: {  	_ =	swait.eq @p0 [sflag:s5], $0x1  }
0xae: {  	[sflag:s5] =	ssyncadd.s32 @p0 $0xFFFFFFFF  }
0xaf: {  	s6 =	sshll.u32 @!p0 s1, $0xE  }
0xb0: {  	s6 =	sor.u32 @!p0 $0x4000, s6;
	s5 =	simm.s32 @!p0 $0x1B8D  }
0xb1: {  	s4 =	sshll.u32 @!p0 s4, $0x11;
	s6 =	sadd.s32 @!p0 $0x11B8D, s6;
	_ =	swait.eq @!p0 [sflag:s5], $0x1  }
0xb2: {  	s4 =	sor.u32 @!p0 s4, s6;
	[sflag:s5] =	ssyncadd.s32 @!p0 $0xFFFFFFFF  }
0xb3: {  	s25 =	simm.s32 $0x1B8E;
	s24 =	sld [smem:$0x3FFE];
	[sflag:s4] =	ssyncadd.remote.s32 @!p0 $0x1  }
0xb4: {  	s26 =	simm.s32 $execute0_lowered;
	[smem:$0x3FD2] =	sst s25  }
0xb5: {  	s5 =	sshll.u32 s26, $0x1;
	_ =	strace $0x8000004F;
	[dreg:$0x1] =	wrdreg $0xFFFFFFFF  }
0xb6: {  	s28 =	simm.s32 $_size_execute0_lowered;
	s3 =	sadd.s32 s3, s5;
	[dreg:$0x0] =	wrdreg $0x0  }
0xb7: {  	s5 =	sshll.u32 s28, $0x1;
	[dreg:$0x2] =	wrdreg s3  }
0xb8: {  	[dreg:$0x3] =	wrdreg s5  }
0xb9: {  	[dreg:$0x4] =	wrdreg $0xC0  }
0xba: {  	_ =	task [dreg:s22], $0x5FFFF  }
0xbb: {  	[dreg:$0x1] =	wrdreg $0xFFFFFFFF  }
0xbc: {  	[dreg:$0x0] =	wrdreg $0x60  }
0xbd: {  	[dreg:$0x2] =	wrdreg s24  }
0xbe: {  	[dreg:$0x3] =	wrdreg $0x0  }
0xbf: {  	[dreg:$0x4] =	wrdreg $0x9  }
0xc0: {  	_ =	task.clear_ibuf [dreg:s22], $0x5FFFF;
	_ =	strace $0x9000004F  }
0xc1: {  	s29 =	simm.s32 $0x9;
	_ =	strace $0x80000051  }
0xc2: {  	_ =	swait.ge [sflag:s29], $0x1  }
0xc3: {  	[sflag:s29] =	ssyncadd.s32 $0xFFFFFFFF  }
0xc4: {  	_ =	strace $0x90000051  }
0xc5: {  	_ =	sfence  }
0xc6: {  	s30 =	sld [smem:$0x0];
	_ =	sdelay $0x2  }
0xc7: {  	s31 =	sshll.u32 s1, $0xD;
	s1 =	sshrl.u32 s1, $0x2  }
0xc8: {  	s4 =	sand.u32 $0x4000, s31;
	s1 =	sadd.s32 s1, s30  }
0xc9: {  	s0 =	sor.u32 s4, s0;
	s1 =	sshll.u32 s1, $0x11  }
0xca: {  	s0 =	sor.u32 s1, s0  }
0xcb: {  	s0 =	sadd.s32 $0x8F2B, s0  }
0xcc: {  	[sflag:s0] =	ssyncadd.remote.s32 $0x1  }
0xcd: {  	_ =	sfence.sel $0xFFFF  }
0xce: {  	[dreg:$0x0] =	wrdreg $0xFFFFFFFF;
	(pc) =	sbr.abs _section_cstart, $3  }
0xcf: {  	[dreg:$0x1] =	wrdreg $0xFFFFFFFF  }
0xd0: {  	_ =	task.clear_ibuf [dreg:s22], $0x2FFFF;
	_ =	strace $0x9FFFFFFF  }
0xd1: {  	(tm) =	ssettm $0x7FFFFFFF  }
tec
execute0_lowered:
.L_overlay_start_1:
0x0: {  	(tag) =	ssettag $0x1  }
0x1: {  	s0 =	rddreg [dreg:$0x0]  }
0x2: {  	s2 =	rddreg [dreg:$0x1]  }
0x3: {  	s3 =	simm.s32 $0x0;
	s1 =	stileid.u32;
	s5 =	srdreg.scid  }
0x4: {  	s28 =	simm.s32 $0x0;
	[smem:$0x7FF] =	sst s3;
	s15 =	smul.u32 $0x14000, s1  }
0x5: {  	s4 =	sadd.s32 $0x144800, s0;
	s22 =	sand.u32 $0x1, s5;
	s5 =	sadd.s32 $0x5AE800, s0  }
0x6: {  	s9 =	sshll.u32 s1, $0x1;
	s10 =	smul.u32 $0x50000, s1;
	s21 =	sshll.u32 s1, $0x6  }
0x7: {  	s29 =	sshll.u32 s1, $0x8;
	s31 =	sshll.u32 s1, $0xC;
	_ =	strace $0x80000050  }
0x8: {  	s17 =	ssub.s32 $0x2, s22;
	s20 =	sor.u32 s22, s9;
	s16 =	smul.u32 $0x140000, s22  }
0x9: {  	s30 =	sshll.u32 s22, $0x7;
	s22 =	sshll.u32 s22, $0xB;
	s6 =	sshrl.u32 s15, $0x3  }
0xa: {  	s8 =	sshrl.u32 s17, $0x1;
	s18 =	sshrl.u32 s10, $0x2;
	s9 =	sshll.u32 s20, $0x7  }
0xb: {  	s11 =	sadd.s32 $0x4000, s15;
	s13 =	sadd.s32 $0x8000, s15;
	s26 =	ssub.s32 $0x290, s20  }
0xc: {  	s22 =	sor.u32 s22, s31;
	s7 =	sadd.s32 s6, s0;
	s0 =	sadd.s32 $0x5B1000, s0  }
0xd: {  	s19 =	ssub.s32 s17, s8;
	s6 =	sadd.s32 s18, s2;
	s8 =	sor.u32 $0x1C01, s21  }
0xe: {  	s23 =	sadd.s32 s15, s16;
	s9 =	sand.u32 $0x380, s9;
	s12 =	sadd.s32 s16, s11  }
0xf: {  	s11 =	sadd.s32 s11, s2;
	s14 =	sadd.s32 s16, s13;
	s13 =	sadd.s32 s13, s2  }
0x10: {  	s17 =	sadd.s32 $0xC000, s15;
	s21 =	sadd.s32 $0x10000, s15;
	s20 =	sshrl.u32 s26, $0x5  }
0x11: {  	s26 =	simm.s32 $0x80;
	s7 =	sadd.s32 $0xCC800, s7;
	s10 =	sshrl.u32 s23, $0x3  }
0x12: {  	s12 =	sshrl.u32 s12, $0x3;
	s14 =	sshrl.u32 s14, $0x3;
	s18 =	sadd.s32 s16, s17  }
0x13: {  	s15 =	sadd.s32 s17, s2;
	s25 =	sadd.s32 s16, s21;
	s17 =	sadd.s32 s21, s2  }
0x14: {  	s19 =	smax.u32 s19, $0x1;
	s21 =	sor.u32 s30, s29;
	s23 =	simm.s32 $0x1  }
0x15: {  	s10 =	sadd.s32 s0, s10;
	s12 =	sadd.s32 s0, s12;
	s14 =	sadd.s32 s0, s14  }
0x16: {  	s24 =	sshrl.u32 s18, $0x3;
	s18 =	sshrl.u32 s25, $0x3;
	s25 =	simm.s32 $0x14080  }
0x17: {  	s16 =	sadd.s32 s0, s24;
	s18 =	sadd.s32 s0, s18;
	s24 =	simm.s32 $0x14000  }
.LBB2_1:
0x18: {  	s0 =	sshrl.u32 s6, $0x3;
	p1 =	sne.s32 s20, $0x1  }
0x19: {  	[spmem:s0], [sflag:s8] =	dma.local [hbm:s7], $0x2800  }
.Ltmp0:
0x1a: {  	_ =	swait.ge [sflag:s23], $0x2800;
	(pc) =	sbr.rel @!p1 .LBB2_2-.Ltmp0, $4  }
0x1b: {  	[sflag:s23] =	ssyncset.done $0x0  }
0x1c: {  	s31 =	sand.u32 $0xFFFFFC00, s21;
	[sflag:s23] =	ssyncadd.s32 $0xFFFFD800  }
0x1d: {  	s0 =	sor.u32 s9, s31;
	[bflag:$0x0] =	sbarrier.arrive $0xFFFF  }
0x1e: {  	s30 =	sadd.s32 $0xFFFFFFFF, s20;
	p0 =	por $0x0, $0x0;
	s0 =	sshrl.u32 s0, $0x3  }
0x1f: {  	s0 =	sadd.s32 s5, s0  }
0x20: {  	[tilespmem:s24], [sflag:$0x1] =	stream.linear.gather [hbm4b:s0+s3], $0x80, $0x38;
	[tilespmem:$0x18080] =	vst v63  }
0x21: {  	_ =	swait.ge [sflag:s23], $0x80  }
0x22: {  	s0 =	sand.u32 $0x1FFFF800, s22;
	[sflag:s23] =	ssyncset.done $0x0  }
0x23: {  	s0 =	sadd.s32 s4, s0;
	[sflag:s23] =	ssyncadd.s32 $0xFFFFFF80  }
0x24: {  	[tilespmem:s25], [sflag:$0x1] =	stream.linear.gather [hbm4b:s0+s3], $0x4000, $0x38;
	[tilespmem:$0x18080] =	vst v63  }
0x25: {  	p1 =	sne.s32 s30, $0x1;
	_ =	swait.ge [sflag:s23], $0x4000  }
.Ltmp1:
0x26: {  	s29 =	sadd.s32 $0x1000, s21;
	[sflag:s23] =	ssyncset.done $0x0;
	(pc) =	sbr.rel @!p1 .LBB2_4-.Ltmp1, $4  }
0x27: {  	s31 =	sadd.s32 $0xFFFFFFFF, s30;
	s0 =	sand.u32 $0xFFFFFC00, s29;
	[sflag:s23] =	ssyncadd.s32 $0xFFFFC000  }
0x28: {  	[spmem:s2] =	stream.indirect.scatter.add.f32 [tilespmem:s25], [sflag:$0x1], $0x80, s24, s26, $0xb8;
	[tilespmem:$0x18080] =	vst v63  }
0x29: {  	p0 =	por $0x1, $0x1;
	s0 =	sor.u32 s9, s0;
	_ =	swait.ge [sflag:s23], $0x4000  }
0x2a: {  	s30 =	smov.u32 s22;
	s0 =	sshrl.u32 s0, $0x3;
	[sflag:s23] =	ssyncset.done $0x0  }
.LBB2_5:
0x2b: {  	s0 =	sadd.s32 s5, s0;
	[sflag:s23] =	ssyncadd.s32 $0xFFFFC000;
	s30 =	sadd.s32 $0x10000, s30  }
0x2c: {  	[tilespmem:s24], [sflag:$0x1] =	stream.linear.gather [hbm4b:s0+s3], $0x80, $0x38;
	[tilespmem:$0x18080] =	vst v63  }
0x2d: {  	p1 =	sne.s32 s31, $0x1;
	s31 =	sadd.s32 $0xFFFFFFFF, s31;
	_ =	swait.ge [sflag:s23], $0x80  }
0x2e: {  	s0 =	sand.u32 $0x1FFFF800, s30;
	[sflag:s23] =	ssyncset.done $0x0  }
0x2f: {  	s0 =	sadd.s32 s4, s0;
	[sflag:s23] =	ssyncadd.s32 $0xFFFFFF80  }
0x30: {  	[tilespmem:s25], [sflag:$0x1] =	stream.linear.gather [hbm4b:s0+s3], $0x4000, $0x38;
	[tilespmem:$0x18080] =	vst v63  }
0x31: {  	_ =	swait.ge [sflag:s23], $0x4000  }
.Ltmp2:
0x32: {  	s29 =	sadd.s32 $0x1000, s29;
	[sflag:s23] =	ssyncset.done $0x0;
	(pc) =	sbr.rel @p1 .LBB2_5-.Ltmp2, $4  }
0x33: {  	s0 =	sand.u32 $0xFFFFFC00, s29;
	[sflag:s23] =	ssyncadd.s32 $0xFFFFC000  }
0x34: {  	[spmem:s2] =	stream.indirect.scatter.add.f32 [tilespmem:s25], [sflag:$0x1], $0x80, s24, s26, $0xb8;
	[tilespmem:$0x18080] =	vst v63  }
0x35: {  	s0 =	sor.u32 s9, s0;
	_ =	swait.ge [sflag:s23], $0x4000  }
0x36: {  	s0 =	sshrl.u32 s0, $0x3;
	[sflag:s23] =	ssyncset.done $0x0  }
.LBB2_6:
0x37: {  	s0 =	sadd.s32 s5, s0;
	[sflag:s23] =	ssyncadd.s32 @p0 $0xFFFFC000  }
0x38: {  	[tilespmem:s24], [sflag:$0x1] =	stream.linear.gather [hbm4b:s0+s3], $0x80, $0x38;
	[tilespmem:$0x18080] =	vst v63  }
0x39: {  	s29 =	sadd.s32 @p0 $0x10000, s30;
	s0 =	smov.u32 s22  }
0x3a: {  	_ =	swait.ge [sflag:s23], $0x80;
	s0 =	smov.u32 @p0 s29  }
0x3b: {  	[sflag:s23] =	ssyncset.done $0x0;
	s0 =	sand.u32 $0x1FFFF800, s0  }
0x3c: {  	[sflag:s23] =	ssyncadd.s32 $0xFFFFFF80;
	s0 =	sadd.s32 s4, s0  }
0x3d: {  	[tilespmem:s25], [sflag:$0x1] =	stream.linear.gather [hbm4b:s0+s3], $0x4000, $0x38;
	[tilespmem:$0x18080] =	vst v63  }
0x3e: {  	_ =	swait.ge [sflag:s23], $0x4000  }
0x3f: {  	[sflag:s23] =	ssyncset.done $0x0  }
0x40: {  	[sflag:s23] =	ssyncadd.s32 $0xFFFFC000  }
0x41: {  	[spmem:s2] =	stream.indirect.scatter.add.f32 [tilespmem:s25], [sflag:$0x1], $0x80, s24, s26, $0xb8;
	[tilespmem:$0x18080] =	vst v63  }
0x42: {  	_ =	swait.ge [sflag:s23], $0x4000  }
0x43: {  	[sflag:s23] =	ssyncset.done $0x0  }
0x44: {  	[sflag:s23] =	ssyncadd.s32 $0xFFFFC000  }
0x45: {  	[bflag:$0x0] =	sbarrier.arrive $0xFFFF  }
0x46: {  	[tilespmem:s25], [sflag:$0x1] =	stream.linear.gather [spmem:s6], $0x4000, $0x38;
	[tilespmem:$0x18080] =	vst v63  }
0x47: {  	_ =	swait.ge [sflag:s23], $0x4000  }
0x48: {  	[sflag:s23] =	ssyncset.done $0x0  }
0x49: {  	[sflag:s23] =	ssyncadd.s32 $0xFFFFC000  }
0x4a: {  	[hbm4b:s10+s3] =	stream.linear.scatter [tilespmem:s25], [sflag:$0x1], $0x4000, $0x38;
	[tilespmem:$0x18080] =	vst v63  }
0x4b: {  	_ =	swait.ge [sflag:s23], $0x4000  }
0x4c: {  	[sflag:s23] =	ssyncset.done $0x0  }
0x4d: {  	[sflag:s23] =	ssyncadd.s32 $0xFFFFC000  }
0x4e: {  	[tilespmem:s25], [sflag:$0x1] =	stream.linear.gather [spmem:s11], $0x4000, $0x38;
	[tilespmem:$0x18080] =	vst v63  }
0x4f: {  	_ =	swait.ge [sflag:s23], $0x4000  }
0x50: {  	[sflag:s23] =	ssyncset.done $0x0  }
0x51: {  	[sflag:s23] =	ssyncadd.s32 $0xFFFFC000  }
0x52: {  	[hbm4b:s12+s3] =	stream.linear.scatter [tilespmem:s25], [sflag:$0x1], $0x4000, $0x38;
	[tilespmem:$0x18080] =	vst v63  }
0x53: {  	_ =	swait.ge [sflag:s23], $0x4000  }
0x54: {  	[sflag:s23] =	ssyncset.done $0x0  }
0x55: {  	[sflag:s23] =	ssyncadd.s32 $0xFFFFC000  }
0x56: {  	[tilespmem:s25], [sflag:$0x1] =	stream.linear.gather [spmem:s13], $0x4000, $0x38;
	[tilespmem:$0x18080] =	vst v63  }
0x57: {  	_ =	swait.ge [sflag:s23], $0x4000  }
0x58: {  	[sflag:s23] =	ssyncset.done $0x0  }
0x59: {  	[sflag:s23] =	ssyncadd.s32 $0xFFFFC000  }
0x5a: {  	[hbm4b:s14+s3] =	stream.linear.scatter [tilespmem:s25], [sflag:$0x1], $0x4000, $0x38;
	[tilespmem:$0x18080] =	vst v63  }
0x5b: {  	_ =	swait.ge [sflag:s23], $0x4000  }
0x5c: {  	[sflag:s23] =	ssyncset.done $0x0  }
0x5d: {  	[sflag:s23] =	ssyncadd.s32 $0xFFFFC000  }
0x5e: {  	[tilespmem:s25], [sflag:$0x1] =	stream.linear.gather [spmem:s15], $0x4000, $0x38;
	[tilespmem:$0x18080] =	vst v63  }
0x5f: {  	_ =	swait.ge [sflag:s23], $0x4000  }
0x60: {  	[sflag:s23] =	ssyncset.done $0x0  }
0x61: {  	[sflag:s23] =	ssyncadd.s32 $0xFFFFC000  }
0x62: {  	[hbm4b:s16+s3] =	stream.linear.scatter [tilespmem:s25], [sflag:$0x1], $0x4000, $0x38;
	[tilespmem:$0x18080] =	vst v63  }
0x63: {  	_ =	swait.ge [sflag:s23], $0x4000  }
0x64: {  	[sflag:s23] =	ssyncset.done $0x0  }
0x65: {  	[sflag:s23] =	ssyncadd.s32 $0xFFFFC000  }
0x66: {  	[tilespmem:s25], [sflag:$0x1] =	stream.linear.gather [spmem:s17], $0x4000, $0x38;
	[tilespmem:$0x18080] =	vst v63  }
0x67: {  	_ =	swait.ge [sflag:s23], $0x4000  }
0x68: {  	s28 =	sadd.s32 $0x1, s28;
	[sflag:s23] =	ssyncset.done $0x0  }
0x69: {  	p0 =	sne.s32 s28, s19;
	[sflag:s23] =	ssyncadd.s32 $0xFFFFC000  }
0x6a: {  	[hbm4b:s18+s3] =	stream.linear.scatter [tilespmem:s25], [sflag:$0x1], $0x4000, $0x38;
	[tilespmem:$0x18080] =	vst v63  }
.Ltmp3:
0x6b: {  	_ = 	snop;
	(pc) =	sbr.rel @p0 .LBB2_1-.Ltmp3, $4  }
.Ltmp4:
0x6c: {  	_ = 	snop;
	(pc) =	sbr.rel @!p0 .LBB2_7-.Ltmp4, $4  }
0x6d: {  	_ =	swait.ge [sflag:s23], $0x4000  }
0x6e: {  	[sflag:s23] =	ssyncset.done $0x0  }
0x6f: {  	[sflag:s23] =	ssyncadd.s32 $0xFFFFC000  }
0x70: {  	_ = 	snop  }
.LBB2_2:
.Ltmp5:
0x71: {  	(pc) =	sbr.rel .LBB2_6-.Ltmp5, $2  }
0x72: {  	_ =	sdelay $0x2  }
0x73: {  	s30 =	smov.u32 s22  }
.LBB2_4:
.Ltmp6:
0x74: {  	(pc) =	sbr.rel .LBB2_6-.Ltmp6, $2  }
0x75: {  	_ =	sdelay $0x2  }
0x76: {  	s30 =	smov.u32 s22  }
.LBB2_7:
0x77: {  	_ =	sfence.sel $0x180000  }
0x78: {  	[bflag:$0x0] =	sbarrier.arrive $0xFFFF  }
0x79: {  	_ =	strace $0x90000050  }
0x7a: {  	[bflag:$0x2] =	sbarrier.arrive $0xFFFF  }
0x7b: {  	p0 =	sne.s32 s1, $0x0;
	s0 =	rddreg [dreg:$0x2]  }
0x7c: {  	s0 =	sadd.s32 @!p0 $0x100000, s0  }
0x7d: {  	[sflag:s0] =	ssyncadd.tile.s32 @!p0 $0x1;
	_ =	shalt  }
.Lfunc_end2:
_tile_overlayer_lowered:
.L_overlay_start_2:
0x7e: {  	(tag) =	ssettag $0x2  }
0x7f: {  	s0 =	rddreg [dreg:$0x0];
	s2 =	stileid.u32  }
0x80: {  	s1 =	rddreg [dreg:$0x1];
	p0 =	sne.s32 s2, $0x0  }
0x81: {  	s3 =	rddreg [dreg:$0x2];
	[bflag:$0x3] =	sbarrier.arrive $0xFFFF;
	s2 =	simm.s32 @!p0 $0x1C01  }
0x82: {  	[timem:s3], [sflag:s2] =	dma.local @!p0 [hbm:s0], s1  }
0x83: {  	s0 =	simm.s32 @!p0 $0x1  }
0x84: {  	_ =	swait.ge @!p0 [sflag:s0], s1  }
0x85: {  	s1 =	ssub.s32 @!p0 $0x0, s1;
	[sflag:s0] =	ssyncset.done @!p0 $0x0  }
0x86: {  	[sflag:s0] =	ssyncadd.s32 @!p0 s1  }
0x87: {  	[bflag:$0x3] =	sbarrier.arrive $0xFFFF  }
0x88: {  	_ =	shalt  }

</sc_bundles>
